<compile_context>
chip_gen: v7x
topology: tpu7x:2x2x1
jax: 0.10.2.dev20260603
libtpu: 0.0.44.dev20260713+nightly
codegen_flags: <defaults>
</compile_context>

<pallas_src>
import functools

import jax
import jax.numpy as jnp
from jax import lax
from jax.experimental import pallas as pl
from jax.experimental.pallas import tpu as pltpu
from jax.experimental.pallas import tpu_sc as plsc

N = 10000
NP = 10240
E = 320000
D = 128
NC = 2
NS = 16
NW = NC * NS
RPW = D // NW
PRPW = RPW // 2
EPW = E // NW
CHUNK = 3200
NCHUNK = E // CHUNK
GROUPS = CHUNK // 16
BLK = 1024


def _unpack_edges(ev):
    e16 = plsc.bitcast(ev, jnp.int16)
    sv, dv = plsc.unpack(e16, format=plsc.PackFormat.INTERLEAVED,
                         preferred_element_type=jnp.int32)
    return sv, dv


def _sc_agg_body(with_counts, *refs):
    if with_counts:
        (yt, edges, aggt, cpart,
         yv, accv, ev, cntv, cev,
         sem0, sem1, sem_y) = refs
    else:
        (yt, edges, aggt,
         yv, accv, ev,
         sem0, sem1, sem_y) = refs
    sems = (sem0, sem1)
    wid = lax.axis_index("s") * NC + lax.axis_index("c")

    for b in (0, 1):
        pltpu.async_copy(edges.at[pl.ds(b * CHUNK, CHUNK)], ev.at[b], sems[b])

    for r in range(PRPW):
        pltpu.async_copy(yt.at[PRPW * wid + r], yv.at[pl.ds(r * NP, NP)], sem_y)

    zf = jnp.zeros((16,), jnp.float32)

    @plsc.parallel_loop(0, (RPW * NP) // 16, unroll=8)
    def zbody(i):
        accv[pl.ds(i * 16, 16)] = zf

    for r in range(PRPW):
        pltpu.make_async_copy(yt.at[PRPW * wid + r],
                              yv.at[pl.ds(r * NP, NP)], sem_y).wait()

    def process(b):
        @plsc.parallel_loop(0, GROUPS, unroll=4)
        def gbody(g):
            sv, dv = _unpack_edges(ev[b, pl.ds(g * 16, 16)])
            for r in range(PRPW):
                pv = plsc.load_gather(yv, [sv + (r * NP)])
                lo, hi = plsc.unpack(plsc.bitcast(pv, jnp.bfloat16),
                                     format=plsc.PackFormat.INTERLEAVED)
                plsc.addupdate_scatter(accv, [dv + (2 * r * NP)], lo)
                plsc.addupdate_scatter(accv, [dv + ((2 * r + 1) * NP)], hi)

    def pair(p, _):
        for b in (0, 1):
            c = 2 * p + b
            pltpu.make_async_copy(edges.at[pl.ds(0, CHUNK)], ev.at[b], sems[b]).wait()
            process(b)

            @pl.when(c + 2 < NCHUNK)
            def _():
                off = (c + 2) * CHUNK
                pltpu.async_copy(edges.at[pl.ds(off, CHUNK)], ev.at[b], sems[b])

        return 0

    lax.fori_loop(0, NCHUNK // 2, pair, 0)

    for r in range(RPW):
        pltpu.async_copy(accv.at[pl.ds(r * NP, NP)], aggt.at[RPW * wid + r],
                         sem_y)

    if with_counts:
        pltpu.sync_copy(edges.at[pl.ds(EPW * wid, EPW)], cev)

        @plsc.parallel_loop(0, NP // 16, unroll=8)
        def czero(i):
            cntv[pl.ds(i * 16, 16)] = zf

        ones = jnp.full((16,), 1.0, jnp.float32)

        @plsc.parallel_loop(0, EPW // 16, unroll=4)
        def cbody(g):
            _, dv = _unpack_edges(cev[pl.ds(g * 16, 16)])
            plsc.addupdate_scatter(cntv, [dv], ones)

        pltpu.sync_copy(cntv, cpart.at[wid])

    for r in range(RPW):
        pltpu.make_async_copy(accv.at[pl.ds(r * NP, NP)],
                              aggt.at[RPW * wid + r], sem_y).wait()


def _make_sc_agg(with_counts):
    mesh = plsc.VectorSubcoreMesh(core_axis_name="c", subcore_axis_name="s")
    if with_counts:
        out_type = (jax.ShapeDtypeStruct((D, NP), jnp.float32),
                    jax.ShapeDtypeStruct((NW, NP), jnp.float32))
    else:
        out_type = jax.ShapeDtypeStruct((D, NP), jnp.float32)
    scratch = [
        pltpu.VMEM((PRPW * NP,), jnp.int32),
        pltpu.VMEM((RPW * NP,), jnp.float32),
        pltpu.VMEM((2, CHUNK), jnp.int32),
    ]
    if with_counts:
        scratch.append(pltpu.VMEM((NP,), jnp.float32))
        scratch.append(pltpu.VMEM((EPW,), jnp.int32))
    scratch += [pltpu.SemaphoreType.DMA] * 3
    return pl.kernel(
        functools.partial(_sc_agg_body, with_counts),
        mesh=mesh,
        out_type=out_type,
        scratch_types=scratch,
        compiler_params=pltpu.CompilerParams(needs_layout_passes=False),
    )


_sc_agg_counts = _make_sc_agg(True)
_sc_agg = _make_sc_agg(False)


def _pack_block(y):
    u = lax.bitcast_convert_type(y.astype(jnp.bfloat16),
                                 jnp.uint16).astype(jnp.uint32)
    ur = u.reshape(D // 2, 2, u.shape[-1])
    w = ur[:, 0, :] | (ur[:, 1, :] << 16)
    return lax.bitcast_convert_type(w, jnp.int32)


EBLK = E // (NP // BLK)


def _pre_body(wl_ref, x_ref, e_ref, o_ref, eo_ref):
    dn = (((1,), (1,)), ((), ()))
    y = lax.dot_general(wl_ref[...], x_ref[...], dn,
                        preferred_element_type=jnp.float32)
    o_ref[...] = _pack_block(y)
    ei = e_ref[...]
    eo_ref[...] = ei[0:1, :] | (ei[1:2, :] << 16)


def _pre(W_l, x, edge_index):
    return pl.pallas_call(
        _pre_body,
        grid=(NP // BLK,),
        in_specs=[
            pl.BlockSpec((D, D), lambda i: (0, 0)),
            pl.BlockSpec((BLK, D), lambda i: (i, 0)),
            pl.BlockSpec((2, EBLK), lambda i: (0, i)),
        ],
        out_specs=[
            pl.BlockSpec((D // 2, BLK), lambda i: (0, i)),
            pl.BlockSpec((1, EBLK), lambda i: (0, i)),
        ],
        out_shape=[
            jax.ShapeDtypeStruct((D // 2, NP), jnp.int32),
            jax.ShapeDtypeStruct((1, E), jnp.int32),
        ],
    )(W_l, x, edge_index)


def _eye():
    r = lax.broadcasted_iota(jnp.int32, (D, D), 0)
    c = lax.broadcasted_iota(jnp.int32, (D, D), 1)
    return (r == c).astype(jnp.float32)


def _mid_body(agg_ref, cp_ref, x_ref, wr_ref, b_ref, w2l_ref, h_ref, y2_ref):
    cnt = jnp.sum(cp_ref[...], axis=0, keepdims=True)
    inv = 1.0 / jnp.maximum(cnt, 1.0)
    t = agg_ref[...] * inv
    dn0 = (((0,), (0,)), ((), ()))
    dn1 = (((1,), (1,)), ((), ()))
    mean = lax.dot_general(t, _eye(), dn0, preferred_element_type=jnp.float32)
    h = mean + lax.dot_general(x_ref[...], wr_ref[...], dn1,
                               preferred_element_type=jnp.float32)
    h = jnp.maximum(h + b_ref[...], 0.0)
    h_ref[...] = h
    y2 = lax.dot_general(w2l_ref[...], h, dn1,
                         preferred_element_type=jnp.float32)
    y2_ref[...] = _pack_block(y2)


def _mid(aggT, cpart, x, W_r, b, W2_l):
    return pl.pallas_call(
        _mid_body,
        grid=(NP // BLK,),
        in_specs=[
            pl.BlockSpec((D, BLK), lambda i: (0, i)),
            pl.BlockSpec((NW, BLK), lambda i: (0, i)),
            pl.BlockSpec((BLK, D), lambda i: (i, 0)),
            pl.BlockSpec((D, D), lambda i: (0, 0)),
            pl.BlockSpec((1, D), lambda i: (0, 0)),
            pl.BlockSpec((D, D), lambda i: (0, 0)),
        ],
        out_specs=[
            pl.BlockSpec((BLK, D), lambda i: (i, 0)),
            pl.BlockSpec((D // 2, BLK), lambda i: (0, i)),
        ],
        out_shape=[
            jax.ShapeDtypeStruct((N, D), jnp.float32),
            jax.ShapeDtypeStruct((D // 2, NP), jnp.int32),
        ],
    )(aggT, cpart, x, W_r, b.reshape(1, D), W2_l)


def _post_body(agg_ref, cp_ref, x_ref, wr_ref, b_ref, o_ref):
    cnt = jnp.sum(cp_ref[...], axis=0, keepdims=True)
    inv = 1.0 / jnp.maximum(cnt, 1.0)
    t = agg_ref[...] * inv
    dn0 = (((0,), (0,)), ((), ()))
    dn1 = (((1,), (1,)), ((), ()))
    mean = lax.dot_general(t, _eye(), dn0, preferred_element_type=jnp.float32)
    h = mean + lax.dot_general(x_ref[...], wr_ref[...], dn1,
                               preferred_element_type=jnp.float32)
    o_ref[...] = jnp.maximum(h + b_ref[...], 0.0)


def _post(aggT, cpart, h1, W_r, b):
    return pl.pallas_call(
        _post_body,
        grid=(NP // BLK,),
        in_specs=[
            pl.BlockSpec((D, BLK), lambda i: (0, i)),
            pl.BlockSpec((NW, BLK), lambda i: (0, i)),
            pl.BlockSpec((BLK, D), lambda i: (i, 0)),
            pl.BlockSpec((D, D), lambda i: (0, 0)),
            pl.BlockSpec((1, D), lambda i: (0, 0)),
        ],
        out_specs=pl.BlockSpec((BLK, D), lambda i: (i, 0)),
        out_shape=jax.ShapeDtypeStruct((N, D), jnp.float32),
    )(aggT, cpart, h1, W_r, b.reshape(1, D))


def kernel(x, edge_index, W1_l, b1_l, W1_r, W2_l, b2_l, W2_r):
    y1p, edges2d = _pre(W1_l, x, edge_index.astype(jnp.int32))
    edges = edges2d.reshape(E)
    agg1T, cpart = _sc_agg_counts(y1p, edges)
    h1, y2p = _mid(agg1T, cpart, x, W1_r, b1_l, W2_l)
    agg2T = _sc_agg(y2p, edges)
    return _post(agg2T, cpart, h1, W2_r, b2_l)

# --- scband reference (transcript-rebuilt; emitter-appended) ---
"""Pipeline reference for scband-policy-network-17549236371850 (READ-ONLY COPY).

The authoritative reference and input builder live on the scoring server;
editing this copy changes nothing except your own understanding.
"""

import jax, jax.numpy as jnp
import numpy as np

N_NODES = 10000
N_EDGES = 320000
IN_DIM = 128
HIDDEN = 128


def _sage_conv(x, src, dst, W_l, b_l, W_r, num_nodes):
    # PyG SAGEConv with mean aggregation:
    #   out = lin_l(mean_{j in N(i)} x_j) + lin_r(x_i)
    msgs = jnp.take(x, src, axis=0)
    summed = jax.ops.segment_sum(msgs, dst, num_segments=num_nodes)
    counts = jax.ops.segment_sum(jnp.ones((msgs.shape[0],), dtype=x.dtype), dst, num_segments=num_nodes)
    mean = summed / jnp.clip(counts, 1.0, None)[:, None]
    return mean @ W_l.T + b_l + x @ W_r.T


def setup_inputs(seed: int = 0) -> dict:
    key = jax.random.key(seed)
    k_x, k_e, k1, k2, k3, k4, k5 = jax.random.split(key, 7)
    x = jax.random.normal(k_x, (N_NODES, IN_DIM), dtype=jnp.float32)
    edge_index = jax.random.randint(k_e, (2, N_EDGES), 0, N_NODES, dtype=jnp.int64)
    s1 = 1.0 / np.sqrt(IN_DIM)
    s2 = 1.0 / np.sqrt(HIDDEN)
    W1_l = jax.random.uniform(k1, (HIDDEN, IN_DIM), minval=-s1, maxval=s1, dtype=jnp.float32)
    b1_l = jnp.zeros((HIDDEN,), dtype=jnp.float32)
    W1_r = jax.random.uniform(k2, (HIDDEN, IN_DIM), minval=-s1, maxval=s1, dtype=jnp.float32)
    W2_l = jax.random.uniform(k3, (HIDDEN, HIDDEN), minval=-s2, maxval=s2, dtype=jnp.float32)
    b2_l = jnp.zeros((HIDDEN,), dtype=jnp.float32)
    W2_r = jax.random.uniform(k4, (HIDDEN, HIDDEN), minval=-s2, maxval=s2, dtype=jnp.float32)
    return {"x": x, "edge_index": edge_index, "W1_l": W1_l, "b1_l": b1_l, "W1_r": W1_r,
            "W2_l": W2_l, "b2_l": b2_l, "W2_r": W2_r}


def reference(x, edge_index, W1_l, b1_l, W1_r, W2_l, b2_l, W2_r):
    src = edge_index[0]
    dst = edge_index[1]
    h = _sage_conv(x, src, dst, W1_l, b1_l, W1_r, N_NODES)
    h = jax.nn.relu(h)
    h = _sage_conv(h, src, dst, W2_l, b2_l, W2_r, N_NODES)
    h = jax.nn.relu(h)
    return h

if __name__ == "__main__":
    import jax
    _d = setup_inputs()
    print(jax.jit(kernel)(*tuple(_d.values())))

</pallas_src>

<mosaic_0001>
#map = affine_map<(d0, d1) -> (0, 0)>
#map1 = affine_map<(d0, d1) -> (0)>
module attributes {stable_mosaic.version = 14 : i64} {
  func.func @_sc_agg_body(%arg0: i32, %arg1: i32, %arg2: memref<64x10240xi32, #tpu.memory_space<hbm>>, %arg3: memref<320000xi32, #tpu.memory_space<hbm>>, %arg4: memref<128x10240xf32, #tpu.memory_space<hbm>>, %arg5: memref<32x10240xf32, #tpu.memory_space<hbm>>, %arg6: memref<20480xi32, #tpu.memory_space<vmem>>, %arg7: memref<40960xf32, #tpu.memory_space<vmem>>, %arg8: memref<2x3200xi32, #tpu.memory_space<vmem>>, %arg9: memref<10240xf32, #tpu.memory_space<vmem>>, %arg10: memref<10000xi32, #tpu.memory_space<vmem>>, %arg11: memref<!tpu.dma_semaphore, #tpu.memory_space<semaphore_mem>>, %arg12: memref<!tpu.dma_semaphore, #tpu.memory_space<semaphore_mem>>, %arg13: memref<!tpu.dma_semaphore, #tpu.memory_space<semaphore_mem>>) attributes {dimension_semantics = [#tpu.dimension_semantics<core_parallel>, #tpu.dimension_semantics<subcore_parallel>], iteration_bounds = array<i64: 2, 16>, scalar_prefetch = 0 : i64, scratch_operands = 8 : i64, tpu.core_type = #tpu.core_type<sc_vector_subcore>, window_params = [{transform_indices = #map}, {transform_indices = #map1}, {transform_indices = #map}, {transform_indices = #map}]} {
    %mul3A = arith.constant 2 : i32
    %mul3A_0 = arith.muli %arg1, %mul3A : i32
    %add3A = arith.addi %mul3A_0, %arg0 : i32
    %dma_start3A = arith.constant 0 : i32
    %dma_start3A_1 = arith.constant 0 : i32
    %dma_start3A_2 = tpu.memref_slice %arg8[%dma_start3A, %dma_start3A_1] : memref<2x3200xi32, #tpu.memory_space<vmem>> -> memref<1x3200xi32, #tpu.memory_space<vmem>>
    %dma_start3A_3 = tpu.memref_squeeze %dma_start3A_2 : memref<1x3200xi32, #tpu.memory_space<vmem>> -> memref<3200xi32, #tpu.memory_space<vmem>>
    %dma_start3A_4 = arith.constant 0 : i32
    %dma_start3A_5 = tpu.memref_slice %arg3[%dma_start3A_4] : memref<320000xi32, #tpu.memory_space<hbm>> -> memref<3200xi32, #tpu.memory_space<hbm>>
    %dma_start3A_6 = arith.constant 0 : i32
    %dma_start3A_7 = tpu.memref_slice %arg8[%dma_start3A, %dma_start3A_6] : memref<2x3200xi32, #tpu.memory_space<vmem>> -> memref<1x3200xi32, #tpu.memory_space<vmem>>
    %dma_start3A_8 = tpu.memref_squeeze %dma_start3A_7 : memref<1x3200xi32, #tpu.memory_space<vmem>> -> memref<3200xi32, #tpu.memory_space<vmem>>
    %dma_start3A_9 = arith.constant 0 : i32
    %dma_start3A_10 = tpu.memref_slice %arg3[%dma_start3A_9] : memref<320000xi32, #tpu.memory_space<hbm>> -> memref<3200xi32, #tpu.memory_space<hbm>>
    tpu.enqueue_dma source(%dma_start3A_10 : memref<3200xi32, #tpu.memory_space<hbm>>) target(%dma_start3A_8 : memref<3200xi32, #tpu.memory_space<vmem>>) target_semaphore(%arg11 : memref<!tpu.dma_semaphore, #tpu.memory_space<semaphore_mem>>)
    %dma_start3A_11 = arith.constant 1 : i32
    %dma_start3A_12 = arith.constant 0 : i32
    %dma_start3A_13 = tpu.memref_slice %arg8[%dma_start3A_11, %dma_start3A_12] : memref<2x3200xi32, #tpu.memory_space<vmem>> -> memref<1x3200xi32, #tpu.memory_space<vmem>>
    %dma_start3A_14 = tpu.memref_squeeze %dma_start3A_13 : memref<1x3200xi32, #tpu.memory_space<vmem>> -> memref<3200xi32, #tpu.memory_space<vmem>>
    %dma_start3A_15 = arith.constant 3200 : i32
    %dma_start3A_16 = tpu.memref_slice %arg3[%dma_start3A_15] : memref<320000xi32, #tpu.memory_space<hbm>> -> memref<3200xi32, #tpu.memory_space<hbm>>
    %dma_start3A_17 = arith.constant 0 : i32
    %dma_start3A_18 = tpu.memref_slice %arg8[%dma_start3A_11, %dma_start3A_17] : memref<2x3200xi32, #tpu.memory_space<vmem>> -> memref<1x3200xi32, #tpu.memory_space<vmem>>
    %dma_start3A_19 = tpu.memref_squeeze %dma_start3A_18 : memref<1x3200xi32, #tpu.memory_space<vmem>> -> memref<3200xi32, #tpu.memory_space<vmem>>
    %dma_start3A_20 = arith.constant 3200 : i32
    %dma_start3A_21 = tpu.memref_slice %arg3[%dma_start3A_20] : memref<320000xi32, #tpu.memory_space<hbm>> -> memref<3200xi32, #tpu.memory_space<hbm>>
    tpu.enqueue_dma source(%dma_start3A_21 : memref<3200xi32, #tpu.memory_space<hbm>>) target(%dma_start3A_19 : memref<3200xi32, #tpu.memory_space<vmem>>) target_semaphore(%arg12 : memref<!tpu.dma_semaphore, #tpu.memory_space<semaphore_mem>>)
    %mul3A_22 = arith.constant 2 : i32
    %mul3A_23 = arith.muli %mul3A_22, %add3A : i32
    %add3A_24 = arith.constant 0 : i32
    %add3A_25 = arith.addi %mul3A_23, %add3A_24 : i32
    %dma_start3A_26 = arith.constant 0 : i32
    %dma_start3A_27 = tpu.memref_slice %arg6[%dma_start3A_26] : memref<20480xi32, #tpu.memory_space<vmem>> -> memref<10240xi32, #tpu.memory_space<vmem>>
    %dma_start3A_28 = arith.constant 0 : i32
    %dma_start3A_29 = tpu.memref_slice %arg2[%add3A_25, %dma_start3A_28] : memref<64x10240xi32, #tpu.memory_space<hbm>> -> memref<1x10240xi32, #tpu.memory_space<hbm>>
    %dma_start3A_30 = tpu.memref_squeeze %dma_start3A_29 : memref<1x10240xi32, #tpu.memory_space<hbm>> -> memref<10240xi32, #tpu.memory_space<hbm>>
    %dma_start3A_31 = arith.constant 0 : i32
    %dma_start3A_32 = tpu.memref_slice %arg6[%dma_start3A_31] : memref<20480xi32, #tpu.memory_space<vmem>> -> memref<10240xi32, #tpu.memory_space<vmem>>
    %dma_start3A_33 = arith.constant 0 : i32
    %dma_start3A_34 = tpu.memref_slice %arg2[%add3A_25, %dma_start3A_33] : memref<64x10240xi32, #tpu.memory_space<hbm>> -> memref<1x10240xi32, #tpu.memory_space<hbm>>
    %dma_start3A_35 = tpu.memref_squeeze %dma_start3A_34 : memref<1x10240xi32, #tpu.memory_space<hbm>> -> memref<10240xi32, #tpu.memory_space<hbm>>
    tpu.enqueue_dma source(%dma_start3A_35 : memref<10240xi32, #tpu.memory_space<hbm>>) target(%dma_start3A_32 : memref<10240xi32, #tpu.memory_space<vmem>>) target_semaphore(%arg13 : memref<!tpu.dma_semaphore, #tpu.memory_space<semaphore_mem>>)
    %mul3A_36 = arith.constant 2 : i32
    %mul3A_37 = arith.muli %mul3A_36, %add3A : i32
    %add3A_38 = arith.constant 1 : i32
    %add3A_39 = arith.addi %mul3A_37, %add3A_38 : i32
    %dma_start3A_40 = arith.constant 10240 : i32
    %dma_start3A_41 = tpu.memref_slice %arg6[%dma_start3A_40] : memref<20480xi32, #tpu.memory_space<vmem>> -> memref<10240xi32, #tpu.memory_space<vmem>>
    %dma_start3A_42 = arith.constant 0 : i32
    %dma_start3A_43 = tpu.memref_slice %arg2[%add3A_39, %dma_start3A_42] : memref<64x10240xi32, #tpu.memory_space<hbm>> -> memref<1x10240xi32, #tpu.memory_space<hbm>>
    %dma_start3A_44 = tpu.memref_squeeze %dma_start3A_43 : memref<1x10240xi32, #tpu.memory_space<hbm>> -> memref<10240xi32, #tpu.memory_space<hbm>>
    %dma_start3A_45 = arith.constant 10240 : i32
    %dma_start3A_46 = tpu.memref_slice %arg6[%dma_start3A_45] : memref<20480xi32, #tpu.memory_space<vmem>> -> memref<10240xi32, #tpu.memory_space<vmem>>
    %dma_start3A_47 = arith.constant 0 : i32
    %dma_start3A_48 = tpu.memref_slice %arg2[%add3A_39, %dma_start3A_47] : memref<64x10240xi32, #tpu.memory_space<hbm>> -> memref<1x10240xi32, #tpu.memory_space<hbm>>
    %dma_start3A_49 = tpu.memref_squeeze %dma_start3A_48 : memref<1x10240xi32, #tpu.memory_space<hbm>> -> memref<10240xi32, #tpu.memory_space<hbm>>
    tpu.enqueue_dma source(%dma_start3A_49 : memref<10240xi32, #tpu.memory_space<hbm>>) target(%dma_start3A_46 : memref<10240xi32, #tpu.memory_space<vmem>>) target_semaphore(%arg13 : memref<!tpu.dma_semaphore, #tpu.memory_space<semaphore_mem>>)
    %broadcast_in_dim3A = arith.constant 0.000000e+00 : f32
    %broadcast_in_dim3A_50 = vector.broadcast %broadcast_in_dim3A : f32 to vector<16xf32>
    %parallel_loop3A = arith.constant 0 : i32
    %parallel_loop3A_51 = arith.constant 2560 : i32
    %parallel_loop3A_52 = arith.constant 1 : i32
    scf.for %parallel_loop3A_208 = %parallel_loop3A to %parallel_loop3A_51 step %parallel_loop3A_52  : i32 {
      %parallel_loop3A_209 = arith.constant 16 : i32
      %parallel_loop3A_210 = arith.muli %parallel_loop3A_208, %parallel_loop3A_209 : i32
      %parallel_loop3A_211 = arith.index_cast %parallel_loop3A_210 : i32 to index
      %parallel_loop3A_212 = tpu.vector_load %arg7[%parallel_loop3A_211] {strides = array<i32>} : memref<40960xf32, #tpu.memory_space<vmem>>, vector<16xf32>,
      tpu.vector_store %arg7[%parallel_loop3A_211], %broadcast_in_dim3A_50 {strides = array<i32>} : memref<40960xf32, #tpu.memory_space<vmem>>, vector<16xf32>,
    } {sc.loop_unroll_factor = 8 : i64, sc.parallel_access}
    %mul3A_53 = arith.constant 2 : i32
    %mul3A_54 = arith.muli %mul3A_53, %add3A : i32
    %add3A_55 = arith.constant 0 : i32
    %add3A_56 = arith.addi %mul3A_54, %add3A_55 : i32
    %dma_wait3A = arith.constant 0 : i32
    %dma_wait3A_57 = tpu.memref_slice %arg6[%dma_wait3A] : memref<20480xi32, #tpu.memory_space<vmem>> -> memref<10240xi32, #tpu.memory_space<vmem>>
    %dma_wait3A_58 = arith.constant 0 : i32
    %dma_wait3A_59 = tpu.memref_slice %arg2[%add3A_56, %dma_wait3A_58] : memref<64x10240xi32, #tpu.memory_space<hbm>> -> memref<1x10240xi32, #tpu.memory_space<hbm>>
    %dma_wait3A_60 = tpu.memref_squeeze %dma_wait3A_59 : memref<1x10240xi32, #tpu.memory_space<hbm>> -> memref<10240xi32, #tpu.memory_space<hbm>>
    %dma_wait3A_61 = arith.constant 0 : i32
    %dma_wait3A_62 = tpu.memref_slice %arg6[%dma_wait3A_61] : memref<20480xi32, #tpu.memory_space<vmem>> -> memref<10240xi32, #tpu.memory_space<vmem>>
    %dma_wait3A_63 = arith.constant 0 : i32
    %dma_wait3A_64 = tpu.memref_slice %arg2[%add3A_56, %dma_wait3A_63] : memref<64x10240xi32, #tpu.memory_space<hbm>> -> memref<1x10240xi32, #tpu.memory_space<hbm>>
    %dma_wait3A_65 = tpu.memref_squeeze %dma_wait3A_64 : memref<1x10240xi32, #tpu.memory_space<hbm>> -> memref<10240xi32, #tpu.memory_space<hbm>>
    tpu.wait_dma2 semaphore(%arg13 : memref<!tpu.dma_semaphore, #tpu.memory_space<semaphore_mem>>) src(%dma_wait3A_65 : memref<10240xi32, #tpu.memory_space<hbm>>) dst(%dma_wait3A_62 : memref<10240xi32, #tpu.memory_space<vmem>>)
    %mul3A_66 = arith.constant 2 : i32
    %mul3A_67 = arith.muli %mul3A_66, %add3A : i32
    %add3A_68 = arith.constant 1 : i32
    %add3A_69 = arith.addi %mul3A_67, %add3A_68 : i32
    %dma_wait3A_70 = arith.constant 10240 : i32
    %dma_wait3A_71 = tpu.memref_slice %arg6[%dma_wait3A_70] : memref<20480xi32, #tpu.memory_space<vmem>> -> memref<10240xi32, #tpu.memory_space<vmem>>
    %dma_wait3A_72 = arith.constant 0 : i32
    %dma_wait3A_73 = tpu.memref_slice %arg2[%add3A_69, %dma_wait3A_72] : memref<64x10240xi32, #tpu.memory_space<hbm>> -> memref<1x10240xi32, #tpu.memory_space<hbm>>
    %dma_wait3A_74 = tpu.memref_squeeze %dma_wait3A_73 : memref<1x10240xi32, #tpu.memory_space<hbm>> -> memref<10240xi32, #tpu.memory_space<hbm>>
    %dma_wait3A_75 = arith.constant 10240 : i32
    %dma_wait3A_76 = tpu.memref_slice %arg6[%dma_wait3A_75] : memref<20480xi32, #tpu.memory_space<vmem>> -> memref<10240xi32, #tpu.memory_space<vmem>>
    %dma_wait3A_77 = arith.constant 0 : i32
    %dma_wait3A_78 = tpu.memref_slice %arg2[%add3A_69, %dma_wait3A_77] : memref<64x10240xi32, #tpu.memory_space<hbm>> -> memref<1x10240xi32, #tpu.memory_space<hbm>>
    %dma_wait3A_79 = tpu.memref_squeeze %dma_wait3A_78 : memref<1x10240xi32, #tpu.memory_space<hbm>> -> memref<10240xi32, #tpu.memory_space<hbm>>
    tpu.wait_dma2 semaphore(%arg13 : memref<!tpu.dma_semaphore, #tpu.memory_space<semaphore_mem>>) src(%dma_wait3A_79 : memref<10240xi32, #tpu.memory_space<hbm>>) dst(%dma_wait3A_76 : memref<10240xi32, #tpu.memory_space<vmem>>)
    %scan3A = arith.constant 0 : i32
    %scan3A_80 = arith.constant 0 : i32
    %scan3A_81 = arith.constant 50 : i32
    %scan3A_82 = arith.addi %scan3A_80, %scan3A_81 : i32
    %scan3A_83 = arith.constant 1 : i32
    %scan3A_84 = scf.for %scan3A_208 = %scan3A_80 to %scan3A_82 step %scan3A_83 iter_args(%scan3A_209 = %scan3A) -> (i32)  : i32 {
      %mul3A_210 = arith.constant 2 : i32
      %mul3A_211 = arith.muli %mul3A_210, %scan3A_208 : i32
      %add3A_212 = arith.constant 0 : i32
      %add3A_213 = arith.addi %mul3A_211, %add3A_212 : i32
      %dma_wait3A_214 = arith.constant 0 : i32
      %dma_wait3A_215 = arith.constant 0 : i32
      %dma_wait3A_216 = tpu.memref_slice %arg8[%dma_wait3A_214, %dma_wait3A_215] : memref<2x3200xi32, #tpu.memory_space<vmem>> -> memref<1x3200xi32, #tpu.memory_space<vmem>>
      %dma_wait3A_217 = tpu.memref_squeeze %dma_wait3A_216 : memref<1x3200xi32, #tpu.memory_space<vmem>> -> memref<3200xi32, #tpu.memory_space<vmem>>
      %dma_wait3A_218 = arith.constant 0 : i32
      %dma_wait3A_219 = tpu.memref_slice %arg3[%dma_wait3A_218] : memref<320000xi32, #tpu.memory_space<hbm>> -> memref<3200xi32, #tpu.memory_space<hbm>>
      %dma_wait3A_220 = arith.constant 0 : i32
      %dma_wait3A_221 = tpu.memref_slice %arg8[%dma_wait3A_214, %dma_wait3A_220] : memref<2x3200xi32, #tpu.memory_space<vmem>> -> memref<1x3200xi32, #tpu.memory_space<vmem>>
      %dma_wait3A_222 = tpu.memref_squeeze %dma_wait3A_221 : memref<1x3200xi32, #tpu.memory_space<vmem>> -> memref<3200xi32, #tpu.memory_space<vmem>>
      %dma_wait3A_223 = arith.constant 0 : i32
      %dma_wait3A_224 = tpu.memref_slice %arg3[%dma_wait3A_223] : memref<320000xi32, #tpu.memory_space<hbm>> -> memref<3200xi32, #tpu.memory_space<hbm>>
      tpu.wait_dma2 semaphore(%arg11 : memref<!tpu.dma_semaphore, #tpu.memory_space<semaphore_mem>>) src(%dma_wait3A_224 : memref<3200xi32, #tpu.memory_space<hbm>>) dst(%dma_wait3A_222 : memref<3200xi32, #tpu.memory_space<vmem>>)
      %parallel_loop3A_225 = arith.constant 0 : i32
      %parallel_loop3A_226 = arith.constant 200 : i32
      %parallel_loop3A_227 = arith.constant 1 : i32
      scf.for %parallel_loop3A_258 = %parallel_loop3A_225 to %parallel_loop3A_226 step %parallel_loop3A_227  : i32 {
        %parallel_loop3A_259 = arith.constant 16 : i32
        %parallel_loop3A_260 = arith.muli %parallel_loop3A_258, %parallel_loop3A_259 : i32
        %parallel_loop3A_261 = arith.constant 0 : i32
        %parallel_loop3A_262 = arith.index_cast %parallel_loop3A_261 : i32 to index
        %parallel_loop3A_263 = arith.index_cast %parallel_loop3A_260 : i32 to index
        %parallel_loop3A_264 = tpu.vector_load %arg8[%parallel_loop3A_262, %parallel_loop3A_263] {strides = array<i32>} : memref<2x3200xi32, #tpu.memory_space<vmem>>, vector<16xi32>,
        %parallel_loop3A_265 = vector.bitcast %parallel_loop3A_264 : vector<16xi32> to vector<32xi16>
        %parallel_loop3A_266 = tpu.unpack_subelements %parallel_loop3A_265, 0 {pack_format = #tpu.pack_format<interleaved>} : vector<32xi16> -> vector<16xi32>
        %parallel_loop3A_267 = tpu.unpack_subelements %parallel_loop3A_265, 1 {pack_format = #tpu.pack_format<interleaved>} : vector<32xi16> -> vector<16xi32>
        %parallel_loop3A_268 = arith.constant 0 : i32
        %parallel_loop3A_269 = vector.broadcast %parallel_loop3A_268 : i32 to vector<16xi32>
        %parallel_loop3A_270 = arith.addi %parallel_loop3A_266, %parallel_loop3A_269 : vector<16xi32>
        %parallel_loop3A_271 = tpu.vector_load_idx %arg6[%parallel_loop3A_270] : memref<20480xi32, #tpu.memory_space<vmem>>[vector<16xi32>], vector<16xi32>,
        %parallel_loop3A_272 = vector.bitcast %parallel_loop3A_271 : vector<16xi32> to vector<32xbf16>
        %parallel_loop3A_273 = tpu.unpack_subelements %parallel_loop3A_272, 0 {pack_format = #tpu.pack_format<interleaved>} : vector<32xbf16> -> vector<16xf32>
        %parallel_loop3A_274 = tpu.unpack_subelements %parallel_loop3A_272, 1 {pack_format = #tpu.pack_format<interleaved>} : vector<32xbf16> -> vector<16xf32>
        %parallel_loop3A_275 = arith.constant 0 : i32
        %parallel_loop3A_276 = vector.broadcast %parallel_loop3A_275 : i32 to vector<16xi32>
        %parallel_loop3A_277 = arith.addi %parallel_loop3A_267, %parallel_loop3A_276 : vector<16xi32>
        tpu.vector_store_idx %arg7[%parallel_loop3A_277], %parallel_loop3A_273 {add = true} : memref<40960xf32, #tpu.memory_space<vmem>>[vector<16xi32>], vector<16xf32>,
        %parallel_loop3A_278 = arith.constant 10240 : i32
        %parallel_loop3A_279 = vector.broadcast %parallel_loop3A_278 : i32 to vector<16xi32>
        %parallel_loop3A_280 = arith.addi %parallel_loop3A_267, %parallel_loop3A_279 : vector<16xi32>
        tpu.vector_store_idx %arg7[%parallel_loop3A_280], %parallel_loop3A_274 {add = true} : memref<40960xf32, #tpu.memory_space<vmem>>[vector<16xi32>], vector<16xf32>,
        %parallel_loop3A_281 = arith.constant 10240 : i32
        %parallel_loop3A_282 = vector.broadcast %parallel_loop3A_281 : i32 to vector<16xi32>
        %parallel_loop3A_283 = arith.addi %parallel_loop3A_266, %parallel_loop3A_282 : vector<16xi32>
        %parallel_loop3A_284 = tpu.vector_load_idx %arg6[%parallel_loop3A_283] : memref<20480xi32, #tpu.memory_space<vmem>>[vector<16xi32>], vector<16xi32>,
        %parallel_loop3A_285 = vector.bitcast %parallel_loop3A_284 : vector<16xi32> to vector<32xbf16>
        %parallel_loop3A_286 = tpu.unpack_subelements %parallel_loop3A_285, 0 {pack_format = #tpu.pack_format<interleaved>} : vector<32xbf16> -> vector<16xf32>
        %parallel_loop3A_287 = tpu.unpack_subelements %parallel_loop3A_285, 1 {pack_format = #tpu.pack_format<interleaved>} : vector<32xbf16> -> vector<16xf32>
        %parallel_loop3A_288 = arith.constant 20480 : i32
        %parallel_loop3A_289 = vector.broadcast %parallel_loop3A_288 : i32 to vector<16xi32>
        %parallel_loop3A_290 = arith.addi %parallel_loop3A_267, %parallel_loop3A_289 : vector<16xi32>
        tpu.vector_store_idx %arg7[%parallel_loop3A_290], %parallel_loop3A_286 {add = true} : memref<40960xf32, #tpu.memory_space<vmem>>[vector<16xi32>], vector<16xf32>,
        %parallel_loop3A_291 = arith.constant 30720 : i32
        %parallel_loop3A_292 = vector.broadcast %parallel_loop3A_291 : i32 to vector<16xi32>
        %parallel_loop3A_293 = arith.addi %parallel_loop3A_267, %parallel_loop3A_292 : vector<16xi32>
        tpu.vector_store_idx %arg7[%parallel_loop3A_293], %parallel_loop3A_287 {add = true} : memref<40960xf32, #tpu.memory_space<vmem>>[vector<16xi32>], vector<16xf32>,
      } {sc.loop_unroll_factor = 4 : i64, sc.parallel_access}
      %add3A_228 = arith.constant 2 : i32
      %add3A_229 = arith.addi %add3A_213, %add3A_228 : i32
      %lt3A = arith.constant 100 : i32
      %lt3A_230 = arith.cmpi slt, %add3A_229, %lt3A : i32
      %convert_element_type3A = arith.extui %lt3A_230 : i1 to i32
      %cond3A = arith.constant 0 : i32
      %cond3A_231 = arith.cmpi ne, %convert_element_type3A, %cond3A : i32
      scf.if %cond3A_231 {
        %add3A_258 = arith.constant 2 : i32
        %add3A_259 = arith.addi %add3A_213, %add3A_258 : i32
        %mul3A_260 = arith.constant 3200 : i32
        %mul3A_261 = arith.muli %add3A_259, %mul3A_260 : i32
        %dma_start3A_262 = arith.constant 0 : i32
        %dma_start3A_263 = arith.constant 0 : i32
        %dma_start3A_264 = tpu.memref_slice %arg8[%dma_start3A_262, %dma_start3A_263] : memref<2x3200xi32, #tpu.memory_space<vmem>> -> memref<1x3200xi32, #tpu.memory_space<vmem>>
        %dma_start3A_265 = tpu.memref_squeeze %dma_start3A_264 : memref<1x3200xi32, #tpu.memory_space<vmem>> -> memref<3200xi32, #tpu.memory_space<vmem>>
        %dma_start3A_266 = tpu.memref_slice %arg3[%mul3A_261] : memref<320000xi32, #tpu.memory_space<hbm>> -> memref<3200xi32, #tpu.memory_space<hbm>>
        %dma_start3A_267 = arith.constant 0 : i32
        %dma_start3A_268 = tpu.memref_slice %arg8[%dma_start3A_262, %dma_start3A_267] : memref<2x3200xi32, #tpu.memory_space<vmem>> -> memref<1x3200xi32, #tpu.memory_space<vmem>>
        %dma_start3A_269 = tpu.memref_squeeze %dma_start3A_268 : memref<1x3200xi32, #tpu.memory_space<vmem>> -> memref<3200xi32, #tpu.memory_space<vmem>>
        %dma_start3A_270 = tpu.memref_slice %arg3[%mul3A_261] : memref<320000xi32, #tpu.memory_space<hbm>> -> memref<3200xi32, #tpu.memory_space<hbm>>
        tpu.enqueue_dma source(%dma_start3A_270 : memref<3200xi32, #tpu.memory_space<hbm>>) target(%dma_start3A_269 : memref<3200xi32, #tpu.memory_space<vmem>>) target_semaphore(%arg11 : memref<!tpu.dma_semaphore, #tpu.memory_space<semaphore_mem>>)
      } else {
      }
      %mul3A_232 = arith.constant 2 : i32
      %mul3A_233 = arith.muli %mul3A_232, %scan3A_208 : i32
      %add3A_234 = arith.constant 1 : i32
      %add3A_235 = arith.addi %mul3A_233, %add3A_234 : i32
      %dma_wait3A_236 = arith.constant 1 : i32
      %dma_wait3A_237 = arith.constant 0 : i32
      %dma_wait3A_238 = tpu.memref_slice %arg8[%dma_wait3A_236, %dma_wait3A_237] : memref<2x3200xi32, #tpu.memory_space<vmem>> -> memref<1x3200xi32, #tpu.memory_space<vmem>>
      %dma_wait3A_239 = tpu.memref_squeeze %dma_wait3A_238 : memref<1x3200xi32, #tpu.memory_space<vmem>> -> memref<3200xi32, #tpu.memory_space<vmem>>
      %dma_wait3A_240 = arith.constant 0 : i32
      %dma_wait3A_241 = tpu.memref_slice %arg3[%dma_wait3A_240] : memref<320000xi32, #tpu.memory_space<hbm>> -> memref<3200xi32, #tpu.memory_space<hbm>>
      %dma_wait3A_242 = arith.constant 0 : i32
      %dma_wait3A_243 = tpu.memref_slice %arg8[%dma_wait3A_236, %dma_wait3A_242] : memref<2x3200xi32, #tpu.memory_space<vmem>> -> memref<1x3200xi32, #tpu.memory_space<vmem>>
      %dma_wait3A_244 = tpu.memref_squeeze %dma_wait3A_243 : memref<1x3200xi32, #tpu.memory_space<vmem>> -> memref<3200xi32, #tpu.memory_space<vmem>>
      %dma_wait3A_245 = arith.constant 0 : i32
      %dma_wait3A_246 = tpu.memref_slice %arg3[%dma_wait3A_245] : memref<320000xi32, #tpu.memory_space<hbm>> -> memref<3200xi32, #tpu.memory_space<hbm>>
      tpu.wait_dma2 semaphore(%arg12 : memref<!tpu.dma_semaphore, #tpu.memory_space<semaphore_mem>>) src(%dma_wait3A_246 : memref<3200xi32, #tpu.memory_space<hbm>>) dst(%dma_wait3A_244 : memref<3200xi32, #tpu.memory_space<vmem>>)
      %parallel_loop3A_247 = arith.constant 0 : i32
      %parallel_loop3A_248 = arith.constant 200 : i32
      %parallel_loop3A_249 = arith.constant 1 : i32
      scf.for %parallel_loop3A_258 = %parallel_loop3A_247 to %parallel_loop3A_248 step %parallel_loop3A_249  : i32 {
        %parallel_loop3A_259 = arith.constant 16 : i32
        %parallel_loop3A_260 = arith.muli %parallel_loop3A_258, %parallel_loop3A_259 : i32
        %parallel_loop3A_261 = arith.constant 1 : i32
        %parallel_loop3A_262 = arith.index_cast %parallel_loop3A_261 : i32 to index
        %parallel_loop3A_263 = arith.index_cast %parallel_loop3A_260 : i32 to index
        %parallel_loop3A_264 = tpu.vector_load %arg8[%parallel_loop3A_262, %parallel_loop3A_263] {strides = array<i32>} : memref<2x3200xi32, #tpu.memory_space<vmem>>, vector<16xi32>,
        %parallel_loop3A_265 = vector.bitcast %parallel_loop3A_264 : vector<16xi32> to vector<32xi16>
        %parallel_loop3A_266 = tpu.unpack_subelements %parallel_loop3A_265, 0 {pack_format = #tpu.pack_format<interleaved>} : vector<32xi16> -> vector<16xi32>
        %parallel_loop3A_267 = tpu.unpack_subelements %parallel_loop3A_265, 1 {pack_format = #tpu.pack_format<interleaved>} : vector<32xi16> -> vector<16xi32>
        %parallel_loop3A_268 = arith.constant 0 : i32
        %parallel_loop3A_269 = vector.broadcast %parallel_loop3A_268 : i32 to vector<16xi32>
        %parallel_loop3A_270 = arith.addi %parallel_loop3A_266, %parallel_loop3A_269 : vector<16xi32>
        %parallel_loop3A_271 = tpu.vector_load_idx %arg6[%parallel_loop3A_270] : memref<20480xi32, #tpu.memory_space<vmem>>[vector<16xi32>], vector<16xi32>,
        %parallel_loop3A_272 = vector.bitcast %parallel_loop3A_271 : vector<16xi32> to vector<32xbf16>
        %parallel_loop3A_273 = tpu.unpack_subelements %parallel_loop3A_272, 0 {pack_format = #tpu.pack_format<interleaved>} : vector<32xbf16> -> vector<16xf32>
        %parallel_loop3A_274 = tpu.unpack_subelements %parallel_loop3A_272, 1 {pack_format = #tpu.pack_format<interleaved>} : vector<32xbf16> -> vector<16xf32>
        %parallel_loop3A_275 = arith.constant 0 : i32
        %parallel_loop3A_276 = vector.broadcast %parallel_loop3A_275 : i32 to vector<16xi32>
        %parallel_loop3A_277 = arith.addi %parallel_loop3A_267, %parallel_loop3A_276 : vector<16xi32>
        tpu.vector_store_idx %arg7[%parallel_loop3A_277], %parallel_loop3A_273 {add = true} : memref<40960xf32, #tpu.memory_space<vmem>>[vector<16xi32>], vector<16xf32>,
        %parallel_loop3A_278 = arith.constant 10240 : i32
        %parallel_loop3A_279 = vector.broadcast %parallel_loop3A_278 : i32 to vector<16xi32>
        %parallel_loop3A_280 = arith.addi %parallel_loop3A_267, %parallel_loop3A_279 : vector<16xi32>
        tpu.vector_store_idx %arg7[%parallel_loop3A_280], %parallel_loop3A_274 {add = true} : memref<40960xf32, #tpu.memory_space<vmem>>[vector<16xi32>], vector<16xf32>,
        %parallel_loop3A_281 = arith.constant 10240 : i32
        %parallel_loop3A_282 = vector.broadcast %parallel_loop3A_281 : i32 to vector<16xi32>
        %parallel_loop3A_283 = arith.addi %parallel_loop3A_266, %parallel_loop3A_282 : vector<16xi32>
        %parallel_loop3A_284 = tpu.vector_load_idx %arg6[%parallel_loop3A_283] : memref<20480xi32, #tpu.memory_space<vmem>>[vector<16xi32>], vector<16xi32>,
        %parallel_loop3A_285 = vector.bitcast %parallel_loop3A_284 : vector<16xi32> to vector<32xbf16>
        %parallel_loop3A_286 = tpu.unpack_subelements %parallel_loop3A_285, 0 {pack_format = #tpu.pack_format<interleaved>} : vector<32xbf16> -> vector<16xf32>
        %parallel_loop3A_287 = tpu.unpack_subelements %parallel_loop3A_285, 1 {pack_format = #tpu.pack_format<interleaved>} : vector<32xbf16> -> vector<16xf32>
        %parallel_loop3A_288 = arith.constant 20480 : i32
        %parallel_loop3A_289 = vector.broadcast %parallel_loop3A_288 : i32 to vector<16xi32>
        %parallel_loop3A_290 = arith.addi %parallel_loop3A_267, %parallel_loop3A_289 : vector<16xi32>
        tpu.vector_store_idx %arg7[%parallel_loop3A_290], %parallel_loop3A_286 {add = true} : memref<40960xf32, #tpu.memory_space<vmem>>[vector<16xi32>], vector<16xf32>,
        %parallel_loop3A_291 = arith.constant 30720 : i32
        %parallel_loop3A_292 = vector.broadcast %parallel_loop3A_291 : i32 to vector<16xi32>
        %parallel_loop3A_293 = arith.addi %parallel_loop3A_267, %parallel_loop3A_292 : vector<16xi32>
        tpu.vector_store_idx %arg7[%parallel_loop3A_293], %parallel_loop3A_287 {add = true} : memref<40960xf32, #tpu.memory_space<vmem>>[vector<16xi32>], vector<16xf32>,
      } {sc.loop_unroll_factor = 4 : i64, sc.parallel_access}
      %add3A_250 = arith.constant 2 : i32
      %add3A_251 = arith.addi %add3A_235, %add3A_250 : i32
      %lt3A_252 = arith.constant 100 : i32
      %lt3A_253 = arith.cmpi slt, %add3A_251, %lt3A_252 : i32
      %convert_element_type3A_254 = arith.extui %lt3A_253 : i1 to i32
      %cond3A_255 = arith.constant 0 : i32
      %cond3A_256 = arith.cmpi ne, %convert_element_type3A_254, %cond3A_255 : i32
      scf.if %cond3A_256 {
        %add3A_258 = arith.constant 2 : i32
        %add3A_259 = arith.addi %add3A_235, %add3A_258 : i32
        %mul3A_260 = arith.constant 3200 : i32
        %mul3A_261 = arith.muli %add3A_259, %mul3A_260 : i32
        %dma_start3A_262 = arith.constant 1 : i32
        %dma_start3A_263 = arith.constant 0 : i32
        %dma_start3A_264 = tpu.memref_slice %arg8[%dma_start3A_262, %dma_start3A_263] : memref<2x3200xi32, #tpu.memory_space<vmem>> -> memref<1x3200xi32, #tpu.memory_space<vmem>>
        %dma_start3A_265 = tpu.memref_squeeze %dma_start3A_264 : memref<1x3200xi32, #tpu.memory_space<vmem>> -> memref<3200xi32, #tpu.memory_space<vmem>>
        %dma_start3A_266 = tpu.memref_slice %arg3[%mul3A_261] : memref<320000xi32, #tpu.memory_space<hbm>> -> memref<3200xi32, #tpu.memory_space<hbm>>
        %dma_start3A_267 = arith.constant 0 : i32
        %dma_start3A_268 = tpu.memref_slice %arg8[%dma_start3A_262, %dma_start3A_267] : memref<2x3200xi32, #tpu.memory_space<vmem>> -> memref<1x3200xi32, #tpu.memory_space<vmem>>
        %dma_start3A_269 = tpu.memref_squeeze %dma_start3A_268 : memref<1x3200xi32, #tpu.memory_space<vmem>> -> memref<3200xi32, #tpu.memory_space<vmem>>
        %dma_start3A_270 = tpu.memref_slice %arg3[%mul3A_261] : memref<320000xi32, #tpu.memory_space<hbm>> -> memref<3200xi32, #tpu.memory_space<hbm>>
        tpu.enqueue_dma source(%dma_start3A_270 : memref<3200xi32, #tpu.memory_space<hbm>>) target(%dma_start3A_269 : memref<3200xi32, #tpu.memory_space<vmem>>) target_semaphore(%arg12 : memref<!tpu.dma_semaphore, #tpu.memory_space<semaphore_mem>>)
      } else {
      }
      %scan3A_257 = arith.constant 0 : i32
      scf.yield %scan3A_257 : i32
    }
    %scan3A_85 = arith.constant 50 : i32
    %mul3A_86 = arith.constant 4 : i32
    %mul3A_87 = arith.muli %mul3A_86, %add3A : i32
    %add3A_88 = arith.constant 0 : i32
    %add3A_89 = arith.addi %mul3A_87, %add3A_88 : i32
    %dma_start3A_90 = arith.constant 0 : i32
    %dma_start3A_91 = tpu.memref_slice %arg7[%dma_start3A_90] : memref<40960xf32, #tpu.memory_space<vmem>> -> memref<10240xf32, #tpu.memory_space<vmem>>
    %dma_start3A_92 = arith.constant 0 : i32
    %dma_start3A_93 = tpu.memref_slice %arg4[%add3A_89, %dma_start3A_92] : memref<128x10240xf32, #tpu.memory_space<hbm>> -> memref<1x10240xf32, #tpu.memory_space<hbm>>
    %dma_start3A_94 = tpu.memref_squeeze %dma_start3A_93 : memref<1x10240xf32, #tpu.memory_space<hbm>> -> memref<10240xf32, #tpu.memory_space<hbm>>
    %dma_start3A_95 = arith.constant 0 : i32
    %dma_start3A_96 = tpu.memref_slice %arg4[%add3A_89, %dma_start3A_95] : memref<128x10240xf32, #tpu.memory_space<hbm>> -> memref<1x10240xf32, #tpu.memory_space<hbm>>
    %dma_start3A_97 = tpu.memref_squeeze %dma_start3A_96 : memref<1x10240xf32, #tpu.memory_space<hbm>> -> memref<10240xf32, #tpu.memory_space<hbm>>
    %dma_start3A_98 = arith.constant 0 : i32
    %dma_start3A_99 = tpu.memref_slice %arg7[%dma_start3A_98] : memref<40960xf32, #tpu.memory_space<vmem>> -> memref<10240xf32, #tpu.memory_space<vmem>>
    tpu.enqueue_dma source(%dma_start3A_99 : memref<10240xf32, #tpu.memory_space<vmem>>) target(%dma_start3A_97 : memref<10240xf32, #tpu.memory_space<hbm>>) target_semaphore(%arg13 : memref<!tpu.dma_semaphore, #tpu.memory_space<semaphore_mem>>)
    %mul3A_100 = arith.constant 4 : i32
    %mul3A_101 = arith.muli %mul3A_100, %add3A : i32
    %add3A_102 = arith.constant 1 : i32
    %add3A_103 = arith.addi %mul3A_101, %add3A_102 : i32
    %dma_start3A_104 = arith.constant 10240 : i32
    %dma_start3A_105 = tpu.memref_slice %arg7[%dma_start3A_104] : memref<40960xf32, #tpu.memory_space<vmem>> -> memref<10240xf32, #tpu.memory_space<vmem>>
    %dma_start3A_106 = arith.constant 0 : i32
    %dma_start3A_107 = tpu.memref_slice %arg4[%add3A_103, %dma_start3A_106] : memref<128x10240xf32, #tpu.memory_space<hbm>> -> memref<1x10240xf32, #tpu.memory_space<hbm>>
    %dma_start3A_108 = tpu.memref_squeeze %dma_start3A_107 : memref<1x10240xf32, #tpu.memory_space<hbm>> -> memref<10240xf32, #tpu.memory_space<hbm>>
    %dma_start3A_109 = arith.constant 0 : i32
    %dma_start3A_110 = tpu.memref_slice %arg4[%add3A_103, %dma_start3A_109] : memref<128x10240xf32, #tpu.memory_space<hbm>> -> memref<1x10240xf32, #tpu.memory_space<hbm>>
    %dma_start3A_111 = tpu.memref_squeeze %dma_start3A_110 : memref<1x10240xf32, #tpu.memory_space<hbm>> -> memref<10240xf32, #tpu.memory_space<hbm>>
    %dma_start3A_112 = arith.constant 10240 : i32
    %dma_start3A_113 = tpu.memref_slice %arg7[%dma_start3A_112] : memref<40960xf32, #tpu.memory_space<vmem>> -> memref<10240xf32, #tpu.memory_space<vmem>>
    tpu.enqueue_dma source(%dma_start3A_113 : memref<10240xf32, #tpu.memory_space<vmem>>) target(%dma_start3A_111 : memref<10240xf32, #tpu.memory_space<hbm>>) target_semaphore(%arg13 : memref<!tpu.dma_semaphore, #tpu.memory_space<semaphore_mem>>)
    %mul3A_114 = arith.constant 4 : i32
    %mul3A_115 = arith.muli %mul3A_114, %add3A : i32
    %add3A_116 = arith.constant 2 : i32
    %add3A_117 = arith.addi %mul3A_115, %add3A_116 : i32
    %dma_start3A_118 = arith.constant 20480 : i32
    %dma_start3A_119 = tpu.memref_slice %arg7[%dma_start3A_118] : memref<40960xf32, #tpu.memory_space<vmem>> -> memref<10240xf32, #tpu.memory_space<vmem>>
    %dma_start3A_120 = arith.constant 0 : i32
    %dma_start3A_121 = tpu.memref_slice %arg4[%add3A_117, %dma_start3A_120] : memref<128x10240xf32, #tpu.memory_space<hbm>> -> memref<1x10240xf32, #tpu.memory_space<hbm>>
    %dma_start3A_122 = tpu.memref_squeeze %dma_start3A_121 : memref<1x10240xf32, #tpu.memory_space<hbm>> -> memref<10240xf32, #tpu.memory_space<hbm>>
    %dma_start3A_123 = arith.constant 0 : i32
    %dma_start3A_124 = tpu.memref_slice %arg4[%add3A_117, %dma_start3A_123] : memref<128x10240xf32, #tpu.memory_space<hbm>> -> memref<1x10240xf32, #tpu.memory_space<hbm>>
    %dma_start3A_125 = tpu.memref_squeeze %dma_start3A_124 : memref<1x10240xf32, #tpu.memory_space<hbm>> -> memref<10240xf32, #tpu.memory_space<hbm>>
    %dma_start3A_126 = arith.constant 20480 : i32
    %dma_start3A_127 = tpu.memref_slice %arg7[%dma_start3A_126] : memref<40960xf32, #tpu.memory_space<vmem>> -> memref<10240xf32, #tpu.memory_space<vmem>>
    tpu.enqueue_dma source(%dma_start3A_127 : memref<10240xf32, #tpu.memory_space<vmem>>) target(%dma_start3A_125 : memref<10240xf32, #tpu.memory_space<hbm>>) target_semaphore(%arg13 : memref<!tpu.dma_semaphore, #tpu.memory_space<semaphore_mem>>)
    %mul3A_128 = arith.constant 4 : i32
    %mul3A_129 = arith.muli %mul3A_128, %add3A : i32
    %add3A_130 = arith.constant 3 : i32
    %add3A_131 = arith.addi %mul3A_129, %add3A_130 : i32
    %dma_start3A_132 = arith.constant 30720 : i32
    %dma_start3A_133 = tpu.memref_slice %arg7[%dma_start3A_132] : memref<40960xf32, #tpu.memory_space<vmem>> -> memref<10240xf32, #tpu.memory_space<vmem>>
    %dma_start3A_134 = arith.constant 0 : i32
    %dma_start3A_135 = tpu.memref_slice %arg4[%add3A_131, %dma_start3A_134] : memref<128x10240xf32, #tpu.memory_space<hbm>> -> memref<1x10240xf32, #tpu.memory_space<hbm>>
    %dma_start3A_136 = tpu.memref_squeeze %dma_start3A_135 : memref<1x10240xf32, #tpu.memory_space<hbm>> -> memref<10240xf32, #tpu.memory_space<hbm>>
    %dma_start3A_137 = arith.constant 0 : i32
    %dma_start3A_138 = tpu.memref_slice %arg4[%add3A_131, %dma_start3A_137] : memref<128x10240xf32, #tpu.memory_space<hbm>> -> memref<1x10240xf32, #tpu.memory_space<hbm>>
    %dma_start3A_139 = tpu.memref_squeeze %dma_start3A_138 : memref<1x10240xf32, #tpu.memory_space<hbm>> -> memref<10240xf32, #tpu.memory_space<hbm>>
    %dma_start3A_140 = arith.constant 30720 : i32
    %dma_start3A_141 = tpu.memref_slice %arg7[%dma_start3A_140] : memref<40960xf32, #tpu.memory_space<vmem>> -> memref<10240xf32, #tpu.memory_space<vmem>>
    tpu.enqueue_dma source(%dma_start3A_141 : memref<10240xf32, #tpu.memory_space<vmem>>) target(%dma_start3A_139 : memref<10240xf32, #tpu.memory_space<hbm>>) target_semaphore(%arg13 : memref<!tpu.dma_semaphore, #tpu.memory_space<semaphore_mem>>)
    %mul3A_142 = arith.constant 10000 : i32
    %mul3A_143 = arith.muli %mul3A_142, %add3A : i32
    "tpu.region"() ({
      %run_scoped3A = tpu.sem_alloc : memref<!tpu.dma_semaphore, #tpu.memory_space<semaphore_mem>>
      %dma_start3A_208 = tpu.memref_slice %arg3[%mul3A_143] : memref<320000xi32, #tpu.memory_space<hbm>> -> memref<10000xi32, #tpu.memory_space<hbm>>
      %dma_start3A_209 = tpu.memref_slice %arg3[%mul3A_143] : memref<320000xi32, #tpu.memory_space<hbm>> -> memref<10000xi32, #tpu.memory_space<hbm>>
      tpu.enqueue_dma source(%dma_start3A_209 : memref<10000xi32, #tpu.memory_space<hbm>>) target(%arg10 : memref<10000xi32, #tpu.memory_space<vmem>>) target_semaphore(%run_scoped3A : memref<!tpu.dma_semaphore, #tpu.memory_space<semaphore_mem>>)
      %dma_wait3A_210 = tpu.memref_slice %arg3[%mul3A_143] : memref<320000xi32, #tpu.memory_space<hbm>> -> memref<10000xi32, #tpu.memory_space<hbm>>
      %dma_wait3A_211 = tpu.memref_slice %arg3[%mul3A_143] : memref<320000xi32, #tpu.memory_space<hbm>> -> memref<10000xi32, #tpu.memory_space<hbm>>
      tpu.wait_dma2 semaphore(%run_scoped3A : memref<!tpu.dma_semaphore, #tpu.memory_space<semaphore_mem>>) src(%dma_wait3A_211 : memref<10000xi32, #tpu.memory_space<hbm>>) dst(%arg10 : memref<10000xi32, #tpu.memory_space<vmem>>)
      tpu.yield
    }) : () -> ()
    %parallel_loop3A_144 = arith.constant 0 : i32
    %parallel_loop3A_145 = arith.constant 640 : i32
    %parallel_loop3A_146 = arith.constant 1 : i32
    scf.for %parallel_loop3A_208 = %parallel_loop3A_144 to %parallel_loop3A_145 step %parallel_loop3A_146  : i32 {
      %parallel_loop3A_209 = arith.constant 16 : i32
      %parallel_loop3A_210 = arith.muli %parallel_loop3A_208, %parallel_loop3A_209 : i32
      %parallel_loop3A_211 = arith.index_cast %parallel_loop3A_210 : i32 to index
      %parallel_loop3A_212 = tpu.vector_load %arg9[%parallel_loop3A_211] {strides = array<i32>} : memref<10240xf32, #tpu.memory_space<vmem>>, vector<16xf32>,
      tpu.vector_store %arg9[%parallel_loop3A_211], %broadcast_in_dim3A_50 {strides = array<i32>} : memref<10240xf32, #tpu.memory_space<vmem>>, vector<16xf32>,
    } {sc.loop_unroll_factor = 8 : i64, sc.parallel_access}
    %broadcast_in_dim3A_147 = arith.constant 1.000000e+00 : f32
    %broadcast_in_dim3A_148 = vector.broadcast %broadcast_in_dim3A_147 : f32 to vector<16xf32>
    %parallel_loop3A_149 = arith.constant 0 : i32
    %parallel_loop3A_150 = arith.constant 625 : i32
    %parallel_loop3A_151 = arith.constant 1 : i32
    scf.for %parallel_loop3A_208 = %parallel_loop3A_149 to %parallel_loop3A_150 step %parallel_loop3A_151  : i32 {
      %parallel_loop3A_209 = arith.constant 16 : i32
      %parallel_loop3A_210 = arith.muli %parallel_loop3A_208, %parallel_loop3A_209 : i32
      %parallel_loop3A_211 = arith.index_cast %parallel_loop3A_210 : i32 to index
      %parallel_loop3A_212 = tpu.vector_load %arg10[%parallel_loop3A_211] {strides = array<i32>} : memref<10000xi32, #tpu.memory_space<vmem>>, vector<16xi32>,
      %parallel_loop3A_213 = vector.bitcast %parallel_loop3A_212 : vector<16xi32> to vector<32xi16>
      %parallel_loop3A_214 = tpu.unpack_subelements %parallel_loop3A_213, 0 {pack_format = #tpu.pack_format<interleaved>} : vector<32xi16> -> vector<16xi32>
      %parallel_loop3A_215 = tpu.unpack_subelements %parallel_loop3A_213, 1 {pack_format = #tpu.pack_format<interleaved>} : vector<32xi16> -> vector<16xi32>
      tpu.vector_store_idx %arg9[%parallel_loop3A_215], %broadcast_in_dim3A_148 {add = true} : memref<10240xf32, #tpu.memory_space<vmem>>[vector<16xi32>], vector<16xf32>,
    } {sc.loop_unroll_factor = 4 : i64, sc.parallel_access}
    "tpu.region"() ({
      %run_scoped3A = tpu.sem_alloc : memref<!tpu.dma_semaphore, #tpu.memory_space<semaphore_mem>>
      %dma_start3A_208 = arith.constant 0 : i32
      %dma_start3A_209 = tpu.memref_slice %arg5[%add3A, %dma_start3A_208] : memref<32x10240xf32, #tpu.memory_space<hbm>> -> memref<1x10240xf32, #tpu.memory_space<hbm>>
      %dma_start3A_210 = tpu.memref_squeeze %dma_start3A_209 : memref<1x10240xf32, #tpu.memory_space<hbm>> -> memref<10240xf32, #tpu.memory_space<hbm>>
      %dma_start3A_211 = arith.constant 0 : i32
      %dma_start3A_212 = tpu.memref_slice %arg5[%add3A, %dma_start3A_211] : memref<32x10240xf32, #tpu.memory_space<hbm>> -> memref<1x10240xf32, #tpu.memory_space<hbm>>
      %dma_start3A_213 = tpu.memref_squeeze %dma_start3A_212 : memref<1x10240xf32, #tpu.memory_space<hbm>> -> memref<10240xf32, #tpu.memory_space<hbm>>
      tpu.enqueue_dma source(%arg9 : memref<10240xf32, #tpu.memory_space<vmem>>) target(%dma_start3A_213 : memref<10240xf32, #tpu.memory_space<hbm>>) target_semaphore(%run_scoped3A : memref<!tpu.dma_semaphore, #tpu.memory_space<semaphore_mem>>)
      %dma_wait3A_214 = arith.constant 0 : i32
      %dma_wait3A_215 = tpu.memref_slice %arg5[%add3A, %dma_wait3A_214] : memref<32x10240xf32, #tpu.memory_space<hbm>> -> memref<1x10240xf32, #tpu.memory_space<hbm>>
      %dma_wait3A_216 = tpu.memref_squeeze %dma_wait3A_215 : memref<1x10240xf32, #tpu.memory_space<hbm>> -> memref<10240xf32, #tpu.memory_space<hbm>>
      %dma_wait3A_217 = arith.constant 0 : i32
      %dma_wait3A_218 = tpu.memref_slice %arg5[%add3A, %dma_wait3A_217] : memref<32x10240xf32, #tpu.memory_space<hbm>> -> memref<1x10240xf32, #tpu.memory_space<hbm>>
      %dma_wait3A_219 = tpu.memref_squeeze %dma_wait3A_218 : memref<1x10240xf32, #tpu.memory_space<hbm>> -> memref<10240xf32, #tpu.memory_space<hbm>>
      tpu.wait_dma2 semaphore(%run_scoped3A : memref<!tpu.dma_semaphore, #tpu.memory_space<semaphore_mem>>) src(%arg9 : memref<10240xf32, #tpu.memory_space<vmem>>) dst(%dma_wait3A_219 : memref<10240xf32, #tpu.memory_space<hbm>>)
      tpu.yield
    }) : () -> ()
    %mul3A_152 = arith.constant 4 : i32
    %mul3A_153 = arith.muli %mul3A_152, %add3A : i32
    %add3A_154 = arith.constant 0 : i32
    %add3A_155 = arith.addi %mul3A_153, %add3A_154 : i32
    %dma_wait3A_156 = arith.constant 0 : i32
    %dma_wait3A_157 = tpu.memref_slice %arg7[%dma_wait3A_156] : memref<40960xf32, #tpu.memory_space<vmem>> -> memref<10240xf32, #tpu.memory_space<vmem>>
    %dma_wait3A_158 = arith.constant 0 : i32
    %dma_wait3A_159 = tpu.memref_slice %arg4[%add3A_155, %dma_wait3A_158] : memref<128x10240xf32, #tpu.memory_space<hbm>> -> memref<1x10240xf32, #tpu.memory_space<hbm>>
    %dma_wait3A_160 = tpu.memref_squeeze %dma_wait3A_159 : memref<1x10240xf32, #tpu.memory_space<hbm>> -> memref<10240xf32, #tpu.memory_space<hbm>>
    %dma_wait3A_161 = arith.constant 0 : i32
    %dma_wait3A_162 = tpu.memref_slice %arg4[%add3A_155, %dma_wait3A_161] : memref<128x10240xf32, #tpu.memory_space<hbm>> -> memref<1x10240xf32, #tpu.memory_space<hbm>>
    %dma_wait3A_163 = tpu.memref_squeeze %dma_wait3A_162 : memref<1x10240xf32, #tpu.memory_space<hbm>> -> memref<10240xf32, #tpu.memory_space<hbm>>
    %dma_wait3A_164 = arith.constant 0 : i32
    %dma_wait3A_165 = tpu.memref_slice %arg7[%dma_wait3A_164] : memref<40960xf32, #tpu.memory_space<vmem>> -> memref<10240xf32, #tpu.memory_space<vmem>>
    tpu.wait_dma2 semaphore(%arg13 : memref<!tpu.dma_semaphore, #tpu.memory_space<semaphore_mem>>) src(%dma_wait3A_165 : memref<10240xf32, #tpu.memory_space<vmem>>) dst(%dma_wait3A_163 : memref<10240xf32, #tpu.memory_space<hbm>>)
    %mul3A_166 = arith.constant 4 : i32
    %mul3A_167 = arith.muli %mul3A_166, %add3A : i32
    %add3A_168 = arith.constant 1 : i32
    %add3A_169 = arith.addi %mul3A_167, %add3A_168 : i32
    %dma_wait3A_170 = arith.constant 10240 : i32
    %dma_wait3A_171 = tpu.memref_slice %arg7[%dma_wait3A_170] : memref<40960xf32, #tpu.memory_space<vmem>> -> memref<10240xf32, #tpu.memory_space<vmem>>
    %dma_wait3A_172 = arith.constant 0 : i32
    %dma_wait3A_173 = tpu.memref_slice %arg4[%add3A_169, %dma_wait3A_172] : memref<128x10240xf32, #tpu.memory_space<hbm>> -> memref<1x10240xf32, #tpu.memory_space<hbm>>
    %dma_wait3A_174 = tpu.memref_squeeze %dma_wait3A_173 : memref<1x10240xf32, #tpu.memory_space<hbm>> -> memref<10240xf32, #tpu.memory_space<hbm>>
    %dma_wait3A_175 = arith.constant 0 : i32
    %dma_wait3A_176 = tpu.memref_slice %arg4[%add3A_169, %dma_wait3A_175] : memref<128x10240xf32, #tpu.memory_space<hbm>> -> memref<1x10240xf32, #tpu.memory_space<hbm>>
    %dma_wait3A_177 = tpu.memref_squeeze %dma_wait3A_176 : memref<1x10240xf32, #tpu.memory_space<hbm>> -> memref<10240xf32, #tpu.memory_space<hbm>>
    %dma_wait3A_178 = arith.constant 10240 : i32
    %dma_wait3A_179 = tpu.memref_slice %arg7[%dma_wait3A_178] : memref<40960xf32, #tpu.memory_space<vmem>> -> memref<10240xf32, #tpu.memory_space<vmem>>
    tpu.wait_dma2 semaphore(%arg13 : memref<!tpu.dma_semaphore, #tpu.memory_space<semaphore_mem>>) src(%dma_wait3A_179 : memref<10240xf32, #tpu.memory_space<vmem>>) dst(%dma_wait3A_177 : memref<10240xf32, #tpu.memory_space<hbm>>)
    %mul3A_180 = arith.constant 4 : i32
    %mul3A_181 = arith.muli %mul3A_180, %add3A : i32
    %add3A_182 = arith.constant 2 : i32
    %add3A_183 = arith.addi %mul3A_181, %add3A_182 : i32
    %dma_wait3A_184 = arith.constant 20480 : i32
    %dma_wait3A_185 = tpu.memref_slice %arg7[%dma_wait3A_184] : memref<40960xf32, #tpu.memory_space<vmem>> -> memref<10240xf32, #tpu.memory_space<vmem>>
    %dma_wait3A_186 = arith.constant 0 : i32
    %dma_wait3A_187 = tpu.memref_slice %arg4[%add3A_183, %dma_wait3A_186] : memref<128x10240xf32, #tpu.memory_space<hbm>> -> memref<1x10240xf32, #tpu.memory_space<hbm>>
    %dma_wait3A_188 = tpu.memref_squeeze %dma_wait3A_187 : memref<1x10240xf32, #tpu.memory_space<hbm>> -> memref<10240xf32, #tpu.memory_space<hbm>>
    %dma_wait3A_189 = arith.constant 0 : i32
    %dma_wait3A_190 = tpu.memref_slice %arg4[%add3A_183, %dma_wait3A_189] : memref<128x10240xf32, #tpu.memory_space<hbm>> -> memref<1x10240xf32, #tpu.memory_space<hbm>>
    %dma_wait3A_191 = tpu.memref_squeeze %dma_wait3A_190 : memref<1x10240xf32, #tpu.memory_space<hbm>> -> memref<10240xf32, #tpu.memory_space<hbm>>
    %dma_wait3A_192 = arith.constant 20480 : i32
    %dma_wait3A_193 = tpu.memref_slice %arg7[%dma_wait3A_192] : memref<40960xf32, #tpu.memory_space<vmem>> -> memref<10240xf32, #tpu.memory_space<vmem>>
    tpu.wait_dma2 semaphore(%arg13 : memref<!tpu.dma_semaphore, #tpu.memory_space<semaphore_mem>>) src(%dma_wait3A_193 : memref<10240xf32, #tpu.memory_space<vmem>>) dst(%dma_wait3A_191 : memref<10240xf32, #tpu.memory_space<hbm>>)
    %mul3A_194 = arith.constant 4 : i32
    %mul3A_195 = arith.muli %mul3A_194, %add3A : i32
    %add3A_196 = arith.constant 3 : i32
    %add3A_197 = arith.addi %mul3A_195, %add3A_196 : i32
    %dma_wait3A_198 = arith.constant 30720 : i32
    %dma_wait3A_199 = tpu.memref_slice %arg7[%dma_wait3A_198] : memref<40960xf32, #tpu.memory_space<vmem>> -> memref<10240xf32, #tpu.memory_space<vmem>>
    %dma_wait3A_200 = arith.constant 0 : i32
    %dma_wait3A_201 = tpu.memref_slice %arg4[%add3A_197, %dma_wait3A_200] : memref<128x10240xf32, #tpu.memory_space<hbm>> -> memref<1x10240xf32, #tpu.memory_space<hbm>>
    %dma_wait3A_202 = tpu.memref_squeeze %dma_wait3A_201 : memref<1x10240xf32, #tpu.memory_space<hbm>> -> memref<10240xf32, #tpu.memory_space<hbm>>
    %dma_wait3A_203 = arith.constant 0 : i32
    %dma_wait3A_204 = tpu.memref_slice %arg4[%add3A_197, %dma_wait3A_203] : memref<128x10240xf32, #tpu.memory_space<hbm>> -> memref<1x10240xf32, #tpu.memory_space<hbm>>
    %dma_wait3A_205 = tpu.memref_squeeze %dma_wait3A_204 : memref<1x10240xf32, #tpu.memory_space<hbm>> -> memref<10240xf32, #tpu.memory_space<hbm>>
    %dma_wait3A_206 = arith.constant 30720 : i32
    %dma_wait3A_207 = tpu.memref_slice %arg7[%dma_wait3A_206] : memref<40960xf32, #tpu.memory_space<vmem>> -> memref<10240xf32, #tpu.memory_space<vmem>>
    tpu.wait_dma2 semaphore(%arg13 : memref<!tpu.dma_semaphore, #tpu.memory_space<semaphore_mem>>) src(%dma_wait3A_207 : memref<10240xf32, #tpu.memory_space<vmem>>) dst(%dma_wait3A_205 : memref<10240xf32, #tpu.memory_space<hbm>>)
    return
  }
}

#map = affine_map<(d0, d1) -> (0, 0)>
#map1 = affine_map<(d0, d1) -> (0)>
module attributes {stable_mosaic.version = 14 : i64} {
  func.func @_sc_agg_body(%arg0: i32, %arg1: i32, %arg2: memref<64x10240xi32, #tpu.memory_space<hbm>>, %arg3: memref<320000xi32, #tpu.memory_space<hbm>>, %arg4: memref<128x10240xf32, #tpu.memory_space<hbm>>, %arg5: memref<20480xi32, #tpu.memory_space<vmem>>, %arg6: memref<40960xf32, #tpu.memory_space<vmem>>, %arg7: memref<2x3200xi32, #tpu.memory_space<vmem>>, %arg8: memref<!tpu.dma_semaphore, #tpu.memory_space<semaphore_mem>>, %arg9: memref<!tpu.dma_semaphore, #tpu.memory_space<semaphore_mem>>, %arg10: memref<!tpu.dma_semaphore, #tpu.memory_space<semaphore_mem>>) attributes {dimension_semantics = [#tpu.dimension_semantics<core_parallel>, #tpu.dimension_semantics<subcore_parallel>], iteration_bounds = array<i64: 2, 16>, scalar_prefetch = 0 : i64, scratch_operands = 6 : i64, tpu.core_type = #tpu.core_type<sc_vector_subcore>, window_params = [{transform_indices = #map}, {transform_indices = #map1}, {transform_indices = #map}]} {
    %mul3A = arith.constant 2 : i32
    %mul3A_0 = arith.muli %arg1, %mul3A : i32
    %add3A = arith.addi %mul3A_0, %arg0 : i32
    %dma_start3A = arith.constant 0 : i32
    %dma_start3A_1 = arith.constant 0 : i32
    %dma_start3A_2 = tpu.memref_slice %arg7[%dma_start3A, %dma_start3A_1] : memref<2x3200xi32, #tpu.memory_space<vmem>> -> memref<1x3200xi32, #tpu.memory_space<vmem>>
    %dma_start3A_3 = tpu.memref_squeeze %dma_start3A_2 : memref<1x3200xi32, #tpu.memory_space<vmem>> -> memref<3200xi32, #tpu.memory_space<vmem>>
    %dma_start3A_4 = arith.constant 0 : i32
    %dma_start3A_5 = tpu.memref_slice %arg3[%dma_start3A_4] : memref<320000xi32, #tpu.memory_space<hbm>> -> memref<3200xi32, #tpu.memory_space<hbm>>
    %dma_start3A_6 = arith.constant 0 : i32
    %dma_start3A_7 = tpu.memref_slice %arg7[%dma_start3A, %dma_start3A_6] : memref<2x3200xi32, #tpu.memory_space<vmem>> -> memref<1x3200xi32, #tpu.memory_space<vmem>>
    %dma_start3A_8 = tpu.memref_squeeze %dma_start3A_7 : memref<1x3200xi32, #tpu.memory_space<vmem>> -> memref<3200xi32, #tpu.memory_space<vmem>>
    %dma_start3A_9 = arith.constant 0 : i32
    %dma_start3A_10 = tpu.memref_slice %arg3[%dma_start3A_9] : memref<320000xi32, #tpu.memory_space<hbm>> -> memref<3200xi32, #tpu.memory_space<hbm>>
    tpu.enqueue_dma source(%dma_start3A_10 : memref<3200xi32, #tpu.memory_space<hbm>>) target(%dma_start3A_8 : memref<3200xi32, #tpu.memory_space<vmem>>) target_semaphore(%arg8 : memref<!tpu.dma_semaphore, #tpu.memory_space<semaphore_mem>>)
    %dma_start3A_11 = arith.constant 1 : i32
    %dma_start3A_12 = arith.constant 0 : i32
    %dma_start3A_13 = tpu.memref_slice %arg7[%dma_start3A_11, %dma_start3A_12] : memref<2x3200xi32, #tpu.memory_space<vmem>> -> memref<1x3200xi32, #tpu.memory_space<vmem>>
    %dma_start3A_14 = tpu.memref_squeeze %dma_start3A_13 : memref<1x3200xi32, #tpu.memory_space<vmem>> -> memref<3200xi32, #tpu.memory_space<vmem>>
    %dma_start3A_15 = arith.constant 3200 : i32
    %dma_start3A_16 = tpu.memref_slice %arg3[%dma_start3A_15] : memref<320000xi32, #tpu.memory_space<hbm>> -> memref<3200xi32, #tpu.memory_space<hbm>>
    %dma_start3A_17 = arith.constant 0 : i32
    %dma_start3A_18 = tpu.memref_slice %arg7[%dma_start3A_11, %dma_start3A_17] : memref<2x3200xi32, #tpu.memory_space<vmem>> -> memref<1x3200xi32, #tpu.memory_space<vmem>>
    %dma_start3A_19 = tpu.memref_squeeze %dma_start3A_18 : memref<1x3200xi32, #tpu.memory_space<vmem>> -> memref<3200xi32, #tpu.memory_space<vmem>>
    %dma_start3A_20 = arith.constant 3200 : i32
    %dma_start3A_21 = tpu.memref_slice %arg3[%dma_start3A_20] : memref<320000xi32, #tpu.memory_space<hbm>> -> memref<3200xi32, #tpu.memory_space<hbm>>
    tpu.enqueue_dma source(%dma_start3A_21 : memref<3200xi32, #tpu.memory_space<hbm>>) target(%dma_start3A_19 : memref<3200xi32, #tpu.memory_space<vmem>>) target_semaphore(%arg9 : memref<!tpu.dma_semaphore, #tpu.memory_space<semaphore_mem>>)
    %mul3A_22 = arith.constant 2 : i32
    %mul3A_23 = arith.muli %mul3A_22, %add3A : i32
    %add3A_24 = arith.constant 0 : i32
    %add3A_25 = arith.addi %mul3A_23, %add3A_24 : i32
    %dma_start3A_26 = arith.constant 0 : i32
    %dma_start3A_27 = tpu.memref_slice %arg5[%dma_start3A_26] : memref<20480xi32, #tpu.memory_space<vmem>> -> memref<10240xi32, #tpu.memory_space<vmem>>
    %dma_start3A_28 = arith.constant 0 : i32
    %dma_start3A_29 = tpu.memref_slice %arg2[%add3A_25, %dma_start3A_28] : memref<64x10240xi32, #tpu.memory_space<hbm>> -> memref<1x10240xi32, #tpu.memory_space<hbm>>
    %dma_start3A_30 = tpu.memref_squeeze %dma_start3A_29 : memref<1x10240xi32, #tpu.memory_space<hbm>> -> memref<10240xi32, #tpu.memory_space<hbm>>
    %dma_start3A_31 = arith.constant 0 : i32
    %dma_start3A_32 = tpu.memref_slice %arg5[%dma_start3A_31] : memref<20480xi32, #tpu.memory_space<vmem>> -> memref<10240xi32, #tpu.memory_space<vmem>>
    %dma_start3A_33 = arith.constant 0 : i32
    %dma_start3A_34 = tpu.memref_slice %arg2[%add3A_25, %dma_start3A_33] : memref<64x10240xi32, #tpu.memory_space<hbm>> -> memref<1x10240xi32, #tpu.memory_space<hbm>>
    %dma_start3A_35 = tpu.memref_squeeze %dma_start3A_34 : memref<1x10240xi32, #tpu.memory_space<hbm>> -> memref<10240xi32, #tpu.memory_space<hbm>>
    tpu.enqueue_dma source(%dma_start3A_35 : memref<10240xi32, #tpu.memory_space<hbm>>) target(%dma_start3A_32 : memref<10240xi32, #tpu.memory_space<vmem>>) target_semaphore(%arg10 : memref<!tpu.dma_semaphore, #tpu.memory_space<semaphore_mem>>)
    %mul3A_36 = arith.constant 2 : i32
    %mul3A_37 = arith.muli %mul3A_36, %add3A : i32
    %add3A_38 = arith.constant 1 : i32
    %add3A_39 = arith.addi %mul3A_37, %add3A_38 : i32
    %dma_start3A_40 = arith.constant 10240 : i32
    %dma_start3A_41 = tpu.memref_slice %arg5[%dma_start3A_40] : memref<20480xi32, #tpu.memory_space<vmem>> -> memref<10240xi32, #tpu.memory_space<vmem>>
    %dma_start3A_42 = arith.constant 0 : i32
    %dma_start3A_43 = tpu.memref_slice %arg2[%add3A_39, %dma_start3A_42] : memref<64x10240xi32, #tpu.memory_space<hbm>> -> memref<1x10240xi32, #tpu.memory_space<hbm>>
    %dma_start3A_44 = tpu.memref_squeeze %dma_start3A_43 : memref<1x10240xi32, #tpu.memory_space<hbm>> -> memref<10240xi32, #tpu.memory_space<hbm>>
    %dma_start3A_45 = arith.constant 10240 : i32
    %dma_start3A_46 = tpu.memref_slice %arg5[%dma_start3A_45] : memref<20480xi32, #tpu.memory_space<vmem>> -> memref<10240xi32, #tpu.memory_space<vmem>>
    %dma_start3A_47 = arith.constant 0 : i32
    %dma_start3A_48 = tpu.memref_slice %arg2[%add3A_39, %dma_start3A_47] : memref<64x10240xi32, #tpu.memory_space<hbm>> -> memref<1x10240xi32, #tpu.memory_space<hbm>>
    %dma_start3A_49 = tpu.memref_squeeze %dma_start3A_48 : memref<1x10240xi32, #tpu.memory_space<hbm>> -> memref<10240xi32, #tpu.memory_space<hbm>>
    tpu.enqueue_dma source(%dma_start3A_49 : memref<10240xi32, #tpu.memory_space<hbm>>) target(%dma_start3A_46 : memref<10240xi32, #tpu.memory_space<vmem>>) target_semaphore(%arg10 : memref<!tpu.dma_semaphore, #tpu.memory_space<semaphore_mem>>)
    %broadcast_in_dim3A = arith.constant 0.000000e+00 : f32
    %broadcast_in_dim3A_50 = vector.broadcast %broadcast_in_dim3A : f32 to vector<16xf32>
    %parallel_loop3A = arith.constant 0 : i32
    %parallel_loop3A_51 = arith.constant 2560 : i32
    %parallel_loop3A_52 = arith.constant 1 : i32
    scf.for %parallel_loop3A_198 = %parallel_loop3A to %parallel_loop3A_51 step %parallel_loop3A_52  : i32 {
      %parallel_loop3A_199 = arith.constant 16 : i32
      %parallel_loop3A_200 = arith.muli %parallel_loop3A_198, %parallel_loop3A_199 : i32
      %parallel_loop3A_201 = arith.index_cast %parallel_loop3A_200 : i32 to index
      %parallel_loop3A_202 = tpu.vector_load %arg6[%parallel_loop3A_201] {strides = array<i32>} : memref<40960xf32, #tpu.memory_space<vmem>>, vector<16xf32>,
      tpu.vector_store %arg6[%parallel_loop3A_201], %broadcast_in_dim3A_50 {strides = array<i32>} : memref<40960xf32, #tpu.memory_space<vmem>>, vector<16xf32>,
    } {sc.loop_unroll_factor = 8 : i64, sc.parallel_access}
    %mul3A_53 = arith.constant 2 : i32
    %mul3A_54 = arith.muli %mul3A_53, %add3A : i32
    %add3A_55 = arith.constant 0 : i32
    %add3A_56 = arith.addi %mul3A_54, %add3A_55 : i32
    %dma_wait3A = arith.constant 0 : i32
    %dma_wait3A_57 = tpu.memref_slice %arg5[%dma_wait3A] : memref<20480xi32, #tpu.memory_space<vmem>> -> memref<10240xi32, #tpu.memory_space<vmem>>
    %dma_wait3A_58 = arith.constant 0 : i32
    %dma_wait3A_59 = tpu.memref_slice %arg2[%add3A_56, %dma_wait3A_58] : memref<64x10240xi32, #tpu.memory_space<hbm>> -> memref<1x10240xi32, #tpu.memory_space<hbm>>
    %dma_wait3A_60 = tpu.memref_squeeze %dma_wait3A_59 : memref<1x10240xi32, #tpu.memory_space<hbm>> -> memref<10240xi32, #tpu.memory_space<hbm>>
    %dma_wait3A_61 = arith.constant 0 : i32
    %dma_wait3A_62 = tpu.memref_slice %arg5[%dma_wait3A_61] : memref<20480xi32, #tpu.memory_space<vmem>> -> memref<10240xi32, #tpu.memory_space<vmem>>
    %dma_wait3A_63 = arith.constant 0 : i32
    %dma_wait3A_64 = tpu.memref_slice %arg2[%add3A_56, %dma_wait3A_63] : memref<64x10240xi32, #tpu.memory_space<hbm>> -> memref<1x10240xi32, #tpu.memory_space<hbm>>
    %dma_wait3A_65 = tpu.memref_squeeze %dma_wait3A_64 : memref<1x10240xi32, #tpu.memory_space<hbm>> -> memref<10240xi32, #tpu.memory_space<hbm>>
    tpu.wait_dma2 semaphore(%arg10 : memref<!tpu.dma_semaphore, #tpu.memory_space<semaphore_mem>>) src(%dma_wait3A_65 : memref<10240xi32, #tpu.memory_space<hbm>>) dst(%dma_wait3A_62 : memref<10240xi32, #tpu.memory_space<vmem>>)
    %mul3A_66 = arith.constant 2 : i32
    %mul3A_67 = arith.muli %mul3A_66, %add3A : i32
    %add3A_68 = arith.constant 1 : i32
    %add3A_69 = arith.addi %mul3A_67, %add3A_68 : i32
    %dma_wait3A_70 = arith.constant 10240 : i32
    %dma_wait3A_71 = tpu.memref_slice %arg5[%dma_wait3A_70] : memref<20480xi32, #tpu.memory_space<vmem>> -> memref<10240xi32, #tpu.memory_space<vmem>>
    %dma_wait3A_72 = arith.constant 0 : i32
    %dma_wait3A_73 = tpu.memref_slice %arg2[%add3A_69, %dma_wait3A_72] : memref<64x10240xi32, #tpu.memory_space<hbm>> -> memref<1x10240xi32, #tpu.memory_space<hbm>>
    %dma_wait3A_74 = tpu.memref_squeeze %dma_wait3A_73 : memref<1x10240xi32, #tpu.memory_space<hbm>> -> memref<10240xi32, #tpu.memory_space<hbm>>
    %dma_wait3A_75 = arith.constant 10240 : i32
    %dma_wait3A_76 = tpu.memref_slice %arg5[%dma_wait3A_75] : memref<20480xi32, #tpu.memory_space<vmem>> -> memref<10240xi32, #tpu.memory_space<vmem>>
    %dma_wait3A_77 = arith.constant 0 : i32
    %dma_wait3A_78 = tpu.memref_slice %arg2[%add3A_69, %dma_wait3A_77] : memref<64x10240xi32, #tpu.memory_space<hbm>> -> memref<1x10240xi32, #tpu.memory_space<hbm>>
    %dma_wait3A_79 = tpu.memref_squeeze %dma_wait3A_78 : memref<1x10240xi32, #tpu.memory_space<hbm>> -> memref<10240xi32, #tpu.memory_space<hbm>>
    tpu.wait_dma2 semaphore(%arg10 : memref<!tpu.dma_semaphore, #tpu.memory_space<semaphore_mem>>) src(%dma_wait3A_79 : memref<10240xi32, #tpu.memory_space<hbm>>) dst(%dma_wait3A_76 : memref<10240xi32, #tpu.memory_space<vmem>>)
    %scan3A = arith.constant 0 : i32
    %scan3A_80 = arith.constant 0 : i32
    %scan3A_81 = arith.constant 50 : i32
    %scan3A_82 = arith.addi %scan3A_80, %scan3A_81 : i32
    %scan3A_83 = arith.constant 1 : i32
    %scan3A_84 = scf.for %scan3A_198 = %scan3A_80 to %scan3A_82 step %scan3A_83 iter_args(%scan3A_199 = %scan3A) -> (i32)  : i32 {
      %mul3A_200 = arith.constant 2 : i32
      %mul3A_201 = arith.muli %mul3A_200, %scan3A_198 : i32
      %add3A_202 = arith.constant 0 : i32
      %add3A_203 = arith.addi %mul3A_201, %add3A_202 : i32
      %dma_wait3A_204 = arith.constant 0 : i32
      %dma_wait3A_205 = arith.constant 0 : i32
      %dma_wait3A_206 = tpu.memref_slice %arg7[%dma_wait3A_204, %dma_wait3A_205] : memref<2x3200xi32, #tpu.memory_space<vmem>> -> memref<1x3200xi32, #tpu.memory_space<vmem>>
      %dma_wait3A_207 = tpu.memref_squeeze %dma_wait3A_206 : memref<1x3200xi32, #tpu.memory_space<vmem>> -> memref<3200xi32, #tpu.memory_space<vmem>>
      %dma_wait3A_208 = arith.constant 0 : i32
      %dma_wait3A_209 = tpu.memref_slice %arg3[%dma_wait3A_208] : memref<320000xi32, #tpu.memory_space<hbm>> -> memref<3200xi32, #tpu.memory_space<hbm>>
      %dma_wait3A_210 = arith.constant 0 : i32
      %dma_wait3A_211 = tpu.memref_slice %arg7[%dma_wait3A_204, %dma_wait3A_210] : memref<2x3200xi32, #tpu.memory_space<vmem>> -> memref<1x3200xi32, #tpu.memory_space<vmem>>
      %dma_wait3A_212 = tpu.memref_squeeze %dma_wait3A_211 : memref<1x3200xi32, #tpu.memory_space<vmem>> -> memref<3200xi32, #tpu.memory_space<vmem>>
      %dma_wait3A_213 = arith.constant 0 : i32
      %dma_wait3A_214 = tpu.memref_slice %arg3[%dma_wait3A_213] : memref<320000xi32, #tpu.memory_space<hbm>> -> memref<3200xi32, #tpu.memory_space<hbm>>
      tpu.wait_dma2 semaphore(%arg8 : memref<!tpu.dma_semaphore, #tpu.memory_space<semaphore_mem>>) src(%dma_wait3A_214 : memref<3200xi32, #tpu.memory_space<hbm>>) dst(%dma_wait3A_212 : memref<3200xi32, #tpu.memory_space<vmem>>)
      %parallel_loop3A_215 = arith.constant 0 : i32
      %parallel_loop3A_216 = arith.constant 200 : i32
      %parallel_loop3A_217 = arith.constant 1 : i32
      scf.for %parallel_loop3A_248 = %parallel_loop3A_215 to %parallel_loop3A_216 step %parallel_loop3A_217  : i32 {
        %parallel_loop3A_249 = arith.constant 16 : i32
        %parallel_loop3A_250 = arith.muli %parallel_loop3A_248, %parallel_loop3A_249 : i32
        %parallel_loop3A_251 = arith.constant 0 : i32
        %parallel_loop3A_252 = arith.index_cast %parallel_loop3A_251 : i32 to index
        %parallel_loop3A_253 = arith.index_cast %parallel_loop3A_250 : i32 to index
        %parallel_loop3A_254 = tpu.vector_load %arg7[%parallel_loop3A_252, %parallel_loop3A_253] {strides = array<i32>} : memref<2x3200xi32, #tpu.memory_space<vmem>>, vector<16xi32>,
        %parallel_loop3A_255 = vector.bitcast %parallel_loop3A_254 : vector<16xi32> to vector<32xi16>
        %parallel_loop3A_256 = tpu.unpack_subelements %parallel_loop3A_255, 0 {pack_format = #tpu.pack_format<interleaved>} : vector<32xi16> -> vector<16xi32>
        %parallel_loop3A_257 = tpu.unpack_subelements %parallel_loop3A_255, 1 {pack_format = #tpu.pack_format<interleaved>} : vector<32xi16> -> vector<16xi32>
        %parallel_loop3A_258 = arith.constant 0 : i32
        %parallel_loop3A_259 = vector.broadcast %parallel_loop3A_258 : i32 to vector<16xi32>
        %parallel_loop3A_260 = arith.addi %parallel_loop3A_256, %parallel_loop3A_259 : vector<16xi32>
        %parallel_loop3A_261 = tpu.vector_load_idx %arg5[%parallel_loop3A_260] : memref<20480xi32, #tpu.memory_space<vmem>>[vector<16xi32>], vector<16xi32>,
        %parallel_loop3A_262 = vector.bitcast %parallel_loop3A_261 : vector<16xi32> to vector<32xbf16>
        %parallel_loop3A_263 = tpu.unpack_subelements %parallel_loop3A_262, 0 {pack_format = #tpu.pack_format<interleaved>} : vector<32xbf16> -> vector<16xf32>
        %parallel_loop3A_264 = tpu.unpack_subelements %parallel_loop3A_262, 1 {pack_format = #tpu.pack_format<interleaved>} : vector<32xbf16> -> vector<16xf32>
        %parallel_loop3A_265 = arith.constant 0 : i32
        %parallel_loop3A_266 = vector.broadcast %parallel_loop3A_265 : i32 to vector<16xi32>
        %parallel_loop3A_267 = arith.addi %parallel_loop3A_257, %parallel_loop3A_266 : vector<16xi32>
        tpu.vector_store_idx %arg6[%parallel_loop3A_267], %parallel_loop3A_263 {add = true} : memref<40960xf32, #tpu.memory_space<vmem>>[vector<16xi32>], vector<16xf32>,
        %parallel_loop3A_268 = arith.constant 10240 : i32
        %parallel_loop3A_269 = vector.broadcast %parallel_loop3A_268 : i32 to vector<16xi32>
        %parallel_loop3A_270 = arith.addi %parallel_loop3A_257, %parallel_loop3A_269 : vector<16xi32>
        tpu.vector_store_idx %arg6[%parallel_loop3A_270], %parallel_loop3A_264 {add = true} : memref<40960xf32, #tpu.memory_space<vmem>>[vector<16xi32>], vector<16xf32>,
        %parallel_loop3A_271 = arith.constant 10240 : i32
        %parallel_loop3A_272 = vector.broadcast %parallel_loop3A_271 : i32 to vector<16xi32>
        %parallel_loop3A_273 = arith.addi %parallel_loop3A_256, %parallel_loop3A_272 : vector<16xi32>
        %parallel_loop3A_274 = tpu.vector_load_idx %arg5[%parallel_loop3A_273] : memref<20480xi32, #tpu.memory_space<vmem>>[vector<16xi32>], vector<16xi32>,
        %parallel_loop3A_275 = vector.bitcast %parallel_loop3A_274 : vector<16xi32> to vector<32xbf16>
        %parallel_loop3A_276 = tpu.unpack_subelements %parallel_loop3A_275, 0 {pack_format = #tpu.pack_format<interleaved>} : vector<32xbf16> -> vector<16xf32>
        %parallel_loop3A_277 = tpu.unpack_subelements %parallel_loop3A_275, 1 {pack_format = #tpu.pack_format<interleaved>} : vector<32xbf16> -> vector<16xf32>
        %parallel_loop3A_278 = arith.constant 20480 : i32
        %parallel_loop3A_279 = vector.broadcast %parallel_loop3A_278 : i32 to vector<16xi32>
        %parallel_loop3A_280 = arith.addi %parallel_loop3A_257, %parallel_loop3A_279 : vector<16xi32>
        tpu.vector_store_idx %arg6[%parallel_loop3A_280], %parallel_loop3A_276 {add = true} : memref<40960xf32, #tpu.memory_space<vmem>>[vector<16xi32>], vector<16xf32>,
        %parallel_loop3A_281 = arith.constant 30720 : i32
        %parallel_loop3A_282 = vector.broadcast %parallel_loop3A_281 : i32 to vector<16xi32>
        %parallel_loop3A_283 = arith.addi %parallel_loop3A_257, %parallel_loop3A_282 : vector<16xi32>
        tpu.vector_store_idx %arg6[%parallel_loop3A_283], %parallel_loop3A_277 {add = true} : memref<40960xf32, #tpu.memory_space<vmem>>[vector<16xi32>], vector<16xf32>,
      } {sc.loop_unroll_factor = 4 : i64, sc.parallel_access}
      %add3A_218 = arith.constant 2 : i32
      %add3A_219 = arith.addi %add3A_203, %add3A_218 : i32
      %lt3A = arith.constant 100 : i32
      %lt3A_220 = arith.cmpi slt, %add3A_219, %lt3A : i32
      %convert_element_type3A = arith.extui %lt3A_220 : i1 to i32
      %cond3A = arith.constant 0 : i32
      %cond3A_221 = arith.cmpi ne, %convert_element_type3A, %cond3A : i32
      scf.if %cond3A_221 {
        %add3A_248 = arith.constant 2 : i32
        %add3A_249 = arith.addi %add3A_203, %add3A_248 : i32
        %mul3A_250 = arith.constant 3200 : i32
        %mul3A_251 = arith.muli %add3A_249, %mul3A_250 : i32
        %dma_start3A_252 = arith.constant 0 : i32
        %dma_start3A_253 = arith.constant 0 : i32
        %dma_start3A_254 = tpu.memref_slice %arg7[%dma_start3A_252, %dma_start3A_253] : memref<2x3200xi32, #tpu.memory_space<vmem>> -> memref<1x3200xi32, #tpu.memory_space<vmem>>
        %dma_start3A_255 = tpu.memref_squeeze %dma_start3A_254 : memref<1x3200xi32, #tpu.memory_space<vmem>> -> memref<3200xi32, #tpu.memory_space<vmem>>
        %dma_start3A_256 = tpu.memref_slice %arg3[%mul3A_251] : memref<320000xi32, #tpu.memory_space<hbm>> -> memref<3200xi32, #tpu.memory_space<hbm>>
        %dma_start3A_257 = arith.constant 0 : i32
        %dma_start3A_258 = tpu.memref_slice %arg7[%dma_start3A_252, %dma_start3A_257] : memref<2x3200xi32, #tpu.memory_space<vmem>> -> memref<1x3200xi32, #tpu.memory_space<vmem>>
        %dma_start3A_259 = tpu.memref_squeeze %dma_start3A_258 : memref<1x3200xi32, #tpu.memory_space<vmem>> -> memref<3200xi32, #tpu.memory_space<vmem>>
        %dma_start3A_260 = tpu.memref_slice %arg3[%mul3A_251] : memref<320000xi32, #tpu.memory_space<hbm>> -> memref<3200xi32, #tpu.memory_space<hbm>>
        tpu.enqueue_dma source(%dma_start3A_260 : memref<3200xi32, #tpu.memory_space<hbm>>) target(%dma_start3A_259 : memref<3200xi32, #tpu.memory_space<vmem>>) target_semaphore(%arg8 : memref<!tpu.dma_semaphore, #tpu.memory_space<semaphore_mem>>)
      } else {
      }
      %mul3A_222 = arith.constant 2 : i32
      %mul3A_223 = arith.muli %mul3A_222, %scan3A_198 : i32
      %add3A_224 = arith.constant 1 : i32
      %add3A_225 = arith.addi %mul3A_223, %add3A_224 : i32
      %dma_wait3A_226 = arith.constant 1 : i32
      %dma_wait3A_227 = arith.constant 0 : i32
      %dma_wait3A_228 = tpu.memref_slice %arg7[%dma_wait3A_226, %dma_wait3A_227] : memref<2x3200xi32, #tpu.memory_space<vmem>> -> memref<1x3200xi32, #tpu.memory_space<vmem>>
      %dma_wait3A_229 = tpu.memref_squeeze %dma_wait3A_228 : memref<1x3200xi32, #tpu.memory_space<vmem>> -> memref<3200xi32, #tpu.memory_space<vmem>>
      %dma_wait3A_230 = arith.constant 0 : i32
      %dma_wait3A_231 = tpu.memref_slice %arg3[%dma_wait3A_230] : memref<320000xi32, #tpu.memory_space<hbm>> -> memref<3200xi32, #tpu.memory_space<hbm>>
      %dma_wait3A_232 = arith.constant 0 : i32
      %dma_wait3A_233 = tpu.memref_slice %arg7[%dma_wait3A_226, %dma_wait3A_232] : memref<2x3200xi32, #tpu.memory_space<vmem>> -> memref<1x3200xi32, #tpu.memory_space<vmem>>
      %dma_wait3A_234 = tpu.memref_squeeze %dma_wait3A_233 : memref<1x3200xi32, #tpu.memory_space<vmem>> -> memref<3200xi32, #tpu.memory_space<vmem>>
      %dma_wait3A_235 = arith.constant 0 : i32
      %dma_wait3A_236 = tpu.memref_slice %arg3[%dma_wait3A_235] : memref<320000xi32, #tpu.memory_space<hbm>> -> memref<3200xi32, #tpu.memory_space<hbm>>
      tpu.wait_dma2 semaphore(%arg9 : memref<!tpu.dma_semaphore, #tpu.memory_space<semaphore_mem>>) src(%dma_wait3A_236 : memref<3200xi32, #tpu.memory_space<hbm>>) dst(%dma_wait3A_234 : memref<3200xi32, #tpu.memory_space<vmem>>)
      %parallel_loop3A_237 = arith.constant 0 : i32
      %parallel_loop3A_238 = arith.constant 200 : i32
      %parallel_loop3A_239 = arith.constant 1 : i32
      scf.for %parallel_loop3A_248 = %parallel_loop3A_237 to %parallel_loop3A_238 step %parallel_loop3A_239  : i32 {
        %parallel_loop3A_249 = arith.constant 16 : i32
        %parallel_loop3A_250 = arith.muli %parallel_loop3A_248, %parallel_loop3A_249 : i32
        %parallel_loop3A_251 = arith.constant 1 : i32
        %parallel_loop3A_252 = arith.index_cast %parallel_loop3A_251 : i32 to index
        %parallel_loop3A_253 = arith.index_cast %parallel_loop3A_250 : i32 to index
        %parallel_loop3A_254 = tpu.vector_load %arg7[%parallel_loop3A_252, %parallel_loop3A_253] {strides = array<i32>} : memref<2x3200xi32, #tpu.memory_space<vmem>>, vector<16xi32>,
        %parallel_loop3A_255 = vector.bitcast %parallel_loop3A_254 : vector<16xi32> to vector<32xi16>
        %parallel_loop3A_256 = tpu.unpack_subelements %parallel_loop3A_255, 0 {pack_format = #tpu.pack_format<interleaved>} : vector<32xi16> -> vector<16xi32>
        %parallel_loop3A_257 = tpu.unpack_subelements %parallel_loop3A_255, 1 {pack_format = #tpu.pack_format<interleaved>} : vector<32xi16> -> vector<16xi32>
        %parallel_loop3A_258 = arith.constant 0 : i32
        %parallel_loop3A_259 = vector.broadcast %parallel_loop3A_258 : i32 to vector<16xi32>
        %parallel_loop3A_260 = arith.addi %parallel_loop3A_256, %parallel_loop3A_259 : vector<16xi32>
        %parallel_loop3A_261 = tpu.vector_load_idx %arg5[%parallel_loop3A_260] : memref<20480xi32, #tpu.memory_space<vmem>>[vector<16xi32>], vector<16xi32>,
        %parallel_loop3A_262 = vector.bitcast %parallel_loop3A_261 : vector<16xi32> to vector<32xbf16>
        %parallel_loop3A_263 = tpu.unpack_subelements %parallel_loop3A_262, 0 {pack_format = #tpu.pack_format<interleaved>} : vector<32xbf16> -> vector<16xf32>
        %parallel_loop3A_264 = tpu.unpack_subelements %parallel_loop3A_262, 1 {pack_format = #tpu.pack_format<interleaved>} : vector<32xbf16> -> vector<16xf32>
        %parallel_loop3A_265 = arith.constant 0 : i32
        %parallel_loop3A_266 = vector.broadcast %parallel_loop3A_265 : i32 to vector<16xi32>
        %parallel_loop3A_267 = arith.addi %parallel_loop3A_257, %parallel_loop3A_266 : vector<16xi32>
        tpu.vector_store_idx %arg6[%parallel_loop3A_267], %parallel_loop3A_263 {add = true} : memref<40960xf32, #tpu.memory_space<vmem>>[vector<16xi32>], vector<16xf32>,
        %parallel_loop3A_268 = arith.constant 10240 : i32
        %parallel_loop3A_269 = vector.broadcast %parallel_loop3A_268 : i32 to vector<16xi32>
        %parallel_loop3A_270 = arith.addi %parallel_loop3A_257, %parallel_loop3A_269 : vector<16xi32>
        tpu.vector_store_idx %arg6[%parallel_loop3A_270], %parallel_loop3A_264 {add = true} : memref<40960xf32, #tpu.memory_space<vmem>>[vector<16xi32>], vector<16xf32>,
        %parallel_loop3A_271 = arith.constant 10240 : i32
        %parallel_loop3A_272 = vector.broadcast %parallel_loop3A_271 : i32 to vector<16xi32>
        %parallel_loop3A_273 = arith.addi %parallel_loop3A_256, %parallel_loop3A_272 : vector<16xi32>
        %parallel_loop3A_274 = tpu.vector_load_idx %arg5[%parallel_loop3A_273] : memref<20480xi32, #tpu.memory_space<vmem>>[vector<16xi32>], vector<16xi32>,
        %parallel_loop3A_275 = vector.bitcast %parallel_loop3A_274 : vector<16xi32> to vector<32xbf16>
        %parallel_loop3A_276 = tpu.unpack_subelements %parallel_loop3A_275, 0 {pack_format = #tpu.pack_format<interleaved>} : vector<32xbf16> -> vector<16xf32>
        %parallel_loop3A_277 = tpu.unpack_subelements %parallel_loop3A_275, 1 {pack_format = #tpu.pack_format<interleaved>} : vector<32xbf16> -> vector<16xf32>
        %parallel_loop3A_278 = arith.constant 20480 : i32
        %parallel_loop3A_279 = vector.broadcast %parallel_loop3A_278 : i32 to vector<16xi32>
        %parallel_loop3A_280 = arith.addi %parallel_loop3A_257, %parallel_loop3A_279 : vector<16xi32>
        tpu.vector_store_idx %arg6[%parallel_loop3A_280], %parallel_loop3A_276 {add = true} : memref<40960xf32, #tpu.memory_space<vmem>>[vector<16xi32>], vector<16xf32>,
        %parallel_loop3A_281 = arith.constant 30720 : i32
        %parallel_loop3A_282 = vector.broadcast %parallel_loop3A_281 : i32 to vector<16xi32>
        %parallel_loop3A_283 = arith.addi %parallel_loop3A_257, %parallel_loop3A_282 : vector<16xi32>
        tpu.vector_store_idx %arg6[%parallel_loop3A_283], %parallel_loop3A_277 {add = true} : memref<40960xf32, #tpu.memory_space<vmem>>[vector<16xi32>], vector<16xf32>,
      } {sc.loop_unroll_factor = 4 : i64, sc.parallel_access}
      %add3A_240 = arith.constant 2 : i32
      %add3A_241 = arith.addi %add3A_225, %add3A_240 : i32
      %lt3A_242 = arith.constant 100 : i32
      %lt3A_243 = arith.cmpi slt, %add3A_241, %lt3A_242 : i32
      %convert_element_type3A_244 = arith.extui %lt3A_243 : i1 to i32
      %cond3A_245 = arith.constant 0 : i32
      %cond3A_246 = arith.cmpi ne, %convert_element_type3A_244, %cond3A_245 : i32
      scf.if %cond3A_246 {
        %add3A_248 = arith.constant 2 : i32
        %add3A_249 = arith.addi %add3A_225, %add3A_248 : i32
        %mul3A_250 = arith.constant 3200 : i32
        %mul3A_251 = arith.muli %add3A_249, %mul3A_250 : i32
        %dma_start3A_252 = arith.constant 1 : i32
        %dma_start3A_253 = arith.constant 0 : i32
        %dma_start3A_254 = tpu.memref_slice %arg7[%dma_start3A_252, %dma_start3A_253] : memref<2x3200xi32, #tpu.memory_space<vmem>> -> memref<1x3200xi32, #tpu.memory_space<vmem>>
        %dma_start3A_255 = tpu.memref_squeeze %dma_start3A_254 : memref<1x3200xi32, #tpu.memory_space<vmem>> -> memref<3200xi32, #tpu.memory_space<vmem>>
        %dma_start3A_256 = tpu.memref_slice %arg3[%mul3A_251] : memref<320000xi32, #tpu.memory_space<hbm>> -> memref<3200xi32, #tpu.memory_space<hbm>>
        %dma_start3A_257 = arith.constant 0 : i32
        %dma_start3A_258 = tpu.memref_slice %arg7[%dma_start3A_252, %dma_start3A_257] : memref<2x3200xi32, #tpu.memory_space<vmem>> -> memref<1x3200xi32, #tpu.memory_space<vmem>>
        %dma_start3A_259 = tpu.memref_squeeze %dma_start3A_258 : memref<1x3200xi32, #tpu.memory_space<vmem>> -> memref<3200xi32, #tpu.memory_space<vmem>>
        %dma_start3A_260 = tpu.memref_slice %arg3[%mul3A_251] : memref<320000xi32, #tpu.memory_space<hbm>> -> memref<3200xi32, #tpu.memory_space<hbm>>
        tpu.enqueue_dma source(%dma_start3A_260 : memref<3200xi32, #tpu.memory_space<hbm>>) target(%dma_start3A_259 : memref<3200xi32, #tpu.memory_space<vmem>>) target_semaphore(%arg9 : memref<!tpu.dma_semaphore, #tpu.memory_space<semaphore_mem>>)
      } else {
      }
      %scan3A_247 = arith.constant 0 : i32
      scf.yield %scan3A_247 : i32
    }
    %scan3A_85 = arith.constant 50 : i32
    %mul3A_86 = arith.constant 4 : i32
    %mul3A_87 = arith.muli %mul3A_86, %add3A : i32
    %add3A_88 = arith.constant 0 : i32
    %add3A_89 = arith.addi %mul3A_87, %add3A_88 : i32
    %dma_start3A_90 = arith.constant 0 : i32
    %dma_start3A_91 = tpu.memref_slice %arg6[%dma_start3A_90] : memref<40960xf32, #tpu.memory_space<vmem>> -> memref<10240xf32, #tpu.memory_space<vmem>>
    %dma_start3A_92 = arith.constant 0 : i32
    %dma_start3A_93 = tpu.memref_slice %arg4[%add3A_89, %dma_start3A_92] : memref<128x10240xf32, #tpu.memory_space<hbm>> -> memref<1x10240xf32, #tpu.memory_space<hbm>>
    %dma_start3A_94 = tpu.memref_squeeze %dma_start3A_93 : memref<1x10240xf32, #tpu.memory_space<hbm>> -> memref<10240xf32, #tpu.memory_space<hbm>>
    %dma_start3A_95 = arith.constant 0 : i32
    %dma_start3A_96 = tpu.memref_slice %arg4[%add3A_89, %dma_start3A_95] : memref<128x10240xf32, #tpu.memory_space<hbm>> -> memref<1x10240xf32, #tpu.memory_space<hbm>>
    %dma_start3A_97 = tpu.memref_squeeze %dma_start3A_96 : memref<1x10240xf32, #tpu.memory_space<hbm>> -> memref<10240xf32, #tpu.memory_space<hbm>>
    %dma_start3A_98 = arith.constant 0 : i32
    %dma_start3A_99 = tpu.memref_slice %arg6[%dma_start3A_98] : memref<40960xf32, #tpu.memory_space<vmem>> -> memref<10240xf32, #tpu.memory_space<vmem>>
    tpu.enqueue_dma source(%dma_start3A_99 : memref<10240xf32, #tpu.memory_space<vmem>>) target(%dma_start3A_97 : memref<10240xf32, #tpu.memory_space<hbm>>) target_semaphore(%arg10 : memref<!tpu.dma_semaphore, #tpu.memory_space<semaphore_mem>>)
    %mul3A_100 = arith.constant 4 : i32
    %mul3A_101 = arith.muli %mul3A_100, %add3A : i32
    %add3A_102 = arith.constant 1 : i32
    %add3A_103 = arith.addi %mul3A_101, %add3A_102 : i32
    %dma_start3A_104 = arith.constant 10240 : i32
    %dma_start3A_105 = tpu.memref_slice %arg6[%dma_start3A_104] : memref<40960xf32, #tpu.memory_space<vmem>> -> memref<10240xf32, #tpu.memory_space<vmem>>
    %dma_start3A_106 = arith.constant 0 : i32
    %dma_start3A_107 = tpu.memref_slice %arg4[%add3A_103, %dma_start3A_106] : memref<128x10240xf32, #tpu.memory_space<hbm>> -> memref<1x10240xf32, #tpu.memory_space<hbm>>
    %dma_start3A_108 = tpu.memref_squeeze %dma_start3A_107 : memref<1x10240xf32, #tpu.memory_space<hbm>> -> memref<10240xf32, #tpu.memory_space<hbm>>
    %dma_start3A_109 = arith.constant 0 : i32
    %dma_start3A_110 = tpu.memref_slice %arg4[%add3A_103, %dma_start3A_109] : memref<128x10240xf32, #tpu.memory_space<hbm>> -> memref<1x10240xf32, #tpu.memory_space<hbm>>
    %dma_start3A_111 = tpu.memref_squeeze %dma_start3A_110 : memref<1x10240xf32, #tpu.memory_space<hbm>> -> memref<10240xf32, #tpu.memory_space<hbm>>
    %dma_start3A_112 = arith.constant 10240 : i32
    %dma_start3A_113 = tpu.memref_slice %arg6[%dma_start3A_112] : memref<40960xf32, #tpu.memory_space<vmem>> -> memref<10240xf32, #tpu.memory_space<vmem>>
    tpu.enqueue_dma source(%dma_start3A_113 : memref<10240xf32, #tpu.memory_space<vmem>>) target(%dma_start3A_111 : memref<10240xf32, #tpu.memory_space<hbm>>) target_semaphore(%arg10 : memref<!tpu.dma_semaphore, #tpu.memory_space<semaphore_mem>>)
    %mul3A_114 = arith.constant 4 : i32
    %mul3A_115 = arith.muli %mul3A_114, %add3A : i32
    %add3A_116 = arith.constant 2 : i32
    %add3A_117 = arith.addi %mul3A_115, %add3A_116 : i32
    %dma_start3A_118 = arith.constant 20480 : i32
    %dma_start3A_119 = tpu.memref_slice %arg6[%dma_start3A_118] : memref<40960xf32, #tpu.memory_space<vmem>> -> memref<10240xf32, #tpu.memory_space<vmem>>
    %dma_start3A_120 = arith.constant 0 : i32
    %dma_start3A_121 = tpu.memref_slice %arg4[%add3A_117, %dma_start3A_120] : memref<128x10240xf32, #tpu.memory_space<hbm>> -> memref<1x10240xf32, #tpu.memory_space<hbm>>
    %dma_start3A_122 = tpu.memref_squeeze %dma_start3A_121 : memref<1x10240xf32, #tpu.memory_space<hbm>> -> memref<10240xf32, #tpu.memory_space<hbm>>
    %dma_start3A_123 = arith.constant 0 : i32
    %dma_start3A_124 = tpu.memref_slice %arg4[%add3A_117, %dma_start3A_123] : memref<128x10240xf32, #tpu.memory_space<hbm>> -> memref<1x10240xf32, #tpu.memory_space<hbm>>
    %dma_start3A_125 = tpu.memref_squeeze %dma_start3A_124 : memref<1x10240xf32, #tpu.memory_space<hbm>> -> memref<10240xf32, #tpu.memory_space<hbm>>
    %dma_start3A_126 = arith.constant 20480 : i32
    %dma_start3A_127 = tpu.memref_slice %arg6[%dma_start3A_126] : memref<40960xf32, #tpu.memory_space<vmem>> -> memref<10240xf32, #tpu.memory_space<vmem>>
    tpu.enqueue_dma source(%dma_start3A_127 : memref<10240xf32, #tpu.memory_space<vmem>>) target(%dma_start3A_125 : memref<10240xf32, #tpu.memory_space<hbm>>) target_semaphore(%arg10 : memref<!tpu.dma_semaphore, #tpu.memory_space<semaphore_mem>>)
    %mul3A_128 = arith.constant 4 : i32
    %mul3A_129 = arith.muli %mul3A_128, %add3A : i32
    %add3A_130 = arith.constant 3 : i32
    %add3A_131 = arith.addi %mul3A_129, %add3A_130 : i32
    %dma_start3A_132 = arith.constant 30720 : i32
    %dma_start3A_133 = tpu.memref_slice %arg6[%dma_start3A_132] : memref<40960xf32, #tpu.memory_space<vmem>> -> memref<10240xf32, #tpu.memory_space<vmem>>
    %dma_start3A_134 = arith.constant 0 : i32
    %dma_start3A_135 = tpu.memref_slice %arg4[%add3A_131, %dma_start3A_134] : memref<128x10240xf32, #tpu.memory_space<hbm>> -> memref<1x10240xf32, #tpu.memory_space<hbm>>
    %dma_start3A_136 = tpu.memref_squeeze %dma_start3A_135 : memref<1x10240xf32, #tpu.memory_space<hbm>> -> memref<10240xf32, #tpu.memory_space<hbm>>
    %dma_start3A_137 = arith.constant 0 : i32
    %dma_start3A_138 = tpu.memref_slice %arg4[%add3A_131, %dma_start3A_137] : memref<128x10240xf32, #tpu.memory_space<hbm>> -> memref<1x10240xf32, #tpu.memory_space<hbm>>
    %dma_start3A_139 = tpu.memref_squeeze %dma_start3A_138 : memref<1x10240xf32, #tpu.memory_space<hbm>> -> memref<10240xf32, #tpu.memory_space<hbm>>
    %dma_start3A_140 = arith.constant 30720 : i32
    %dma_start3A_141 = tpu.memref_slice %arg6[%dma_start3A_140] : memref<40960xf32, #tpu.memory_space<vmem>> -> memref<10240xf32, #tpu.memory_space<vmem>>
    tpu.enqueue_dma source(%dma_start3A_141 : memref<10240xf32, #tpu.memory_space<vmem>>) target(%dma_start3A_139 : memref<10240xf32, #tpu.memory_space<hbm>>) target_semaphore(%arg10 : memref<!tpu.dma_semaphore, #tpu.memory_space<semaphore_mem>>)
    %mul3A_142 = arith.constant 4 : i32
    %mul3A_143 = arith.muli %mul3A_142, %add3A : i32
    %add3A_144 = arith.constant 0 : i32
    %add3A_145 = arith.addi %mul3A_143, %add3A_144 : i32
    %dma_wait3A_146 = arith.constant 0 : i32
    %dma_wait3A_147 = tpu.memref_slice %arg6[%dma_wait3A_146] : memref<40960xf32, #tpu.memory_space<vmem>> -> memref<10240xf32, #tpu.memory_space<vmem>>
    %dma_wait3A_148 = arith.constant 0 : i32
    %dma_wait3A_149 = tpu.memref_slice %arg4[%add3A_145, %dma_wait3A_148] : memref<128x10240xf32, #tpu.memory_space<hbm>> -> memref<1x10240xf32, #tpu.memory_space<hbm>>
    %dma_wait3A_150 = tpu.memref_squeeze %dma_wait3A_149 : memref<1x10240xf32, #tpu.memory_space<hbm>> -> memref<10240xf32, #tpu.memory_space<hbm>>
    %dma_wait3A_151 = arith.constant 0 : i32
    %dma_wait3A_152 = tpu.memref_slice %arg4[%add3A_145, %dma_wait3A_151] : memref<128x10240xf32, #tpu.memory_space<hbm>> -> memref<1x10240xf32, #tpu.memory_space<hbm>>
    %dma_wait3A_153 = tpu.memref_squeeze %dma_wait3A_152 : memref<1x10240xf32, #tpu.memory_space<hbm>> -> memref<10240xf32, #tpu.memory_space<hbm>>
    %dma_wait3A_154 = arith.constant 0 : i32
    %dma_wait3A_155 = tpu.memref_slice %arg6[%dma_wait3A_154] : memref<40960xf32, #tpu.memory_space<vmem>> -> memref<10240xf32, #tpu.memory_space<vmem>>
    tpu.wait_dma2 semaphore(%arg10 : memref<!tpu.dma_semaphore, #tpu.memory_space<semaphore_mem>>) src(%dma_wait3A_155 : memref<10240xf32, #tpu.memory_space<vmem>>) dst(%dma_wait3A_153 : memref<10240xf32, #tpu.memory_space<hbm>>)
    %mul3A_156 = arith.constant 4 : i32
    %mul3A_157 = arith.muli %mul3A_156, %add3A : i32
    %add3A_158 = arith.constant 1 : i32
    %add3A_159 = arith.addi %mul3A_157, %add3A_158 : i32
    %dma_wait3A_160 = arith.constant 10240 : i32
    %dma_wait3A_161 = tpu.memref_slice %arg6[%dma_wait3A_160] : memref<40960xf32, #tpu.memory_space<vmem>> -> memref<10240xf32, #tpu.memory_space<vmem>>
    %dma_wait3A_162 = arith.constant 0 : i32
    %dma_wait3A_163 = tpu.memref_slice %arg4[%add3A_159, %dma_wait3A_162] : memref<128x10240xf32, #tpu.memory_space<hbm>> -> memref<1x10240xf32, #tpu.memory_space<hbm>>
    %dma_wait3A_164 = tpu.memref_squeeze %dma_wait3A_163 : memref<1x10240xf32, #tpu.memory_space<hbm>> -> memref<10240xf32, #tpu.memory_space<hbm>>
    %dma_wait3A_165 = arith.constant 0 : i32
    %dma_wait3A_166 = tpu.memref_slice %arg4[%add3A_159, %dma_wait3A_165] : memref<128x10240xf32, #tpu.memory_space<hbm>> -> memref<1x10240xf32, #tpu.memory_space<hbm>>
    %dma_wait3A_167 = tpu.memref_squeeze %dma_wait3A_166 : memref<1x10240xf32, #tpu.memory_space<hbm>> -> memref<10240xf32, #tpu.memory_space<hbm>>
    %dma_wait3A_168 = arith.constant 10240 : i32
    %dma_wait3A_169 = tpu.memref_slice %arg6[%dma_wait3A_168] : memref<40960xf32, #tpu.memory_space<vmem>> -> memref<10240xf32, #tpu.memory_space<vmem>>
    tpu.wait_dma2 semaphore(%arg10 : memref<!tpu.dma_semaphore, #tpu.memory_space<semaphore_mem>>) src(%dma_wait3A_169 : memref<10240xf32, #tpu.memory_space<vmem>>) dst(%dma_wait3A_167 : memref<10240xf32, #tpu.memory_space<hbm>>)
    %mul3A_170 = arith.constant 4 : i32
    %mul3A_171 = arith.muli %mul3A_170, %add3A : i32
    %add3A_172 = arith.constant 2 : i32
    %add3A_173 = arith.addi %mul3A_171, %add3A_172 : i32
    %dma_wait3A_174 = arith.constant 20480 : i32
    %dma_wait3A_175 = tpu.memref_slice %arg6[%dma_wait3A_174] : memref<40960xf32, #tpu.memory_space<vmem>> -> memref<10240xf32, #tpu.memory_space<vmem>>
    %dma_wait3A_176 = arith.constant 0 : i32
    %dma_wait3A_177 = tpu.memref_slice %arg4[%add3A_173, %dma_wait3A_176] : memref<128x10240xf32, #tpu.memory_space<hbm>> -> memref<1x10240xf32, #tpu.memory_space<hbm>>
    %dma_wait3A_178 = tpu.memref_squeeze %dma_wait3A_177 : memref<1x10240xf32, #tpu.memory_space<hbm>> -> memref<10240xf32, #tpu.memory_space<hbm>>
    %dma_wait3A_179 = arith.constant 0 : i32
    %dma_wait3A_180 = tpu.memref_slice %arg4[%add3A_173, %dma_wait3A_179] : memref<128x10240xf32, #tpu.memory_space<hbm>> -> memref<1x10240xf32, #tpu.memory_space<hbm>>
    %dma_wait3A_181 = tpu.memref_squeeze %dma_wait3A_180 : memref<1x10240xf32, #tpu.memory_space<hbm>> -> memref<10240xf32, #tpu.memory_space<hbm>>
    %dma_wait3A_182 = arith.constant 20480 : i32
    %dma_wait3A_183 = tpu.memref_slice %arg6[%dma_wait3A_182] : memref<40960xf32, #tpu.memory_space<vmem>> -> memref<10240xf32, #tpu.memory_space<vmem>>
    tpu.wait_dma2 semaphore(%arg10 : memref<!tpu.dma_semaphore, #tpu.memory_space<semaphore_mem>>) src(%dma_wait3A_183 : memref<10240xf32, #tpu.memory_space<vmem>>) dst(%dma_wait3A_181 : memref<10240xf32, #tpu.memory_space<hbm>>)
    %mul3A_184 = arith.constant 4 : i32
    %mul3A_185 = arith.muli %mul3A_184, %add3A : i32
    %add3A_186 = arith.constant 3 : i32
    %add3A_187 = arith.addi %mul3A_185, %add3A_186 : i32
    %dma_wait3A_188 = arith.constant 30720 : i32
    %dma_wait3A_189 = tpu.memref_slice %arg6[%dma_wait3A_188] : memref<40960xf32, #tpu.memory_space<vmem>> -> memref<10240xf32, #tpu.memory_space<vmem>>
    %dma_wait3A_190 = arith.constant 0 : i32
    %dma_wait3A_191 = tpu.memref_slice %arg4[%add3A_187, %dma_wait3A_190] : memref<128x10240xf32, #tpu.memory_space<hbm>> -> memref<1x10240xf32, #tpu.memory_space<hbm>>
    %dma_wait3A_192 = tpu.memref_squeeze %dma_wait3A_191 : memref<1x10240xf32, #tpu.memory_space<hbm>> -> memref<10240xf32, #tpu.memory_space<hbm>>
    %dma_wait3A_193 = arith.constant 0 : i32
    %dma_wait3A_194 = tpu.memref_slice %arg4[%add3A_187, %dma_wait3A_193] : memref<128x10240xf32, #tpu.memory_space<hbm>> -> memref<1x10240xf32, #tpu.memory_space<hbm>>
    %dma_wait3A_195 = tpu.memref_squeeze %dma_wait3A_194 : memref<1x10240xf32, #tpu.memory_space<hbm>> -> memref<10240xf32, #tpu.memory_space<hbm>>
    %dma_wait3A_196 = arith.constant 30720 : i32
    %dma_wait3A_197 = tpu.memref_slice %arg6[%dma_wait3A_196] : memref<40960xf32, #tpu.memory_space<vmem>> -> memref<10240xf32, #tpu.memory_space<vmem>>
    tpu.wait_dma2 semaphore(%arg10 : memref<!tpu.dma_semaphore, #tpu.memory_space<semaphore_mem>>) src(%dma_wait3A_197 : memref<10240xf32, #tpu.memory_space<vmem>>) dst(%dma_wait3A_195 : memref<10240xf32, #tpu.memory_space<hbm>>)
    return
  }
}

module attributes {stable_mosaic.version = 14 : i64} {
  func.func @_mid_body(%arg0: i32, %arg1: memref<128x1024xf32, #tpu.memory_space<vmem>>, %arg2: memref<32x1024xf32, #tpu.memory_space<vmem>>, %arg3: memref<1024x128xf32, #tpu.memory_space<vmem>>, %arg4: memref<128x128xf32, #tpu.memory_space<vmem>>, %arg5: memref<1x128xf32, #tpu.memory_space<vmem>>, %arg6: memref<128x128xf32, #tpu.memory_space<vmem>>, %arg7: memref<1024x128xf32, #tpu.memory_space<vmem>>, %arg8: memref<64x1024xi32, #tpu.memory_space<vmem>>) attributes {dimension_semantics = [#tpu.dimension_semantics<arbitrary>], iteration_bounds = array<i64: 10>, scalar_prefetch = 0 : i64, scratch_operands = 0 : i64, tpu.core_type = #tpu.core_type<tc>, window_params = [{transform_indices = @transform_0, window_bounds = array<i64: 128, 1024>}, {transform_indices = @transform_1, window_bounds = array<i64: 32, 1024>}, {transform_indices = @transform_2, window_bounds = array<i64: 1024, 128>}, {pipeline_mode = #tpu.pipeline_mode<synchronous>, transform_indices = @transform_3, window_bounds = array<i64: 128, 128>}, {pipeline_mode = #tpu.pipeline_mode<synchronous>, transform_indices = @transform_4, window_bounds = array<i64: 1, 128>}, {pipeline_mode = #tpu.pipeline_mode<synchronous>, transform_indices = @transform_5, window_bounds = array<i64: 128, 128>}, {transform_indices = @transform_6, window_bounds = array<i64: 1024, 128>}, {transform_indices = @transform_7, window_bounds = array<i64: 64, 1024>}]} {
    %get3A = arith.constant 0 : index
    %get3A_0 = arith.constant 0 : index
    %get3A_1 = vector.load %arg2[%get3A, %get3A_0] : memref<32x1024xf32, #tpu.memory_space<vmem>>, vector<32x1024xf32>
    %reduce_sum3A = arith.constant dense<0.000000e+00> : vector<1024xf32>
    %reduce_sum3A_2 = vector.multi_reduction <add>, %get3A_1, %reduce_sum3A [0] : vector<32x1024xf32> to vector<1024xf32>
    %broadcast_in_dim3A = vector.shape_cast %reduce_sum3A_2 : vector<1024xf32> to vector<1x1024xf32>
    %max3A = arith.constant 1.000000e+00 : f32
    %max3A_3 = vector.broadcast %max3A : f32 to vector<1x1024xf32>
    %max3A_4 = arith.maximumf %broadcast_in_dim3A, %max3A_3 : vector<1x1024xf32>
    %div3A = arith.constant 1.000000e+00 : f32
    %div3A_5 = vector.broadcast %div3A : f32 to vector<1x1024xf32>
    %div3A_6 = arith.divf %div3A_5, %max3A_4 : vector<1x1024xf32>
    %get3A_7 = arith.constant 0 : index
    %get3A_8 = arith.constant 0 : index
    %get3A_9 = vector.load %arg1[%get3A_7, %get3A_8] : memref<128x1024xf32, #tpu.memory_space<vmem>>, vector<128x1024xf32>
    %mul3A = vector.broadcast %div3A_6 : vector<1x1024xf32> to vector<128x1024xf32>
    %mul3A_10 = arith.mulf %get3A_9, %mul3A : vector<128x1024xf32>
    %iota3A = tpu.iota {dimensions = array<i32: 0>} : vector<128x128xi32>
    %iota3A_11 = tpu.iota {dimensions = array<i32: 1>} : vector<128x128xi32>
    %eq3A = arith.cmpi eq, %iota3A, %iota3A_11 : vector<128x128xi32>
    %convert_element_type3A = arith.extui %eq3A : vector<128x128xi1> to vector<128x128xi32>
    %convert_element_type3A_12 = arith.sitofp %convert_element_type3A : vector<128x128xi32> to vector<128x128xf32>
    %dot_general3A = arith.constant dense<0.000000e+00> : vector<1024x128xf32>
    %dot_general3A_13 = tpu.matmul %mul3A_10, %convert_element_type3A_12, %dot_general3A {dimension_numbers = #tpu.dot_dimension_numbers<[0], [0], [1], [1], [0, 1, 1, 1], [], []>, transpose_lhs_hint = false} : vector<128x1024xf32>, vector<128x128xf32>, vector<1024x128xf32> -> vector<1024x128xf32>
    %get3A_14 = arith.constant 0 : index
    %get3A_15 = arith.constant 0 : index
    %get3A_16 = vector.load %arg3[%get3A_14, %get3A_15] : memref<1024x128xf32, #tpu.memory_space<vmem>>, vector<1024x128xf32>
    %get3A_17 = arith.constant 0 : index
    %get3A_18 = arith.constant 0 : index
    %get3A_19 = vector.load %arg4[%get3A_17, %get3A_18] : memref<128x128xf32, #tpu.memory_space<vmem>>, vector<128x128xf32>
    %dot_general3A_20 = arith.constant dense<0.000000e+00> : vector<1024x128xf32>
    %dot_general3A_21 = tpu.matmul %get3A_16, %get3A_19, %dot_general3A_20 {dimension_numbers = #tpu.dot_dimension_numbers<[1], [1], [0], [0], [0, 0, 1, 0], [], []>, transpose_lhs_hint = false} : vector<1024x128xf32>, vector<128x128xf32>, vector<1024x128xf32> -> vector<1024x128xf32>
    %add3A = arith.addf %dot_general3A_13, %dot_general3A_21 : vector<1024x128xf32>
    %get3A_22 = arith.constant 0 : index
    %get3A_23 = arith.constant 0 : index
    %get3A_24 = vector.load %arg5[%get3A_22, %get3A_23] : memref<1x128xf32, #tpu.memory_space<vmem>>, vector<1x128xf32>
    %add3A_25 = vector.broadcast %get3A_24 : vector<1x128xf32> to vector<1024x128xf32>
    %add3A_26 = arith.addf %add3A, %add3A_25 : vector<1024x128xf32>
    %max3A_27 = arith.constant 0.000000e+00 : f32
    %max3A_28 = vector.broadcast %max3A_27 : f32 to vector<1024x128xf32>
    %max3A_29 = arith.maximumf %add3A_26, %max3A_28 : vector<1024x128xf32>
    %swap3A = arith.constant 0 : index
    %swap3A_30 = arith.constant 0 : index
    %swap3A_31 = vector.load %arg7[%swap3A, %swap3A_30] : memref<1024x128xf32, #tpu.memory_space<vmem>>, vector<1024x128xf32>
    tpu.vector_store %arg7[%swap3A, %swap3A_30], %max3A_29 {strides = array<i32>} : memref<1024x128xf32, #tpu.memory_space<vmem>>, vector<1024x128xf32>,
    %get3A_32 = arith.constant 0 : index
    %get3A_33 = arith.constant 0 : index
    %get3A_34 = vector.load %arg6[%get3A_32, %get3A_33] : memref<128x128xf32, #tpu.memory_space<vmem>>, vector<128x128xf32>
    %dot_general3A_35 = arith.constant dense<0.000000e+00> : vector<128x1024xf32>
    %dot_general3A_36 = tpu.matmul %get3A_34, %max3A_29, %dot_general3A_35 {dimension_numbers = #tpu.dot_dimension_numbers<[1], [1], [0], [0], [0, 0, 1, 0], [], []>, transpose_lhs_hint = false} : vector<128x128xf32>, vector<1024x128xf32>, vector<128x1024xf32> -> vector<128x1024xf32>
    %convert_element_type3A_37 = arith.truncf %dot_general3A_36 : vector<128x1024xf32> to vector<128x1024xbf16>
    %bitcast_convert_type3A = tpu.bitcast %convert_element_type3A_37 : vector<128x1024xbf16> -> vector<128x1024xi16>
    %convert_element_type3A_38 = arith.extui %bitcast_convert_type3A : vector<128x1024xi16> to vector<128x1024xi32>
    %reshape3A = vector.shape_cast %convert_element_type3A_38 : vector<128x1024xi32> to vector<64x2x1024xi32>
    %slice3A = vector.extract_strided_slice %reshape3A {offsets = [0, 0, 0], sizes = [64, 1, 1024], strides = [1, 1, 1]} : vector<64x2x1024xi32> to vector<64x1x1024xi32>
    %squeeze3A = vector.shape_cast %slice3A : vector<64x1x1024xi32> to vector<64x1024xi32>
    %slice3A_39 = vector.extract_strided_slice %reshape3A {offsets = [0, 1, 0], sizes = [64, 1, 1024], strides = [1, 1, 1]} : vector<64x2x1024xi32> to vector<64x1x1024xi32>
    %squeeze3A_40 = vector.shape_cast %slice3A_39 : vector<64x1x1024xi32> to vector<64x1024xi32>
    %shift_left3A = arith.constant 16 : i32
    %shift_left3A_41 = vector.broadcast %shift_left3A : i32 to vector<64x1024xi32>
    %shift_left3A_42 = arith.shli %squeeze3A_40, %shift_left3A_41 : vector<64x1024xi32>
    %or3A = arith.ori %squeeze3A, %shift_left3A_42 : vector<64x1024xi32>
    %bitcast_convert_type3A_43 = tpu.bitcast %or3A : vector<64x1024xi32> -> vector<64x1024xi32>
    %swap3A_44 = arith.constant 0 : index
    %swap3A_45 = arith.constant 0 : index
    %swap3A_46 = vector.load %arg8[%swap3A_44, %swap3A_45] : memref<64x1024xi32, #tpu.memory_space<vmem>>, vector<64x1024xi32>
    tpu.vector_store %arg8[%swap3A_44, %swap3A_45], %bitcast_convert_type3A_43 {strides = array<i32>} : memref<64x1024xi32, #tpu.memory_space<vmem>>, vector<64x1024xi32>,
    return
  }
  func.func @transform_0(%arg0: i32) -> (i32, i32) {
    %c0_i32 = arith.constant 0 : i32
    %c0_i32_0 = arith.constant 0 : i32
    return %c0_i32, %arg0 : i32, i32
  }
  func.func @transform_1(%arg0: i32) -> (i32, i32) {
    %c0_i32 = arith.constant 0 : i32
    %c0_i32_0 = arith.constant 0 : i32
    return %c0_i32, %arg0 : i32, i32
  }
  func.func @transform_2(%arg0: i32) -> (i32, i32) {
    %c0_i32 = arith.constant 0 : i32
    %c0_i32_0 = arith.constant 0 : i32
    return %arg0, %c0_i32 : i32, i32
  }
  func.func @transform_3(%arg0: i32) -> (i32, i32) {
    %c0_i32 = arith.constant 0 : i32
    %c0_i32_0 = arith.constant 0 : i32
    %c0_i32_1 = arith.constant 0 : i32
    return %c0_i32, %c0_i32_0 : i32, i32
  }
  func.func @transform_4(%arg0: i32) -> (i32, i32) {
    %c0_i32 = arith.constant 0 : i32
    %c0_i32_0 = arith.constant 0 : i32
    %c0_i32_1 = arith.constant 0 : i32
    return %c0_i32, %c0_i32_0 : i32, i32
  }
  func.func @transform_5(%arg0: i32) -> (i32, i32) {
    %c0_i32 = arith.constant 0 : i32
    %c0_i32_0 = arith.constant 0 : i32
    %c0_i32_1 = arith.constant 0 : i32
    return %c0_i32, %c0_i32_0 : i32, i32
  }
  func.func @transform_6(%arg0: i32) -> (i32, i32) {
    %c0_i32 = arith.constant 0 : i32
    %c0_i32_0 = arith.constant 0 : i32
    return %arg0, %c0_i32 : i32, i32
  }
  func.func @transform_7(%arg0: i32) -> (i32, i32) {
    %c0_i32 = arith.constant 0 : i32
    %c0_i32_0 = arith.constant 0 : i32
    return %c0_i32, %arg0 : i32, i32
  }
}

module attributes {stable_mosaic.version = 14 : i64} {
  func.func @_post_body(%arg0: i32, %arg1: memref<128x1024xf32, #tpu.memory_space<vmem>>, %arg2: memref<32x1024xf32, #tpu.memory_space<vmem>>, %arg3: memref<1024x128xf32, #tpu.memory_space<vmem>>, %arg4: memref<128x128xf32, #tpu.memory_space<vmem>>, %arg5: memref<1x128xf32, #tpu.memory_space<vmem>>, %arg6: memref<1024x128xf32, #tpu.memory_space<vmem>>) attributes {dimension_semantics = [#tpu.dimension_semantics<arbitrary>], iteration_bounds = array<i64: 10>, scalar_prefetch = 0 : i64, scratch_operands = 0 : i64, tpu.core_type = #tpu.core_type<tc>, window_params = [{transform_indices = @transform_0, window_bounds = array<i64: 128, 1024>}, {transform_indices = @transform_1, window_bounds = array<i64: 32, 1024>}, {transform_indices = @transform_2, window_bounds = array<i64: 1024, 128>}, {pipeline_mode = #tpu.pipeline_mode<synchronous>, transform_indices = @transform_3, window_bounds = array<i64: 128, 128>}, {pipeline_mode = #tpu.pipeline_mode<synchronous>, transform_indices = @transform_4, window_bounds = array<i64: 1, 128>}, {transform_indices = @transform_5, window_bounds = array<i64: 1024, 128>}]} {
    %get3A = arith.constant 0 : index
    %get3A_0 = arith.constant 0 : index
    %get3A_1 = vector.load %arg2[%get3A, %get3A_0] : memref<32x1024xf32, #tpu.memory_space<vmem>>, vector<32x1024xf32>
    %reduce_sum3A = arith.constant dense<0.000000e+00> : vector<1024xf32>
    %reduce_sum3A_2 = vector.multi_reduction <add>, %get3A_1, %reduce_sum3A [0] : vector<32x1024xf32> to vector<1024xf32>
    %broadcast_in_dim3A = vector.shape_cast %reduce_sum3A_2 : vector<1024xf32> to vector<1x1024xf32>
    %max3A = arith.constant 1.000000e+00 : f32
    %max3A_3 = vector.broadcast %max3A : f32 to vector<1x1024xf32>
    %max3A_4 = arith.maximumf %broadcast_in_dim3A, %max3A_3 : vector<1x1024xf32>
    %div3A = arith.constant 1.000000e+00 : f32
    %div3A_5 = vector.broadcast %div3A : f32 to vector<1x1024xf32>
    %div3A_6 = arith.divf %div3A_5, %max3A_4 : vector<1x1024xf32>
    %get3A_7 = arith.constant 0 : index
    %get3A_8 = arith.constant 0 : index
    %get3A_9 = vector.load %arg1[%get3A_7, %get3A_8] : memref<128x1024xf32, #tpu.memory_space<vmem>>, vector<128x1024xf32>
    %mul3A = vector.broadcast %div3A_6 : vector<1x1024xf32> to vector<128x1024xf32>
    %mul3A_10 = arith.mulf %get3A_9, %mul3A : vector<128x1024xf32>
    %iota3A = tpu.iota {dimensions = array<i32: 0>} : vector<128x128xi32>
    %iota3A_11 = tpu.iota {dimensions = array<i32: 1>} : vector<128x128xi32>
    %eq3A = arith.cmpi eq, %iota3A, %iota3A_11 : vector<128x128xi32>
    %convert_element_type3A = arith.extui %eq3A : vector<128x128xi1> to vector<128x128xi32>
    %convert_element_type3A_12 = arith.sitofp %convert_element_type3A : vector<128x128xi32> to vector<128x128xf32>
    %dot_general3A = arith.constant dense<0.000000e+00> : vector<1024x128xf32>
    %dot_general3A_13 = tpu.matmul %mul3A_10, %convert_element_type3A_12, %dot_general3A {dimension_numbers = #tpu.dot_dimension_numbers<[0], [0], [1], [1], [0, 1, 1, 1], [], []>, transpose_lhs_hint = false} : vector<128x1024xf32>, vector<128x128xf32>, vector<1024x128xf32> -> vector<1024x128xf32>
    %get3A_14 = arith.constant 0 : index
    %get3A_15 = arith.constant 0 : index
    %get3A_16 = vector.load %arg3[%get3A_14, %get3A_15] : memref<1024x128xf32, #tpu.memory_space<vmem>>, vector<1024x128xf32>
    %get3A_17 = arith.constant 0 : index
    %get3A_18 = arith.constant 0 : index
    %get3A_19 = vector.load %arg4[%get3A_17, %get3A_18] : memref<128x128xf32, #tpu.memory_space<vmem>>, vector<128x128xf32>
    %dot_general3A_20 = arith.constant dense<0.000000e+00> : vector<1024x128xf32>
    %dot_general3A_21 = tpu.matmul %get3A_16, %get3A_19, %dot_general3A_20 {dimension_numbers = #tpu.dot_dimension_numbers<[1], [1], [0], [0], [0, 0, 1, 0], [], []>, transpose_lhs_hint = false} : vector<1024x128xf32>, vector<128x128xf32>, vector<1024x128xf32> -> vector<1024x128xf32>
    %add3A = arith.addf %dot_general3A_13, %dot_general3A_21 : vector<1024x128xf32>
    %get3A_22 = arith.constant 0 : index
    %get3A_23 = arith.constant 0 : index
    %get3A_24 = vector.load %arg5[%get3A_22, %get3A_23] : memref<1x128xf32, #tpu.memory_space<vmem>>, vector<1x128xf32>
    %add3A_25 = vector.broadcast %get3A_24 : vector<1x128xf32> to vector<1024x128xf32>
    %add3A_26 = arith.addf %add3A, %add3A_25 : vector<1024x128xf32>
    %max3A_27 = arith.constant 0.000000e+00 : f32
    %max3A_28 = vector.broadcast %max3A_27 : f32 to vector<1024x128xf32>
    %max3A_29 = arith.maximumf %add3A_26, %max3A_28 : vector<1024x128xf32>
    %swap3A = arith.constant 0 : index
    %swap3A_30 = arith.constant 0 : index
    %swap3A_31 = vector.load %arg6[%swap3A, %swap3A_30] : memref<1024x128xf32, #tpu.memory_space<vmem>>, vector<1024x128xf32>
    tpu.vector_store %arg6[%swap3A, %swap3A_30], %max3A_29 {strides = array<i32>} : memref<1024x128xf32, #tpu.memory_space<vmem>>, vector<1024x128xf32>,
    return
  }
  func.func @transform_0(%arg0: i32) -> (i32, i32) {
    %c0_i32 = arith.constant 0 : i32
    %c0_i32_0 = arith.constant 0 : i32
    return %c0_i32, %arg0 : i32, i32
  }
  func.func @transform_1(%arg0: i32) -> (i32, i32) {
    %c0_i32 = arith.constant 0 : i32
    %c0_i32_0 = arith.constant 0 : i32
    return %c0_i32, %arg0 : i32, i32
  }
  func.func @transform_2(%arg0: i32) -> (i32, i32) {
    %c0_i32 = arith.constant 0 : i32
    %c0_i32_0 = arith.constant 0 : i32
    return %arg0, %c0_i32 : i32, i32
  }
  func.func @transform_3(%arg0: i32) -> (i32, i32) {
    %c0_i32 = arith.constant 0 : i32
    %c0_i32_0 = arith.constant 0 : i32
    %c0_i32_1 = arith.constant 0 : i32
    return %c0_i32, %c0_i32_0 : i32, i32
  }
  func.func @transform_4(%arg0: i32) -> (i32, i32) {
    %c0_i32 = arith.constant 0 : i32
    %c0_i32_0 = arith.constant 0 : i32
    %c0_i32_1 = arith.constant 0 : i32
    return %c0_i32, %c0_i32_0 : i32, i32
  }
  func.func @transform_5(%arg0: i32) -> (i32, i32) {
    %c0_i32 = arith.constant 0 : i32
    %c0_i32_0 = arith.constant 0 : i32
    return %arg0, %c0_i32 : i32, i32
  }
}

module attributes {stable_mosaic.version = 14 : i64} {
  func.func @_pre_body(%arg0: i32, %arg1: memref<128x128xf32, #tpu.memory_space<vmem>>, %arg2: memref<1024x128xf32, #tpu.memory_space<vmem>>, %arg3: memref<2x32000xi32, #tpu.memory_space<vmem>>, %arg4: memref<64x1024xi32, #tpu.memory_space<vmem>>, %arg5: memref<1x32000xi32, #tpu.memory_space<vmem>>) attributes {dimension_semantics = [#tpu.dimension_semantics<arbitrary>], iteration_bounds = array<i64: 10>, scalar_prefetch = 0 : i64, scratch_operands = 0 : i64, tpu.core_type = #tpu.core_type<tc>, window_params = [{pipeline_mode = #tpu.pipeline_mode<synchronous>, transform_indices = @transform_0, window_bounds = array<i64: 128, 128>}, {transform_indices = @transform_1, window_bounds = array<i64: 1024, 128>}, {transform_indices = @transform_2, window_bounds = array<i64: 2, 32000>}, {transform_indices = @transform_3, window_bounds = array<i64: 64, 1024>}, {transform_indices = @transform_4, window_bounds = array<i64: 1, 32000>}]} {
    %get3A = arith.constant 0 : index
    %get3A_0 = arith.constant 0 : index
    %get3A_1 = vector.load %arg1[%get3A, %get3A_0] : memref<128x128xf32, #tpu.memory_space<vmem>>, vector<128x128xf32>
    %get3A_2 = arith.constant 0 : index
    %get3A_3 = arith.constant 0 : index
    %get3A_4 = vector.load %arg2[%get3A_2, %get3A_3] : memref<1024x128xf32, #tpu.memory_space<vmem>>, vector<1024x128xf32>
    %dot_general3A = arith.constant dense<0.000000e+00> : vector<128x1024xf32>
    %dot_general3A_5 = tpu.matmul %get3A_1, %get3A_4, %dot_general3A {dimension_numbers = #tpu.dot_dimension_numbers<[1], [1], [0], [0], [0, 0, 1, 0], [], []>, transpose_lhs_hint = false} : vector<128x128xf32>, vector<1024x128xf32>, vector<128x1024xf32> -> vector<128x1024xf32>
    %convert_element_type3A = arith.truncf %dot_general3A_5 : vector<128x1024xf32> to vector<128x1024xbf16>
    %bitcast_convert_type3A = tpu.bitcast %convert_element_type3A : vector<128x1024xbf16> -> vector<128x1024xi16>
    %convert_element_type3A_6 = arith.extui %bitcast_convert_type3A : vector<128x1024xi16> to vector<128x1024xi32>
    %reshape3A = vector.shape_cast %convert_element_type3A_6 : vector<128x1024xi32> to vector<64x2x1024xi32>
    %slice3A = vector.extract_strided_slice %reshape3A {offsets = [0, 0, 0], sizes = [64, 1, 1024], strides = [1, 1, 1]} : vector<64x2x1024xi32> to vector<64x1x1024xi32>
    %squeeze3A = vector.shape_cast %slice3A : vector<64x1x1024xi32> to vector<64x1024xi32>
    %slice3A_7 = vector.extract_strided_slice %reshape3A {offsets = [0, 1, 0], sizes = [64, 1, 1024], strides = [1, 1, 1]} : vector<64x2x1024xi32> to vector<64x1x1024xi32>
    %squeeze3A_8 = vector.shape_cast %slice3A_7 : vector<64x1x1024xi32> to vector<64x1024xi32>
    %shift_left3A = arith.constant 16 : i32
    %shift_left3A_9 = vector.broadcast %shift_left3A : i32 to vector<64x1024xi32>
    %shift_left3A_10 = arith.shli %squeeze3A_8, %shift_left3A_9 : vector<64x1024xi32>
    %or3A = arith.ori %squeeze3A, %shift_left3A_10 : vector<64x1024xi32>
    %bitcast_convert_type3A_11 = tpu.bitcast %or3A : vector<64x1024xi32> -> vector<64x1024xi32>
    %swap3A = arith.constant 0 : index
    %swap3A_12 = arith.constant 0 : index
    %swap3A_13 = vector.load %arg4[%swap3A, %swap3A_12] : memref<64x1024xi32, #tpu.memory_space<vmem>>, vector<64x1024xi32>
    tpu.vector_store %arg4[%swap3A, %swap3A_12], %bitcast_convert_type3A_11 {strides = array<i32>} : memref<64x1024xi32, #tpu.memory_space<vmem>>, vector<64x1024xi32>,
    %get3A_14 = arith.constant 0 : index
    %get3A_15 = arith.constant 0 : index
    %get3A_16 = vector.load %arg3[%get3A_14, %get3A_15] : memref<2x32000xi32, #tpu.memory_space<vmem>>, vector<2x32000xi32>
    %slice3A_17 = vector.extract_strided_slice %get3A_16 {offsets = [0, 0], sizes = [1, 32000], strides = [1, 1]} : vector<2x32000xi32> to vector<1x32000xi32>
    %slice3A_18 = vector.extract_strided_slice %get3A_16 {offsets = [1, 0], sizes = [1, 32000], strides = [1, 1]} : vector<2x32000xi32> to vector<1x32000xi32>
    %shift_left3A_19 = arith.constant 16 : i32
    %shift_left3A_20 = vector.broadcast %shift_left3A_19 : i32 to vector<1x32000xi32>
    %shift_left3A_21 = arith.shli %slice3A_18, %shift_left3A_20 : vector<1x32000xi32>
    %or3A_22 = arith.ori %slice3A_17, %shift_left3A_21 : vector<1x32000xi32>
    %swap3A_23 = arith.constant 0 : index
    %swap3A_24 = arith.constant 0 : index
    %swap3A_25 = vector.load %arg5[%swap3A_23, %swap3A_24] : memref<1x32000xi32, #tpu.memory_space<vmem>>, vector<1x32000xi32>
    tpu.vector_store %arg5[%swap3A_23, %swap3A_24], %or3A_22 {strides = array<i32>} : memref<1x32000xi32, #tpu.memory_space<vmem>>, vector<1x32000xi32>,
    return
  }
  func.func @transform_0(%arg0: i32) -> (i32, i32) {
    %c0_i32 = arith.constant 0 : i32
    %c0_i32_0 = arith.constant 0 : i32
    %c0_i32_1 = arith.constant 0 : i32
    return %c0_i32, %c0_i32_0 : i32, i32
  }
  func.func @transform_1(%arg0: i32) -> (i32, i32) {
    %c0_i32 = arith.constant 0 : i32
    %c0_i32_0 = arith.constant 0 : i32
    return %arg0, %c0_i32 : i32, i32
  }
  func.func @transform_2(%arg0: i32) -> (i32, i32) {
    %c0_i32 = arith.constant 0 : i32
    %c0_i32_0 = arith.constant 0 : i32
    return %c0_i32, %arg0 : i32, i32
  }
  func.func @transform_3(%arg0: i32) -> (i32, i32) {
    %c0_i32 = arith.constant 0 : i32
    %c0_i32_0 = arith.constant 0 : i32
    return %c0_i32, %arg0 : i32, i32
  }
  func.func @transform_4(%arg0: i32) -> (i32, i32) {
    %c0_i32 = arith.constant 0 : i32
    %c0_i32_0 = arith.constant 0 : i32
    return %c0_i32, %arg0 : i32, i32
  }
}

</mosaic_0001>

<sc_bundles>
// kernel: kernel.10.cloned.1.call-start
scs
__scs_entry_jumppad:
0x0: {  	(pc) =	sbr.rel $0x88, $3  }
0x1: {  	(tag) =	ssettag $0x0;
	lr =	simm.s32 $0x1  }
0x2: {  	[smem:$0x3F99] =	sst lr;
	_ =	strace $0xD0000000  }
0x3: {  	_ = 	snop  }
0x4: {  	_ = 	snop  }
0x5: {  	_ = 	snop  }
0x6: {  	_ = 	snop  }
0x7: {  	_ = 	snop  }
__scs_overlays_trampoline_lowered:
0x8: {  	[smem:$0x3FA8] =	sst s0  }
0x9: {  	[smem:$0x3FA9] =	sst s1  }
0xa: {  	[smem:$0x3FAA] =	sst s2  }
0xb: {  	[smem:$0x3FAB] =	sst s3  }
0xc: {  	[smem:$0x3FAC] =	sst s4  }
0xd: {  	[smem:$0x3FAD] =	sst s5  }
0xe: {  	[smem:$0x3FAE] =	sst s6  }
0xf: {  	[smem:$0x3FAF] =	sst s7  }
0x10: {  	[smem:$0x3FB0] =	sst s8  }
0x11: {  	[smem:$0x3FB1] =	sst s9;
	s0 =	simm.s32 @!p0 $0x0  }
0x12: {  	s1 =	sld [smem:$0x3F97];
	s0 =	simm.s32 @p0 $0x1  }
0x13: {  	[smem:$0x3FB2] =	sst s0;
	s0 =	simm.s32 @!p1 $0x0  }
0x14: {  	s2 =	sld [smem:$0x3F96];
	s0 =	simm.s32 @p1 $0x1  }
0x15: {  	[smem:$0x3FB3] =	sst s0;
	s0 =	simm.s32 @!p2 $0x0  }
0x16: {  	s3 =	sld [smem:$0x3FDB];
	s0 =	simm.s32 @p2 $0x1  }
0x17: {  	s4 =	simm.s32 $0x1BF5;
	[smem:$0x3FB5] =	sst s0  }
0x18: {  	s0 =	sld [smem:$0x3F98];
	_ =	swait.ge [sflag:s4], $0x0  }
0x19: {  	s7 =	sld [smem:$0x3F99]  }
0x1a: {  	s8 =	sadd.s32 $0xFFFFE003, lr  }
0x1b: {  	s9 =	sadd.s32 $0xFFFFFEF7, lr;
	s5 =	simm.s32 $0xFFFFFFFF;
	p2 =	slt.u32 s8, $0xFFFFF086  }
0x1c: {  	p1 =	slt.u32 s9, $0xF7A;
	s5 =	simm.s32 @!p2 $0x0  }
0x1d: {  	s5 =	simm.s32 @p1 $0x1;
	p0 =	seq.s32 s7, s2  }
0x1e: {  	s7 =	smul.u32 @!p0 $0xF7A, s2;
	p2 =	seq.s32 @!p0 s5, $0x0  }
0x1f: {  	s9 =	smul.u32 $0xF7A, s1;
	s8 =	simm.s32 @!p0 $0x1BF5;
	p2 =	por !p2, p0  }
0x20: {  	[sflag:s8] =	ssyncset.s32 @!p0 $0xFFFFF086;
	s6 =	sadd.s32 @!p0 s3, s7;
	s7 =	simm.s32 @!p0 $0x108  }
0x21: {  	s3 =	sadd.s32 s3, s9;
	s6 =	sadd.s32 @!p0 $0x88, s6;
	s7 =	simm.s32 @p2 $0x1082  }
0x22: {  	[simem:s7], [sflag:s8] =	dma.local @!p0 [hbm:s6], $0xF7A  }
0x23: {  	s9 =	sor.u32 $0xD0000000, s2;
	s6 =	simm.s32 $0x108;
	_ =	swait.ge @!p0 [sflag:s8], $0x0  }
0x24: {  	s3 =	sadd.s32 $0x88, s3;
	s6 =	simm.s32 @!p1 $0x1082;
	[sflag:s4] =	ssyncset.s32 $0xFFFFF086  }
0x25: {  	[simem:s6], [sflag:s4] =	dma.local [hbm:s3], $0xF7A  }
0x26: {  	[smem:$0x3F99] =	sst s1;
	(tag) =	ssettag s2;
	_ =	strace s9  }
0x27: {  	s1 =	sld [smem:$0x3FA9]  }
0x28: {  	s2 =	sld [smem:$0x3FAA]  }
0x29: {  	s4 =	sld [smem:$0x3FAC]  }
0x2a: {  	p0 =	seq.s32 s5, $0x0;
	s5 =	sld [smem:$0x3FAD]  }
0x2b: {  	s6 =	sld [smem:$0x3FAE]  }
0x2c: {  	s7 =	sld [smem:$0x3FAF]  }
0x2d: {  	s3 =	simm.s32 $0x108;
	s8 =	sld [smem:$0x3FB0]  }
0x2e: {  	s3 =	simm.s32 @!p0 $0x1082;
	s9 =	sld [smem:$0x3FB1]  }
0x2f: {  	lr =	sadd.s32 s0, s3;
	s0 =	sld [smem:$0x3FA8]  }
0x30: {  	s3 =	sld [smem:$0x3FAB]  }
0x31: {  	[smem:$0x3FB4] =	sst s10  }
0x32: {  	s10 =	sld [smem:$0x3FB2];
	_ =	sdelay $0x3  }
0x33: {  	p0 =	seq.s32 s10, $0x1;
	s10 =	sld [smem:$0x3FB4];
	_ =	sdelay $0x3  }
0x34: {  	[smem:$0x3FB4] =	sst s10  }
0x35: {  	s10 =	sld [smem:$0x3FB3];
	_ =	sdelay $0x3  }
0x36: {  	p1 =	seq.s32 s10, $0x1;
	s10 =	sld [smem:$0x3FB4];
	_ =	sdelay $0x3  }
0x37: {  	[smem:$0x3FB4] =	sst s10  }
0x38: {  	s10 =	sld [smem:$0x3FB5]  }
0x39: {  	_ = 	snop;
	(pc) =	sbr.ind lr, $3  }
0x3a: {  	_ = 	snop  }
0x3b: {  	_ = 	snop  }
0x3c: {  	p2 =	seq.s32 s10, $0x1;
	s10 =	sld [smem:$0x3FB4]  }
0x3d: {  	_ =	shalt  }
0x3e: {  	_ =	shalt  }
0x3f: {  	_ =	shalt  }
0x40: {  	_ =	shalt  }
0x41: {  	_ =	shalt  }
0x42: {  	_ =	shalt  }
0x43: {  	_ =	shalt  }
0x44: {  	_ =	shalt  }
0x45: {  	_ =	shalt  }
0x46: {  	_ =	shalt  }
0x47: {  	_ =	shalt  }
0x48: {  	_ =	shalt  }
0x49: {  	_ =	shalt  }
0x4a: {  	_ =	shalt  }
0x4b: {  	_ =	shalt  }
0x4c: {  	_ =	shalt  }
0x4d: {  	_ =	shalt  }
0x4e: {  	_ =	shalt  }
0x4f: {  	_ =	shalt  }
0x50: {  	_ =	shalt  }
0x51: {  	_ =	shalt  }
0x52: {  	_ =	shalt  }
0x53: {  	_ =	shalt  }
0x54: {  	_ =	shalt  }
0x55: {  	_ =	shalt  }
0x56: {  	_ =	shalt  }
0x57: {  	_ =	shalt  }
0x58: {  	_ =	shalt  }
0x59: {  	_ =	shalt  }
0x5a: {  	_ =	shalt  }
0x5b: {  	_ =	shalt  }
0x5c: {  	_ =	shalt  }
0x5d: {  	_ =	shalt  }
0x5e: {  	_ =	shalt  }
0x5f: {  	_ =	shalt  }
0x60: {  	_ =	shalt  }
0x61: {  	_ =	shalt  }
0x62: {  	_ =	shalt  }
0x63: {  	_ =	shalt  }
0x64: {  	_ =	shalt  }
0x65: {  	_ =	shalt  }
0x66: {  	_ =	shalt  }
0x67: {  	_ =	shalt  }
0x68: {  	_ =	shalt  }
0x69: {  	_ =	shalt  }
0x6a: {  	_ =	shalt  }
0x6b: {  	_ =	shalt  }
0x6c: {  	_ =	shalt  }
0x6d: {  	_ =	shalt  }
0x6e: {  	_ =	shalt  }
0x6f: {  	_ =	shalt  }
0x70: {  	_ =	shalt  }
0x71: {  	_ =	shalt  }
0x72: {  	_ =	shalt  }
0x73: {  	_ =	shalt  }
0x74: {  	_ =	shalt  }
0x75: {  	_ =	shalt  }
0x76: {  	_ =	shalt  }
0x77: {  	_ =	shalt  }
0x78: {  	_ =	shalt  }
0x79: {  	_ =	shalt  }
0x7a: {  	_ =	shalt  }
0x7b: {  	_ =	shalt  }
0x7c: {  	_ =	shalt  }
0x7d: {  	_ =	shalt  }
0x7e: {  	_ =	shalt  }
0x7f: {  	_ =	shalt  }
0x80: {  	_ =	shalt  }
0x81: {  	_ =	shalt  }
0x82: {  	_ =	shalt  }
0x83: {  	_ =	shalt  }
0x84: {  	_ =	shalt  }
0x85: {  	_ =	shalt  }
0x86: {  	_ =	shalt  }
0x87: {  	_ =	shalt  }
.Lfunc_end0:
.L_simem_size_0:
called_computation.1_lowered:
.L_overlay_start_0:
0x88: {  	s2 =	sld [smem:$0x3FD9]  }
0x89: {  	s3 =	sld [smem:$0x3FFE];
	_ =	sdelay $0x1  }
0x8a: {  	s1 =	srdreg.scid  }
0x8b: {  	s0 =	sand.u32 $0x1, s1  }
0x8c: {  	s17 =	sshll.u32 s0, $0xA;
	s2 =	sadd.s32 s3, s2  }
0x8d: {  	s2 =	sadd.s32 s2, s17  }
0x8e: {  	[smem:$0x3FC0] =	sst s2  }
0x8f: {  	_ = 	snop  }
0x90: {  	s2 =	sld [smem:$0x3FD0];
	(tm) =	ssettm $0x1  }
0x91: {  	s18 =	sld [smem:$0x3FFB];
	_ =	sdelay $0x3  }
0x92: {  	_ =	strace s18  }
0x93: {  	s3 =	sld [smem:$0x3FFC];
	_ =	sdelay $0x3  }
0x94: {  	_ =	strace s3  }
0x95: {  	s3 =	sld [smem:$0x3FFD];
	_ =	sdelay $0x3  }
0x96: {  	_ =	strace s3  }
0x97: {  	_ =	strace $0x8FFFFFFF  }
0x98: {  	s19 =	sld [smem:$0x3FDB];
	_ =	sdelay $0x1  }
0x99: {  	s4 =	simm.s32 $_scs_section_size  }
0x9a: {  	s5 =	simm.s32 $_size__tile_overlayer_lowered;
	s6 =	simm.s32 $_tile_overlayer_lowered  }
0x9b: {  	s22 =	simm.s32 $0x1BFF;
	s21 =	sshll.u32 s6, $0x1;
	s3 =	sadd.s32 s4, s19  }
0x9c: {  	s7 =	simm.s32 $0x0;
	s20 =	sshll.u32 s5, $0x1;
	s5 =	sadd.s32 s21, s3  }
0x9d: {  	[timem:s7], [sflag:s22] =	dma.local [hbm:s5], s20  }
0x9e: {  	_ =	swait.ge [sflag:s22], s20  }
0x9f: {  	s4 =	ssub.s32 $0x0, s20;
	[sflag:s22] =	ssyncset.done $0x0  }
0xa0: {  	[sflag:s22] =	ssyncadd.s32 s4;
	_ =	sdelay $0x1  }
0xa1: {  	s23 =	simm.s32 $0x1B8B  }
0xa2: {  	_ =	swait.ge [sflag:s23], $0x1  }
0xa3: {  	[sflag:s23] =	ssyncset.done $0x0  }
0xa4: {  	s25 =	simm.s32 $0x1B8E;
	s24 =	sld [smem:$0x3FFE];
	[sflag:s23] =	ssyncadd.s32 $0xFFFFFFFF  }
0xa5: {  	s26 =	simm.s32 $execute0_lowered;
	[smem:$0x3FD2] =	sst s25  }
0xa6: {  	s5 =	sshll.u32 s26, $0x1;
	_ =	strace $0x80000049;
	[dreg:$0x1] =	wrdreg $0xFFFFFFFF  }
0xa7: {  	s28 =	simm.s32 $_size_execute0_lowered;
	s3 =	sadd.s32 s3, s5;
	[dreg:$0x0] =	wrdreg $0x0  }
0xa8: {  	s5 =	sshll.u32 s28, $0x1;
	[dreg:$0x2] =	wrdreg s3  }
0xa9: {  	[dreg:$0x3] =	wrdreg s5  }
0xaa: {  	[dreg:$0x4] =	wrdreg $0xC0  }
0xab: {  	_ =	task [dreg:s7], $0x5FFFF  }
0xac: {  	[dreg:$0x1] =	wrdreg $0xFFFFFFFF  }
0xad: {  	[dreg:$0x0] =	wrdreg $0x60  }
0xae: {  	[dreg:$0x2] =	wrdreg s2  }
0xaf: {  	[dreg:$0x3] =	wrdreg s24  }
0xb0: {  	[dreg:$0x4] =	wrdreg $0x9  }
0xb1: {  	_ =	task.clear_ibuf [dreg:s7], $0x5FFFF;
	_ =	strace $0x90000049  }
0xb2: {  	s29 =	simm.s32 $0x9;
	_ =	strace $0x8000004B  }
0xb3: {  	_ =	swait.ge [sflag:s29], $0x1  }
0xb4: {  	[sflag:s29] =	ssyncadd.s32 $0xFFFFFFFF  }
0xb5: {  	_ =	strace $0x9000004B  }
0xb6: {  	_ =	sfence  }
0xb7: {  	s30 =	sld [smem:$0x0];
	_ =	sdelay $0x2  }
0xb8: {  	s31 =	sshll.u32 s1, $0xD;
	s1 =	sshrl.u32 s1, $0x2  }
0xb9: {  	s3 =	sand.u32 $0x4000, s31;
	s1 =	sadd.s32 s1, s30  }
0xba: {  	s0 =	sor.u32 s3, s0;
	s1 =	sshll.u32 s1, $0x11  }
0xbb: {  	s0 =	sor.u32 s1, s0  }
0xbc: {  	s0 =	sadd.s32 $0x8F2B, s0  }
0xbd: {  	[sflag:s0] =	ssyncadd.remote.s32 $0x1  }
0xbe: {  	_ =	sfence.sel $0xFFFF  }
0xbf: {  	[dreg:$0x0] =	wrdreg $0xFFFFFFFF;
	(pc) =	sbr.abs _section_cstart, $3  }
0xc0: {  	[dreg:$0x1] =	wrdreg $0xFFFFFFFF  }
0xc1: {  	_ =	task.clear_ibuf [dreg:s7], $0x2FFFF;
	_ =	strace $0x9FFFFFFF  }
0xc2: {  	(tm) =	ssettm $0x7FFFFFFF  }
0xc3: {  	_ =	shalt  }
tec
execute0_lowered:
.L_overlay_start_1:
0x0: {  	(tag) =	ssettag $0x1  }
0x1: {  	s4 =	rddreg [dreg:$0x0]  }
0x2: {  	s5 =	rddreg [dreg:$0x1]  }
0x3: {  	s0 =	rddreg [dreg:$0x2];
	s2 =	simm.s32 $0x0  }
0x4: {  	s3 =	srdreg.scid;
	s1 =	stileid.u32;
	s12 =	simm.s32 $0x80  }
0x5: {  	s13 =	simm.s32 $0x400;
	s14 =	simm.s32 $0x2800;
	s15 =	simm.s32 $0x3  }
0x6: {  	s16 =	simm.s32 $0x1;
	s17 =	simm.s32 $0x5000;
	s18 =	simm.s32 $0x2  }
0x7: {  	s19 =	simm.s32 $0x7800;
	s20 =	simm.s32 $0xA000;
	s21 =	simm.s32 $0xC800  }
0x8: {  	s22 =	simm.s32 $0x0;
	[smem:$0x7FF] =	sst s2;
	s6 =	sand.u32 $0x1, s3  }
0x9: {  	s7 =	smul.u32 $0x14000, s1;
	s28 =	sshrl.u32 s1, $0x1;
	s8 =	sshll.u32 s1, $0x9  }
0xa: {  	s3 =	sadd.s32 $0x3000, s5;
	_ =	strace $0x8000004A;
	s9 =	smul.u32 $0x14000, s28  }
0xb: {  	s10 =	sshll.u32 s6, $0x8;
	s8 =	sand.u32 $0x200, s8;
	s11 =	sshll.u32 s6, $0x9  }
0xc: {  	s6 =	ssub.s32 $0x2, s6;
	s8 =	sor.u32 s10, s8;
	s7 =	sor.u32 s11, s7  }
.Ltmp0:
0xd: {  	s29 =	sshrl.u32 s6, $0x1;
	s8 =	sor.u32 s9, s8;
	(pc) =	sbr.rel .LBB2_1-.Ltmp0, $4  }
0xe: {  	s7 =	sshrl.u32 s7, $0x3;
	s31 =	ssub.s32 s6, s29;
	s8 =	sshrl.u32 s8, $0x3  }
0xf: {  	s30 =	sadd.s32 s7, s5;
	s5 =	sadd.s32 $0x3190, s5;
	s11 =	smax.u32 s31, $0x1  }
0x10: {  	s4 =	sadd.s32 s4, s8;
	s7 =	sadd.s32 $0xCE00, s30;
	s8 =	sadd.s32 $0xCE10, s30  }
0x11: {  	v0 =	vimm.f32 $0.0e+00;
	s9 =	sadd.s32 $0xCE20, s30;
	s10 =	sadd.s32 $0xCE30, s30;
	s6 =	sadd.s32 $0x10, s4  }
.LBB2_20:
0x12: {  	[hbm4b:s7+s12] =	stream.strided.scatter [tilespmem:s17], [sflag:$0x3], $0x2800, s13, s12, $0x38;
	[tilespmem:$0x10900] =	vst v63  }
0x13: {  	_ = 	snop  }
0x14: {  	[hbm4b:s8+s12] =	stream.strided.scatter [tilespmem:s19], [sflag:$0x3], $0x2800, s13, s12, $0x38;
	[tilespmem:$0x10900] =	vst v63  }
0x15: {  	_ = 	snop  }
0x16: {  	[hbm4b:s9+s12] =	stream.strided.scatter [tilespmem:s20], [sflag:$0x3], $0x2800, s13, s12, $0x38;
	[tilespmem:$0x10900] =	vst v63  }
0x17: {  	_ = 	snop  }
0x18: {  	[hbm4b:s10+s12] =	stream.strided.scatter [tilespmem:s21], [sflag:$0x3], $0x2800, s13, s12, $0x38;
	[tilespmem:$0x10900] =	vst v63  }
0x19: {  	_ =	swait.ge [sflag:s15], $0x2800  }
0x1a: {  	[sflag:s15] =	ssyncset.done $0x0  }
0x1b: {  	[sflag:s15] =	ssyncadd.s32 $0xFFFFD800  }
0x1c: {  	_ =	swait.ge [sflag:s15], $0x2800  }
0x1d: {  	[sflag:s15] =	ssyncset.done $0x0  }
0x1e: {  	s22 =	sadd.s32 $0x1, s22;
	[sflag:s15] =	ssyncadd.s32 $0xFFFFD800  }
0x1f: {  	p0 =	sne.s32 s22, s11;
	_ =	swait.ge [sflag:s15], $0x2800  }
.Ltmp1:
0x20: {  	[sflag:s15] =	ssyncset.done $0x0;
	(pc) =	sbr.rel @!p0 .LBB2_21-.Ltmp1, $4  }
0x21: {  	[sflag:s15] =	ssyncadd.s32 $0xFFFFD800  }
0x22: {  	_ =	swait.ge [sflag:s15], $0x2800  }
0x23: {  	[sflag:s15] =	ssyncset.done $0x0  }
0x24: {  	[sflag:s15] =	ssyncadd.s32 $0xFFFFD800  }
.LBB2_1:
0x25: {  	s23 =	simm.s32 $0xF000  }
0x26: {  	s24 =	simm.s32 $0x10;
	s26 =	sadd.s32 $0x0, s3;
	s25 =	simm.s32 $0xF100  }
.LBB2_2:
0x27: {  	[tilespmem:s23], [sflag:$0x1] =	stream.linear.gather [hbm4b:s26+s2], $0x80, $0x38;
	[tilespmem:$0x10900] =	vst v63  }
0x28: {  	s26 =	smov.u32 s24;
	s23 =	smov.u32 s25;
	p0 =	sne.s32 s24, $0x180  }
.Ltmp2:
0x29: {  	s24 =	sadd.s32 $0x10, s24;
	(pc) =	sbr.rel @p0 .LBB2_2-.Ltmp2, $2  }
0x2a: {  	_ =	sdelay $0x2  }
0x2b: {  	s25 =	sadd.s32 $0x100, s25;
	s26 =	sadd.s32 s26, s3  }
0x2c: {  	[tilespmem:s23], [sflag:$0x1] =	stream.linear.gather [hbm4b:s26+s2], $0x80, $0x38;
	[tilespmem:$0x10900] =	vst v63  }
0x2d: {  	s23 =	simm.s32 $0xF080  }
0x2e: {  	s24 =	simm.s32 $0x10;
	s26 =	sadd.s32 $0x0, s5;
	s25 =	simm.s32 $0xF180  }
.LBB2_4:
0x2f: {  	[tilespmem:s23], [sflag:$0x2] =	stream.linear.gather [hbm4b:s26+s2], $0x80, $0x38;
	[tilespmem:$0x10900] =	vst v63  }
0x30: {  	s26 =	smov.u32 s24;
	s23 =	smov.u32 s25;
	p0 =	sne.s32 s24, $0x180  }
.Ltmp3:
0x31: {  	s24 =	sadd.s32 $0x10, s24;
	(pc) =	sbr.rel @p0 .LBB2_4-.Ltmp3, $2  }
0x32: {  	_ =	sdelay $0x2  }
0x33: {  	s25 =	sadd.s32 $0x100, s25;
	s26 =	sadd.s32 s26, s5  }
0x34: {  	[tilespmem:s23], [sflag:$0x2] =	stream.linear.gather [hbm4b:s26+s2], $0x80, $0x38;
	[tilespmem:$0x10900] =	vst v63  }
0x35: {  	_ = 	snop  }
0x36: {  	[tilespmem:s2], [sflag:$0x3] =	stream.strided.gather [hbm4b:s4+s12], $0x2800, s13, s12, $0x38;
	[tilespmem:$0x10900] =	vst v63  }
0x37: {  	s23 =	simm.s32 $0x5040  }
0x38: {  	[tilespmem:s14], [sflag:$0x3] =	stream.strided.gather [hbm4b:s6+s12], $0x2800, s13, s12, $0x38;
	[tilespmem:$0x10900] =	vst v63  }
0x39: {  	[tilespmem:s23+$0xFFFFFFC0] =	vst v0  }
0x3a: {  	[tilespmem:s23+$0x30] =	vst v0  }
0x3b: {  	[tilespmem:s23+$0x20] =	vst v0  }
0x3c: {  	[tilespmem:s23+$0x10] =	vst v0  }
0x3d: {  	[tilespmem:s23+$0x0] =	vst v0  }
0x3e: {  	[tilespmem:s23+$0xFFFFFFF0] =	vst v0  }
0x3f: {  	s24 =	simm.s32 $0x0;
	[tilespmem:s23+$0xFFFFFFE0] =	vst v0  }
.LBB2_6:
0x40: {  	s24 =	sadd.s32 $0x8, s24;
	[tilespmem:s23+$0xFFFFFFD0] =	vst v0;
	s23 =	sadd.s32 $0x80, s23  }
0x41: {  	[tilespmem:s23+$0xFFFFFFC0] =	vst v0;
	p0 =	slt.u32 s24, $0x9F8  }
0x42: {  	[tilespmem:s23+$0x30] =	vst v0  }
.Ltmp4:
0x43: {  	[tilespmem:s23+$0x20] =	vst v0;
	(pc) =	sbr.rel @p0 .LBB2_6-.Ltmp4, $4  }
0x44: {  	[tilespmem:s23+$0x10] =	vst v0  }
0x45: {  	[tilespmem:s23+$0x0] =	vst v0  }
0x46: {  	[tilespmem:s23+$0xFFFFFFF0] =	vst v0  }
0x47: {  	[tilespmem:s23+$0xFFFFFFE0] =	vst v0  }
0x48: {  	[tilespmem:s23+$0xFFFFFFD0] =	vst v0  }
0x49: {  	_ =	swait.ge [sflag:s15], $0x2800  }
0x4a: {  	[sflag:s15] =	ssyncset.done $0x0  }
0x4b: {  	[sflag:s15] =	ssyncadd.s32 $0xFFFFD800  }
0x4c: {  	_ =	swait.ge [sflag:s15], $0x2800  }
0x4d: {  	[sflag:s15] =	ssyncset.done $0x0  }
0x4e: {  	s23 =	simm.s32 $0x0;
	s24 =	simm.s32 $0x0;
	[sflag:s15] =	ssyncadd.s32 $0xFFFFD800  }
.LBB2_8:
0x4f: {  	_ =	swait.ge [sflag:s16], $0xC80  }
0x50: {  	s25 =	sand.u32 $0x40, s23;
	s26 =	sand.u32 $0x1F00, s23;
	[sflag:s16] =	ssyncset.done $0x0  }
0x51: {  	s25 =	sor.u32 s25, s26;
	[sflag:s16] =	ssyncadd.s32 $0xFFFFF380  }
0x52: {  	v1 =	vld [tilespmem:s25+$0xF030];
	_ =	sdelay $0x2  }
0x53: {  	v2 =	vld [tilespmem:s25+$0xF000]  }
0x54: {  	v3 =	vld [tilespmem:s25+$0xF010]  }
0x55: {  	v4 =	vld [tilespmem:s25+$0xF020];
	v5 =	vunpack.i.l.s16.s32 v1;
	_ =	sdelay $0x2  }
0x56: {  	v6 =	vunpack.i.l.s16.s32 v2  }
0x57: {  	v7 =	vunpack.i.l.s16.s32 v3  }
0x58: {  	v8 =	vunpack.i.l.s16.s32 v4;
	v9 =	vld.idx.msk [tilespmem:v5+s2+$0x0], $0xffff  }
0x59: {  	v1 =	vunpack.i.u.s16.s32 v1  }
0x5a: {  	v10 =	vadd.s32 $0x2800, v1  }
0x5b: {  	v11 =	vld.idx.msk [tilespmem:v6+s2+$0x0], $0xffff  }
0x5c: {  	v5 =	vadd.s32 $0x2800, v5;
	v12 =	vld.idx.msk [tilespmem:v7+s2+$0x0], $0xffff  }
0x5d: {  	s30 =	simm.s32 $0x80;
	s31 =	simm.s32 $0x40;
	v2 =	vunpack.i.u.s16.s32 v2;
	v14 =	vld.idx.msk [tilespmem:v8+s2+$0x0], $0xffff;
	v15 =	vunpack.i.l.bf16.f32 v9  }
0x5e: {  	s26 =	sand.u32 $0x40, s31;
	s25 =	sand.u32 $0x1F00, s30;
	v13 =	vadd.s32 $0x2800, v2;
	v9 =	vunpack.i.u.bf16.f32 v9;
	[tilespmem:v1+s17+$0x0] =	vst.idx.add.f32.msk $0xffff, v15  }
0x5f: {  	s25 =	sor.u32 s26, s25;
	v3 =	vunpack.i.u.s16.s32 v3;
	[tilespmem:v10+s17+$0x0] =	vst.idx.add.f32.msk $0xffff, v9  }
0x60: {  	v15 =	vadd.s32 $0x2800, v3;
	v9 =	vunpack.i.l.bf16.f32 v11;
	v10 =	vunpack.i.u.bf16.f32 v11;
	v11 =	vld [tilespmem:s25+$0xF030]  }
0x61: {  	v4 =	vunpack.i.u.s16.s32 v4;
	v5 =	vld.idx.msk [tilespmem:v5+s2+$0x0], $0xffff  }
0x62: {  	[tilespmem:v2+s17+$0x0] =	vst.idx.add.f32.msk $0xffff, v9  }
0x63: {  	v9 =	vunpack.i.l.bf16.f32 v12;
	[tilespmem:v13+s17+$0x0] =	vst.idx.add.f32.msk $0xffff, v10  }
0x64: {  	v10 =	vunpack.i.u.bf16.f32 v12;
	[tilespmem:v3+s17+$0x0] =	vst.idx.add.f32.msk $0xffff, v9  }
0x65: {  	v9 =	vunpack.i.l.bf16.f32 v14;
	[tilespmem:v15+s17+$0x0] =	vst.idx.add.f32.msk $0xffff, v10;
	v10 =	vadd.s32 $0x2800, v4  }
0x66: {  	[tilespmem:v4+s17+$0x0] =	vst.idx.add.f32.msk $0xffff, v9;
	v9 =	vadd.s32 $0x5000, v1  }
0x67: {  	v7 =	vadd.s32 $0x2800, v7;
	v15 =	vld [tilespmem:s25+$0xF020]  }
0x68: {  	v12 =	vld [tilespmem:s25+$0xF000];
	v1 =	vadd.s32 $0x7800, v1  }
0x69: {  	v6 =	vadd.s32 $0x2800, v6;
	v13 =	vld [tilespmem:s25+$0xF010];
	v14 =	vunpack.i.u.bf16.f32 v14  }
0x6a: {  	v8 =	vadd.s32 $0x2800, v8;
	[tilespmem:v10+s17+$0x0] =	vst.idx.add.f32.msk $0xffff, v14;
	v10 =	vunpack.i.l.bf16.f32 v5  }
0x6b: {  	[tilespmem:v9+s17+$0x0] =	vst.idx.add.f32.msk $0xffff, v10;
	v9 =	vunpack.i.l.s16.s32 v11  }
0x6c: {  	v5 =	vunpack.i.u.bf16.f32 v5;
	v14 =	vld.idx.msk [tilespmem:v7+s2+$0x0], $0xffff;
	v10 =	vunpack.i.l.s16.s32 v15  }
0x6d: {  	[tilespmem:v1+s17+$0x0] =	vst.idx.add.f32.msk $0xffff, v5;
	v5 =	vunpack.i.l.s16.s32 v12  }
0x6e: {  	v1 =	vld.idx.msk [tilespmem:v6+s2+$0x0], $0xffff;
	v6 =	vunpack.i.l.s16.s32 v13  }
0x6f: {  	v7 =	vadd.s32 $0x5000, v2;
	v17 =	vld.idx.msk [tilespmem:v8+s2+$0x0], $0xffff  }
0x70: {  	v16 =	vadd.s32 $0x5000, v3;
	v8 =	vld.idx.msk [tilespmem:v9+s2+$0x0], $0xffff  }
0x71: {  	v2 =	vadd.s32 $0x7800, v2;
	v21 =	vld.idx.msk [tilespmem:v10+s2+$0x0], $0xffff  }
0x72: {  	v20 =	vunpack.i.u.s16.s32 v11;
	v18 =	vld.idx.msk [tilespmem:v5+s2+$0x0], $0xffff  }
0x73: {  	v22 =	vadd.s32 $0x2800, v20;
	v24 =	vunpack.i.u.s16.s32 v12;
	v19 =	vld.idx.msk [tilespmem:v6+s2+$0x0], $0xffff;
	v11 =	vunpack.i.l.bf16.f32 v1  }
0x74: {  	v23 =	vunpack.i.u.bf16.f32 v1;
	v1 =	vadd.s32 $0x7800, v3;
	v3 =	vunpack.i.l.bf16.f32 v14;
	[tilespmem:v7+s17+$0x0] =	vst.idx.add.f32.msk $0xffff, v11  }
0x75: {  	v13 =	vunpack.i.u.s16.s32 v13;
	[tilespmem:v16+s17+$0x0] =	vst.idx.add.f32.msk $0xffff, v3  }
0x76: {  	v12 =	vadd.s32 $0x2800, v24;
	v9 =	vadd.s32 $0x2800, v9;
	[tilespmem:v2+s17+$0x0] =	vst.idx.add.f32.msk $0xffff, v23;
	v7 =	vunpack.i.l.bf16.f32 v8  }
0x77: {  	v3 =	vadd.s32 $0x7800, v4;
	v2 =	vadd.s32 $0x5000, v4;
	v4 =	vunpack.i.u.bf16.f32 v8;
	[tilespmem:v20+s17+$0x0] =	vst.idx.add.f32.msk $0xffff, v7  }
0x78: {  	v62 =	vadd.s32 $0x2800, v13;
	v8 =	vadd.s32 $0x2800, v5;
	v5 =	vunpack.i.l.bf16.f32 v18;
	[tilespmem:v22+s17+$0x0] =	vst.idx.add.f32.msk $0xffff, v4  }
0x79: {  	v25 =	vunpack.i.u.s16.s32 v15;
	v11 =	vunpack.i.u.bf16.f32 v14;
	v14 =	vunpack.i.l.bf16.f32 v19;
	[tilespmem:v24+s17+$0x0] =	vst.idx.add.f32.msk $0xffff, v5  }
0x7a: {  	[tilespmem:v13+s17+$0x0] =	vst.idx.add.f32.msk $0xffff, v14  }
0x7b: {  	v63 =	vadd.s32 $0x2800, v25;
	v7 =	vadd.s32 $0x2800, v6;
	v6 =	vunpack.i.u.bf16.f32 v18;
	v16 =	vld.idx.msk [tilespmem:v9+s2+$0x0], $0xffff  }
0x7c: {  	v9 =	vunpack.i.u.bf16.f32 v17;
	[tilespmem:v12+s17+$0x0] =	vst.idx.add.f32.msk $0xffff, v6;
	v12 =	vunpack.i.l.bf16.f32 v17;
	v17 =	vunpack.i.u.bf16.f32 v19  }
0x7d: {  	v18 =	vunpack.i.l.bf16.f32 v21;
	[tilespmem:v62+s17+$0x0] =	vst.idx.add.f32.msk $0xffff, v17;
	v17 =	vadd.s32 $0x5000, v20  }
0x7e: {  	[tilespmem:v25+s17+$0x0] =	vst.idx.add.f32.msk $0xffff, v18;
	v18 =	vadd.s32 $0x7800, v20  }
0x7f: {  	v15 =	vadd.s32 $0x7800, v13;
	v10 =	vadd.s32 $0x2800, v10;
	v4 =	vadd.s32 $0x5000, v24  }
0x80: {  	v5 =	vadd.s32 $0x7800, v24;
	v14 =	vadd.s32 $0x5000, v25;
	v19 =	vunpack.i.u.bf16.f32 v21  }
0x81: {  	s28 =	simm.s32 $0x80;
	s26 =	simm.s32 $0x100;
	s25 =	simm.s32 $0x4;
	v6 =	vadd.s32 $0x5000, v13;
	v13 =	vadd.s32 $0x7800, v25;
	[tilespmem:v63+s17+$0x0] =	vst.idx.add.f32.msk $0xffff, v19;
	v19 =	vunpack.i.l.bf16.f32 v16  }
.LBB2_9:
0x82: {  	s29 =	sand.u32 $0x40, s28;
	s30 =	sand.u32 $0x1F00, s26;
	v16 =	vunpack.i.u.bf16.f32 v16;
	[tilespmem:v17+s17+$0x0] =	vst.idx.add.f32.msk $0xffff, v19  }
0x83: {  	s29 =	sor.u32 s29, s30;
	[tilespmem:v18+s17+$0x0] =	vst.idx.add.f32.msk $0xffff, v16  }
0x84: {  	s25 =	sadd.s32 $0x4, s25;
	v16 =	vld [tilespmem:s29+$0xF030]  }
0x85: {  	p0 =	slt.u32 s25, $0xC4;
	v17 =	vld [tilespmem:s29+$0xF000]  }
0x86: {  	v18 =	vld [tilespmem:s29+$0xF010]  }
0x87: {  	v19 =	vld [tilespmem:s29+$0xF020]  }
0x88: {  	v20 =	vld.idx.msk [tilespmem:v8+s2+$0x0], $0xffff  }
0x89: {  	v21 =	vunpack.i.l.s16.s32 v16;
	v22 =	vld.idx.msk [tilespmem:v7+s2+$0x0], $0xffff  }
0x8a: {  	v23 =	vunpack.i.u.s16.s32 v17;
	v17 =	vunpack.i.l.s16.s32 v17;
	v24 =	vld.idx.msk [tilespmem:v10+s2+$0x0], $0xffff  }
0x8b: {  	v25 =	vadd.s32 $0x2800, v23;
	v26 =	vunpack.i.u.s16.s32 v18;
	v18 =	vunpack.i.l.s16.s32 v18;
	[tilespmem:v1+s17+$0x0] =	vst.idx.add.f32.msk $0xffff, v11;
	v1 =	vmovc v15  }
0x8c: {  	v27 =	vadd.s32 $0x2800, v26;
	v28 =	vunpack.i.u.s16.s32 v19;
	v15 =	vunpack.i.l.s16.s32 v19;
	[tilespmem:v2+s17+$0x0] =	vst.idx.add.f32.msk $0xffff, v12;
	v2 =	vmovc v14  }
0x8d: {  	v8 =	vadd.s32 $0x2800, v17;
	v7 =	vadd.s32 $0x2800, v18;
	v19 =	vadd.s32 $0x2800, v28;
	[tilespmem:v3+s17+$0x0] =	vst.idx.add.f32.msk $0xffff, v9;
	v3 =	vmovc v13  }
0x8e: {  	v10 =	vadd.s32 $0x2800, v15;
	v30 =	vunpack.i.u.bf16.f32 v20;
	v13 =	vunpack.i.l.bf16.f32 v20;
	v29 =	vld.idx.msk [tilespmem:v21+s2+$0x0], $0xffff  }
0x8f: {  	v20 =	vadd.s32 $0x5000, v23;
	v11 =	vunpack.i.u.bf16.f32 v22;
	v22 =	vunpack.i.l.bf16.f32 v22;
	v17 =	vld.idx.msk [tilespmem:v17+s2+$0x0], $0xffff  }
0x90: {  	v31 =	vunpack.i.u.s16.s32 v16;
	v9 =	vunpack.i.u.bf16.f32 v24;
	v12 =	vunpack.i.l.bf16.f32 v24;
	v18 =	vld.idx.msk [tilespmem:v18+s2+$0x0], $0xffff  }
0x91: {  	v33 =	vadd.s32 $0x2800, v31;
	v16 =	vadd.s32 $0x7800, v23;
	v24 =	vadd.s32 $0x5000, v26;
	v32 =	vld.idx.msk [tilespmem:v15+s2+$0x0], $0xffff  }
0x92: {  	v14 =	vadd.s32 $0x5000, v28;
	v21 =	vadd.s32 $0x2800, v21;
	v15 =	vadd.s32 $0x7800, v26;
	[tilespmem:v4+s17+$0x0] =	vst.idx.add.f32.msk $0xffff, v13;
	v4 =	vmovc v20  }
0x93: {  	v13 =	vadd.s32 $0x7800, v28;
	[tilespmem:v5+s17+$0x0] =	vst.idx.add.f32.msk $0xffff, v30;
	v5 =	vmov v16  }
0x94: {  	v16 =	vunpack.i.l.bf16.f32 v29;
	[tilespmem:v6+s17+$0x0] =	vst.idx.add.f32.msk $0xffff, v22;
	v6 =	vmov v24  }
0x95: {  	v20 =	vunpack.i.u.bf16.f32 v17;
	v17 =	vunpack.i.l.bf16.f32 v17;
	v22 =	vunpack.i.u.bf16.f32 v29;
	[tilespmem:v31+s17+$0x0] =	vst.idx.add.f32.msk $0xffff, v16  }
0x96: {  	v24 =	vunpack.i.u.bf16.f32 v18;
	v18 =	vunpack.i.l.bf16.f32 v18;
	[tilespmem:v33+s17+$0x0] =	vst.idx.add.f32.msk $0xffff, v22  }
0x97: {  	v22 =	vunpack.i.u.bf16.f32 v32;
	v29 =	vunpack.i.l.bf16.f32 v32;
	v16 =	vld.idx.msk [tilespmem:v21+s2+$0x0], $0xffff  }
0x98: {  	[tilespmem:v23+s17+$0x0] =	vst.idx.add.f32.msk $0xffff, v17  }
.Ltmp5:
0x99: {  	v17 =	vadd.s32 $0x5000, v31;
	[tilespmem:v25+s17+$0x0] =	vst.idx.add.f32.msk $0xffff, v20;
	(pc) =	sbr.rel @p0 .LBB2_9-.Ltmp5, $4  }
0x9a: {  	[tilespmem:v26+s17+$0x0] =	vst.idx.add.f32.msk $0xffff, v18;
	v18 =	vadd.s32 $0x7800, v31  }
0x9b: {  	[tilespmem:v27+s17+$0x0] =	vst.idx.add.f32.msk $0xffff, v24  }
0x9c: {  	[tilespmem:v28+s17+$0x0] =	vst.idx.add.f32.msk $0xffff, v29  }
0x9d: {  	s26 =	sadd.s32 $0x80, s26;
	s28 =	sadd.s32 $0x40, s28;
	[tilespmem:v19+s17+$0x0] =	vst.idx.add.f32.msk $0xffff, v22;
	v19 =	vunpack.i.l.bf16.f32 v16  }
0x9e: {  	_ =	sdelay $0x3  }
0x9f: {  	[tilespmem:v17+s17+$0x0] =	vst.idx.add.f32.msk $0xffff, v19  }
0xa0: {  	v8 =	vld.idx.msk [tilespmem:v8+s2+$0x0], $0xffff  }
0xa1: {  	v7 =	vld.idx.msk [tilespmem:v7+s2+$0x0], $0xffff  }
0xa2: {  	v10 =	vld.idx.msk [tilespmem:v10+s2+$0x0], $0xffff  }
0xa3: {  	[tilespmem:v1+s17+$0x0] =	vst.idx.add.f32.msk $0xffff, v11  }
0xa4: {  	v16 =	vunpack.i.u.bf16.f32 v16;
	[tilespmem:v2+s17+$0x0] =	vst.idx.add.f32.msk $0xffff, v12  }
0xa5: {  	[tilespmem:v18+s17+$0x0] =	vst.idx.add.f32.msk $0xffff, v16  }
0xa6: {  	[tilespmem:v3+s17+$0x0] =	vst.idx.add.f32.msk $0xffff, v9;
	v1 =	vunpack.i.l.bf16.f32 v8  }
0xa7: {  	p0 =	seq.s32 s24, $0x31;
	v2 =	vunpack.i.u.bf16.f32 v8;
	[tilespmem:v4+s17+$0x0] =	vst.idx.add.f32.msk $0xffff, v1  }
.Ltmp6:
0xa8: {  	v1 =	vunpack.i.l.bf16.f32 v7;
	[tilespmem:v5+s17+$0x0] =	vst.idx.add.f32.msk $0xffff, v2;
	(pc) =	sbr.rel @p0 .LBB2_14-.Ltmp6, $4  }
0xa9: {  	v2 =	vunpack.i.u.bf16.f32 v7;
	[tilespmem:v6+s17+$0x0] =	vst.idx.add.f32.msk $0xffff, v1  }
0xaa: {  	v1 =	vunpack.i.l.bf16.f32 v10;
	[tilespmem:v15+s17+$0x0] =	vst.idx.add.f32.msk $0xffff, v2  }
0xab: {  	v2 =	vunpack.i.u.bf16.f32 v10;
	[tilespmem:v14+s17+$0x0] =	vst.idx.add.f32.msk $0xffff, v1  }
0xac: {  	[tilespmem:v13+s17+$0x0] =	vst.idx.add.f32.msk $0xffff, v2  }
0xad: {  	s25 =	smul.u32 $0x1900, s24;
	_ =	sdelay $0x1  }
0xae: {  	s25 =	sshrl.u32 s25, $0x3  }
0xaf: {  	s25 =	sadd.s32 s3, s25  }
0xb0: {  	s26 =	simm.s32 $0xF000;
	s25 =	sadd.s32 $0x320, s25  }
0xb1: {  	s28 =	simm.s32 $0x10;
	s29 =	simm.s32 $0xF100;
	s30 =	sadd.s32 $0x0, s25  }
.LBB2_12:
0xb2: {  	[tilespmem:s26], [sflag:$0x1] =	stream.linear.gather [hbm4b:s30+s2], $0x80, $0x38;
	[tilespmem:$0x10900] =	vst v63  }
0xb3: {  	s30 =	smov.u32 s28;
	s26 =	smov.u32 s29;
	p1 =	sne.s32 s28, $0x180  }
.Ltmp7:
0xb4: {  	s28 =	sadd.s32 $0x10, s28;
	(pc) =	sbr.rel @p1 .LBB2_12-.Ltmp7, $2  }
0xb5: {  	_ =	sdelay $0x2  }
0xb6: {  	s29 =	sadd.s32 $0x100, s29;
	s30 =	sadd.s32 s30, s25  }
0xb7: {  	[tilespmem:s26], [sflag:$0x1] =	stream.linear.gather [hbm4b:s30+s2], $0x80, $0x38;
	[tilespmem:$0x10900] =	vst v63  }
.LBB2_14:
0xb8: {  	p1 =	por $0x0, $0x0;
	s25 =	simm.s32 $0x1  }
0xb9: {  	s25 =	simm.s32 @!p1 $0x0  }
0xba: {  	_ =	swait.ge [sflag:s18], $0xC80;
	s25 =	sshll.u32 s25, $0x6  }
0xbb: {  	[sflag:s18] =	ssyncset.done $0x0;
	s25 =	sadd.s32 $0x0, s25  }
0xbc: {  	[sflag:s18] =	ssyncadd.s32 $0xFFFFF380;
	s26 =	sor.u32 $0xB0, s25  }
0xbd: {  	v1 =	vld [tilespmem:s26+$0xF000];
	_ =	sdelay $0x1  }
0xbe: {  	s31 =	sor.u32 $0x80, s25  }
0xbf: {  	s28 =	sor.u32 $0x90, s25;
	v2 =	vld [tilespmem:s31+$0xF000]  }
0xc0: {  	s25 =	sor.u32 $0xA0, s25;
	v3 =	vld [tilespmem:s28+$0xF000]  }
0xc1: {  	v4 =	vld [tilespmem:s25+$0xF000];
	v5 =	vunpack.i.l.s16.s32 v1;
	_ =	sdelay $0x2  }
0xc2: {  	v6 =	vunpack.i.l.s16.s32 v2  }
0xc3: {  	v7 =	vunpack.i.l.s16.s32 v3  }
0xc4: {  	v8 =	vunpack.i.l.s16.s32 v4;
	v9 =	vld.idx.msk [tilespmem:v5+s2+$0x0], $0xffff  }
0xc5: {  	v1 =	vunpack.i.u.s16.s32 v1  }
0xc6: {  	v10 =	vadd.s32 $0x2800, v1  }
0xc7: {  	p1 =	por !p1, !p1;
	s25 =	simm.s32 $0x1;
	v11 =	vld.idx.msk [tilespmem:v6+s2+$0x0], $0xffff  }
0xc8: {  	s25 =	simm.s32 @!p1 $0x0;
	v5 =	vadd.s32 $0x2800, v5;
	v12 =	vld.idx.msk [tilespmem:v7+s2+$0x0], $0xffff  }
0xc9: {  	s25 =	sshll.u32 s25, $0x6;
	v2 =	vunpack.i.u.s16.s32 v2;
	v14 =	vld.idx.msk [tilespmem:v8+s2+$0x0], $0xffff;
	v15 =	vunpack.i.l.bf16.f32 v9  }
0xca: {  	s25 =	sadd.s32 $0x80, s25;
	v13 =	vadd.s32 $0x2800, v2;
	v9 =	vunpack.i.u.bf16.f32 v9;
	[tilespmem:v1+s17+$0x0] =	vst.idx.add.f32.msk $0xffff, v15  }
0xcb: {  	s29 =	sor.u32 $0xB0, s25;
	v3 =	vunpack.i.u.s16.s32 v3;
	[tilespmem:v10+s17+$0x0] =	vst.idx.add.f32.msk $0xffff, v9  }
0xcc: {  	v15 =	vadd.s32 $0x2800, v3;
	v9 =	vunpack.i.l.bf16.f32 v11;
	v10 =	vunpack.i.u.bf16.f32 v11;
	v11 =	vld [tilespmem:s29+$0xF000]  }
0xcd: {  	v5 =	vld.idx.msk [tilespmem:v5+s2+$0x0], $0xffff  }
0xce: {  	v4 =	vunpack.i.u.s16.s32 v4;
	[tilespmem:v2+s17+$0x0] =	vst.idx.add.f32.msk $0xffff, v9  }
0xcf: {  	v9 =	vunpack.i.l.bf16.f32 v12;
	[tilespmem:v13+s17+$0x0] =	vst.idx.add.f32.msk $0xffff, v10  }
0xd0: {  	v10 =	vunpack.i.u.bf16.f32 v12;
	[tilespmem:v3+s17+$0x0] =	vst.idx.add.f32.msk $0xffff, v9  }
0xd1: {  	s30 =	sor.u32 $0x80, s25;
	s31 =	sor.u32 $0x90, s25;
	s25 =	sor.u32 $0xA0, s25;
	v6 =	vadd.s32 $0x2800, v6;
	[tilespmem:v15+s17+$0x0] =	vst.idx.add.f32.msk $0xffff, v10  }
0xd2: {  	v9 =	vunpack.i.l.bf16.f32 v14;
	v10 =	vadd.s32 $0x2800, v4;
	v15 =	vld [tilespmem:s25+$0xF000]  }
0xd3: {  	[tilespmem:v4+s17+$0x0] =	vst.idx.add.f32.msk $0xffff, v9;
	v9 =	vadd.s32 $0x5000, v1  }
0xd4: {  	v7 =	vadd.s32 $0x2800, v7;
	v13 =	vld [tilespmem:s31+$0xF000]  }
0xd5: {  	v8 =	vadd.s32 $0x2800, v8;
	v12 =	vld [tilespmem:s30+$0xF000]  }
0xd6: {  	v14 =	vunpack.i.u.bf16.f32 v14;
	v1 =	vadd.s32 $0x7800, v1;
	v6 =	vld.idx.msk [tilespmem:v6+s2+$0x0], $0xffff  }
0xd7: {  	[tilespmem:v10+s17+$0x0] =	vst.idx.add.f32.msk $0xffff, v14;
	v10 =	vunpack.i.l.bf16.f32 v5;
	v18 =	vunpack.i.l.s16.s32 v15  }
0xd8: {  	[tilespmem:v9+s17+$0x0] =	vst.idx.add.f32.msk $0xffff, v10;
	v9 =	vunpack.i.l.s16.s32 v11  }
0xd9: {  	v14 =	vld.idx.msk [tilespmem:v7+s2+$0x0], $0xffff;
	v10 =	vunpack.i.l.s16.s32 v13  }
0xda: {  	v5 =	vunpack.i.u.bf16.f32 v5;
	v7 =	vadd.s32 $0x5000, v2;
	v19 =	vld.idx.msk [tilespmem:v8+s2+$0x0], $0xffff  }
0xdb: {  	[tilespmem:v1+s17+$0x0] =	vst.idx.add.f32.msk $0xffff, v5;
	v5 =	vunpack.i.l.s16.s32 v12  }
0xdc: {  	v8 =	vadd.s32 $0x7800, v2;
	v25 =	vld.idx.msk [tilespmem:v18+s2+$0x0], $0xffff  }
0xdd: {  	v17 =	vadd.s32 $0x5000, v3;
	v23 =	vunpack.i.u.s16.s32 v11;
	v2 =	vadd.s32 $0x5000, v4;
	v20 =	vld.idx.msk [tilespmem:v9+s2+$0x0], $0xffff  }
0xde: {  	v1 =	vadd.s32 $0x7800, v3;
	v3 =	vadd.s32 $0x7800, v4;
	v4 =	vunpack.i.l.bf16.f32 v6;
	v22 =	vld.idx.msk [tilespmem:v10+s2+$0x0], $0xffff  }
0xdf: {  	v24 =	vunpack.i.u.s16.s32 v12;
	v26 =	vunpack.i.u.s16.s32 v13;
	[tilespmem:v7+s17+$0x0] =	vst.idx.add.f32.msk $0xffff, v4  }
0xe0: {  	v27 =	vadd.s32 $0x2800, v24;
	v12 =	vadd.s32 $0x2800, v23;
	v6 =	vunpack.i.u.bf16.f32 v6;
	v21 =	vld.idx.msk [tilespmem:v5+s2+$0x0], $0xffff  }
0xe1: {  	v28 =	vadd.s32 $0x2800, v26;
	v16 =	vunpack.i.u.s16.s32 v15;
	v4 =	vunpack.i.l.bf16.f32 v14;
	[tilespmem:v8+s17+$0x0] =	vst.idx.add.f32.msk $0xffff, v6  }
0xe2: {  	v13 =	vadd.s32 $0x2800, v9;
	v7 =	vadd.s32 $0x2800, v5;
	[tilespmem:v17+s17+$0x0] =	vst.idx.add.f32.msk $0xffff, v4;
	v5 =	vunpack.i.l.bf16.f32 v20  }
0xe3: {  	v15 =	vadd.s32 $0x7800, v26;
	v6 =	vunpack.i.u.bf16.f32 v20;
	v20 =	vunpack.i.l.bf16.f32 v22;
	[tilespmem:v23+s17+$0x0] =	vst.idx.add.f32.msk $0xffff, v5  }
0xe4: {  	v11 =	vunpack.i.u.bf16.f32 v14;
	v8 =	vadd.s32 $0x2800, v10;
	v17 =	vadd.s32 $0x2800, v16;
	[tilespmem:v26+s17+$0x0] =	vst.idx.add.f32.msk $0xffff, v20  }
0xe5: {  	v10 =	vadd.s32 $0x2800, v18;
	v4 =	vadd.s32 $0x5000, v24;
	v14 =	vunpack.i.l.bf16.f32 v21;
	[tilespmem:v12+s17+$0x0] =	vst.idx.add.f32.msk $0xffff, v6  }
0xe6: {  	v9 =	vunpack.i.u.bf16.f32 v19;
	v63 =	vunpack.i.u.bf16.f32 v22;
	v22 =	vunpack.i.l.bf16.f32 v25;
	[tilespmem:v24+s17+$0x0] =	vst.idx.add.f32.msk $0xffff, v14  }
0xe7: {  	v5 =	vadd.s32 $0x5000, v26;
	v20 =	vadd.s32 $0x7800, v23;
	v12 =	vunpack.i.l.bf16.f32 v19;
	v18 =	vld.idx.msk [tilespmem:v13+s2+$0x0], $0xffff  }
0xe8: {  	v6 =	vadd.s32 $0x7800, v24;
	v19 =	vunpack.i.u.bf16.f32 v21;
	v21 =	vadd.s32 $0x5000, v23;
	[tilespmem:v28+s17+$0x0] =	vst.idx.add.f32.msk $0xffff, v63  }
0xe9: {  	s26 =	simm.s32 $0x4;
	p1 =	por !p1, !p1;
	s25 =	simm.s32 $0x80;
	v14 =	vadd.s32 $0x7800, v16;
	v13 =	vadd.s32 $0x5000, v16;
	[tilespmem:v27+s17+$0x0] =	vst.idx.add.f32.msk $0xffff, v19;
	v19 =	vunpack.i.u.bf16.f32 v25  }
.LBB2_15:
0xea: {  	s28 =	simm.s32 $0x1  }
0xeb: {  	[tilespmem:v16+s17+$0x0] =	vst.idx.add.f32.msk $0xffff, v22;
	s28 =	simm.s32 @!p1 $0x0  }
0xec: {  	v16 =	vunpack.i.l.bf16.f32 v18;
	s25 =	sadd.s32 $0x80, s25;
	s28 =	sshll.u32 s28, $0x6;
	[tilespmem:v17+s17+$0x0] =	vst.idx.add.f32.msk $0xffff, v19  }
0xed: {  	s26 =	sadd.s32 $0x4, s26;
	v17 =	vunpack.i.u.bf16.f32 v18;
	s28 =	sadd.s32 s28, s25;
	[tilespmem:v21+s17+$0x0] =	vst.idx.add.f32.msk $0xffff, v16  }
0xee: {  	p2 =	slt.u32 s26, $0xC4;
	s29 =	sor.u32 $0x80, s28;
	s30 =	sor.u32 $0xB0, s28;
	[tilespmem:v20+s17+$0x0] =	vst.idx.add.f32.msk $0xffff, v17  }
0xef: {  	s31 =	sor.u32 $0x90, s28;
	s28 =	sor.u32 $0xA0, s28;
	v18 =	vld [tilespmem:s30+$0xF000]  }
0xf0: {  	v16 =	vld [tilespmem:s29+$0xF000]  }
0xf1: {  	v17 =	vld [tilespmem:s31+$0xF000]  }
0xf2: {  	v19 =	vld [tilespmem:s28+$0xF000]  }
0xf3: {  	v20 =	vld.idx.msk [tilespmem:v7+s2+$0x0], $0xffff  }
0xf4: {  	v21 =	vunpack.i.l.s16.s32 v18;
	v22 =	vld.idx.msk [tilespmem:v8+s2+$0x0], $0xffff  }
0xf5: {  	v23 =	vunpack.i.u.s16.s32 v16;
	v24 =	vunpack.i.l.s16.s32 v16;
	v25 =	vld.idx.msk [tilespmem:v10+s2+$0x0], $0xffff  }
0xf6: {  	v26 =	vadd.s32 $0x2800, v23;
	v27 =	vunpack.i.u.s16.s32 v17;
	v28 =	vunpack.i.l.s16.s32 v17;
	[tilespmem:v1+s17+$0x0] =	vst.idx.add.f32.msk $0xffff, v11;
	v1 =	vmovc v15  }
0xf7: {  	v29 =	vadd.s32 $0x2800, v27;
	v16 =	vunpack.i.u.s16.s32 v19;
	v15 =	vunpack.i.l.s16.s32 v19;
	[tilespmem:v2+s17+$0x0] =	vst.idx.add.f32.msk $0xffff, v12;
	v2 =	vmovc v13  }
0xf8: {  	v7 =	vadd.s32 $0x2800, v24;
	v8 =	vadd.s32 $0x2800, v28;
	v17 =	vadd.s32 $0x2800, v16;
	[tilespmem:v3+s17+$0x0] =	vst.idx.add.f32.msk $0xffff, v9;
	v3 =	vmovc v14  }
0xf9: {  	v10 =	vadd.s32 $0x2800, v15;
	v30 =	vunpack.i.u.bf16.f32 v20;
	v14 =	vunpack.i.l.bf16.f32 v20;
	v19 =	vld.idx.msk [tilespmem:v21+s2+$0x0], $0xffff  }
0xfa: {  	v11 =	vunpack.i.u.bf16.f32 v22;
	v22 =	vunpack.i.l.bf16.f32 v22;
	v20 =	vld.idx.msk [tilespmem:v24+s2+$0x0], $0xffff;
	v24 =	vadd.s32 $0x5000, v23  }
0xfb: {  	v31 =	vunpack.i.u.s16.s32 v18;
	v9 =	vunpack.i.u.bf16.f32 v25;
	v12 =	vunpack.i.l.bf16.f32 v25;
	v28 =	vld.idx.msk [tilespmem:v28+s2+$0x0], $0xffff  }
0xfc: {  	v33 =	vadd.s32 $0x2800, v31;
	v18 =	vadd.s32 $0x7800, v23;
	v25 =	vadd.s32 $0x5000, v27;
	v32 =	vld.idx.msk [tilespmem:v15+s2+$0x0], $0xffff  }
0xfd: {  	v13 =	vadd.s32 $0x5000, v16;
	v21 =	vadd.s32 $0x2800, v21;
	v15 =	vadd.s32 $0x7800, v27;
	[tilespmem:v4+s17+$0x0] =	vst.idx.add.f32.msk $0xffff, v14;
	v4 =	vmovc v24  }
0xfe: {  	v14 =	vadd.s32 $0x7800, v16;
	[tilespmem:v6+s17+$0x0] =	vst.idx.add.f32.msk $0xffff, v30;
	v6 =	vmov v18  }
0xff: {  	v18 =	vunpack.i.l.bf16.f32 v19;
	[tilespmem:v5+s17+$0x0] =	vst.idx.add.f32.msk $0xffff, v22;
	v5 =	vmov v25  }
0x100: {  	v19 =	vunpack.i.u.bf16.f32 v19;
	v24 =	vunpack.i.u.bf16.f32 v20;
	v20 =	vunpack.i.l.bf16.f32 v20;
	[tilespmem:v31+s17+$0x0] =	vst.idx.add.f32.msk $0xffff, v18  }
0x101: {  	v25 =	vunpack.i.u.bf16.f32 v28;
	v28 =	vunpack.i.l.bf16.f32 v28;
	[tilespmem:v33+s17+$0x0] =	vst.idx.add.f32.msk $0xffff, v19  }
.Ltmp8:
0x102: {  	v19 =	vunpack.i.u.bf16.f32 v32;
	v22 =	vunpack.i.l.bf16.f32 v32;
	v18 =	vld.idx.msk [tilespmem:v21+s2+$0x0], $0xffff;
	(pc) =	sbr.rel @p2 .LBB2_15-.Ltmp8, $4  }
0x103: {  	[tilespmem:v23+s17+$0x0] =	vst.idx.add.f32.msk $0xffff, v20  }
0x104: {  	v21 =	vadd.s32 $0x5000, v31;
	[tilespmem:v26+s17+$0x0] =	vst.idx.add.f32.msk $0xffff, v24  }
0x105: {  	v20 =	vadd.s32 $0x7800, v31;
	[tilespmem:v27+s17+$0x0] =	vst.idx.add.f32.msk $0xffff, v28  }
0x106: {  	p1 =	por !p1, !p1;
	[tilespmem:v29+s17+$0x0] =	vst.idx.add.f32.msk $0xffff, v25  }
0x107: {  	_ =	sdelay $0x3  }
0x108: {  	[tilespmem:v16+s17+$0x0] =	vst.idx.add.f32.msk $0xffff, v22  }
0x109: {  	v7 =	vld.idx.msk [tilespmem:v7+s2+$0x0], $0xffff  }
0x10a: {  	v8 =	vld.idx.msk [tilespmem:v8+s2+$0x0], $0xffff  }
0x10b: {  	[tilespmem:v1+s17+$0x0] =	vst.idx.add.f32.msk $0xffff, v11  }
0x10c: {  	[tilespmem:v2+s17+$0x0] =	vst.idx.add.f32.msk $0xffff, v12  }
0x10d: {  	v62 =	vunpack.i.l.bf16.f32 v18;
	[tilespmem:v17+s17+$0x0] =	vst.idx.add.f32.msk $0xffff, v19  }
0x10e: {  	[tilespmem:v21+s17+$0x0] =	vst.idx.add.f32.msk $0xffff, v62  }
0x10f: {  	[tilespmem:v3+s17+$0x0] =	vst.idx.add.f32.msk $0xffff, v9  }
0x110: {  	v63 =	vunpack.i.u.bf16.f32 v18;
	v10 =	vld.idx.msk [tilespmem:v10+s2+$0x0], $0xffff  }
0x111: {  	[tilespmem:v20+s17+$0x0] =	vst.idx.add.f32.msk $0xffff, v63;
	v1 =	vunpack.i.l.bf16.f32 v7  }
0x112: {  	v2 =	vunpack.i.u.bf16.f32 v7;
	[tilespmem:v4+s17+$0x0] =	vst.idx.add.f32.msk $0xffff, v1  }
.Ltmp9:
0x113: {  	v1 =	vunpack.i.l.bf16.f32 v8;
	[tilespmem:v6+s17+$0x0] =	vst.idx.add.f32.msk $0xffff, v2;
	(pc) =	sbr.rel @p0 .LBB2_20-.Ltmp9, $4  }
0x114: {  	v2 =	vunpack.i.u.bf16.f32 v8;
	[tilespmem:v5+s17+$0x0] =	vst.idx.add.f32.msk $0xffff, v1  }
0x115: {  	v1 =	vunpack.i.l.bf16.f32 v10;
	[tilespmem:v15+s17+$0x0] =	vst.idx.add.f32.msk $0xffff, v2  }
0x116: {  	v2 =	vunpack.i.u.bf16.f32 v10;
	[tilespmem:v13+s17+$0x0] =	vst.idx.add.f32.msk $0xffff, v1  }
0x117: {  	[tilespmem:v14+s17+$0x0] =	vst.idx.add.f32.msk $0xffff, v2  }
0x118: {  	s25 =	smul.u32 $0x1900, s24;
	_ =	sdelay $0x1  }
0x119: {  	s25 =	sshrl.u32 s25, $0x3  }
0x11a: {  	s25 =	sadd.s32 s3, s25  }
0x11b: {  	s26 =	simm.s32 $0xF080;
	s25 =	sadd.s32 $0x4B0, s25  }
0x11c: {  	s28 =	simm.s32 $0x10;
	s29 =	simm.s32 $0xF180;
	s30 =	sadd.s32 $0x0, s25  }
.LBB2_18:
0x11d: {  	[tilespmem:s26], [sflag:$0x2] =	stream.linear.gather [hbm4b:s30+s2], $0x80, $0x38;
	[tilespmem:$0x10900] =	vst v63  }
0x11e: {  	s30 =	smov.u32 s28;
	s26 =	smov.u32 s29;
	p0 =	sne.s32 s28, $0x180  }
.Ltmp10:
0x11f: {  	s28 =	sadd.s32 $0x10, s28;
	(pc) =	sbr.rel @p0 .LBB2_18-.Ltmp10, $2  }
0x120: {  	_ =	sdelay $0x2  }
0x121: {  	s29 =	sadd.s32 $0x100, s29;
	s30 =	sadd.s32 s30, s25  }
.Ltmp11:
0x122: {  	(pc) =	sbr.rel .LBB2_8-.Ltmp11, $3  }
0x123: {  	_ =	sdelay $0x1  }
0x124: {  	[tilespmem:s26], [sflag:$0x2] =	stream.linear.gather [hbm4b:s30+s2], $0x80, $0x38;
	[tilespmem:$0x10900] =	vst v63  }
0x125: {  	s24 =	sadd.s32 $0x1, s24  }
.LBB2_21:
0x126: {  	_ =	sfence.sel $0x180000  }
0x127: {  	[bflag:$0x0] =	sbarrier.arrive $0xFFFF  }
0x128: {  	p0 =	sne.s32 s1, $0x0;
	_ =	strace $0x9000004A  }
0x129: {  	s0 =	sadd.s32 @!p0 $0x100000, s0;
	[bflag:$0x2] =	sbarrier.arrive $0xFFFF  }
0x12a: {  	[sflag:s0] =	ssyncadd.tile.s32 @!p0 $0x1;
	_ =	shalt  }
.Lfunc_end2:
_tile_overlayer_lowered:
.L_overlay_start_2:
0x12b: {  	(tag) =	ssettag $0x2  }
0x12c: {  	s0 =	rddreg [dreg:$0x0];
	s2 =	stileid.u32  }
0x12d: {  	s1 =	rddreg [dreg:$0x1];
	p0 =	sne.s32 s2, $0x0  }
0x12e: {  	s3 =	rddreg [dreg:$0x2];
	[bflag:$0x3] =	sbarrier.arrive $0xFFFF;
	s2 =	simm.s32 @!p0 $0x1C04  }
0x12f: {  	[timem:s3], [sflag:s2] =	dma.local @!p0 [hbm:s0], s1  }
0x130: {  	s0 =	simm.s32 @!p0 $0x4  }
0x131: {  	_ =	swait.ge @!p0 [sflag:s0], s1  }
0x132: {  	s1 =	ssub.s32 @!p0 $0x0, s1;
	[sflag:s0] =	ssyncset.done @!p0 $0x0  }
0x133: {  	[sflag:s0] =	ssyncadd.s32 @!p0 s1  }
0x134: {  	[bflag:$0x3] =	sbarrier.arrive $0xFFFF  }
0x135: {  	_ =	shalt  }

// kernel: kernel.7.cloned.1.call-start
scs
__scs_entry_jumppad:
0x0: {  	(pc) =	sbr.rel $0x88, $3  }
0x1: {  	(tag) =	ssettag $0x0;
	lr =	simm.s32 $0x1  }
0x2: {  	[smem:$0x3F99] =	sst lr;
	_ =	strace $0xD0000000  }
0x3: {  	_ = 	snop  }
0x4: {  	_ = 	snop  }
0x5: {  	_ = 	snop  }
0x6: {  	_ = 	snop  }
0x7: {  	_ = 	snop  }
__scs_overlays_trampoline_lowered:
0x8: {  	[smem:$0x3FA8] =	sst s0  }
0x9: {  	[smem:$0x3FA9] =	sst s1  }
0xa: {  	[smem:$0x3FAA] =	sst s2  }
0xb: {  	[smem:$0x3FAB] =	sst s3  }
0xc: {  	[smem:$0x3FAC] =	sst s4  }
0xd: {  	[smem:$0x3FAD] =	sst s5  }
0xe: {  	[smem:$0x3FAE] =	sst s6  }
0xf: {  	[smem:$0x3FAF] =	sst s7  }
0x10: {  	[smem:$0x3FB0] =	sst s8  }
0x11: {  	[smem:$0x3FB1] =	sst s9;
	s0 =	simm.s32 @!p0 $0x0  }
0x12: {  	s1 =	sld [smem:$0x3F97];
	s0 =	simm.s32 @p0 $0x1  }
0x13: {  	[smem:$0x3FB2] =	sst s0;
	s0 =	simm.s32 @!p1 $0x0  }
0x14: {  	s2 =	sld [smem:$0x3F96];
	s0 =	simm.s32 @p1 $0x1  }
0x15: {  	[smem:$0x3FB3] =	sst s0;
	s0 =	simm.s32 @!p2 $0x0  }
0x16: {  	s3 =	sld [smem:$0x3FDB];
	s0 =	simm.s32 @p2 $0x1  }
0x17: {  	s4 =	simm.s32 $0x1BF5;
	[smem:$0x3FB5] =	sst s0  }
0x18: {  	s0 =	sld [smem:$0x3F98];
	_ =	swait.ge [sflag:s4], $0x0  }
0x19: {  	s7 =	sld [smem:$0x3F99]  }
0x1a: {  	s8 =	sadd.s32 $0xFFFFE003, lr  }
0x1b: {  	s9 =	sadd.s32 $0xFFFFFEF7, lr;
	s5 =	simm.s32 $0xFFFFFFFF;
	p2 =	slt.u32 s8, $0xFFFFF086  }
0x1c: {  	p1 =	slt.u32 s9, $0xF7A;
	s5 =	simm.s32 @!p2 $0x0  }
0x1d: {  	s5 =	simm.s32 @p1 $0x1;
	p0 =	seq.s32 s7, s2  }
0x1e: {  	s7 =	smul.u32 @!p0 $0xF7A, s2;
	p2 =	seq.s32 @!p0 s5, $0x0  }
0x1f: {  	s9 =	smul.u32 $0xF7A, s1;
	s8 =	simm.s32 @!p0 $0x1BF5;
	p2 =	por !p2, p0  }
0x20: {  	[sflag:s8] =	ssyncset.s32 @!p0 $0xFFFFF086;
	s6 =	sadd.s32 @!p0 s3, s7;
	s7 =	simm.s32 @!p0 $0x108  }
0x21: {  	s3 =	sadd.s32 s3, s9;
	s6 =	sadd.s32 @!p0 $0x88, s6;
	s7 =	simm.s32 @p2 $0x1082  }
0x22: {  	[simem:s7], [sflag:s8] =	dma.local @!p0 [hbm:s6], $0xF7A  }
0x23: {  	s9 =	sor.u32 $0xD0000000, s2;
	s6 =	simm.s32 $0x108;
	_ =	swait.ge @!p0 [sflag:s8], $0x0  }
0x24: {  	s3 =	sadd.s32 $0x88, s3;
	s6 =	simm.s32 @!p1 $0x1082;
	[sflag:s4] =	ssyncset.s32 $0xFFFFF086  }
0x25: {  	[simem:s6], [sflag:s4] =	dma.local [hbm:s3], $0xF7A  }
0x26: {  	[smem:$0x3F99] =	sst s1;
	(tag) =	ssettag s2;
	_ =	strace s9  }
0x27: {  	s1 =	sld [smem:$0x3FA9]  }
0x28: {  	s2 =	sld [smem:$0x3FAA]  }
0x29: {  	s4 =	sld [smem:$0x3FAC]  }
0x2a: {  	p0 =	seq.s32 s5, $0x0;
	s5 =	sld [smem:$0x3FAD]  }
0x2b: {  	s6 =	sld [smem:$0x3FAE]  }
0x2c: {  	s7 =	sld [smem:$0x3FAF]  }
0x2d: {  	s3 =	simm.s32 $0x108;
	s8 =	sld [smem:$0x3FB0]  }
0x2e: {  	s3 =	simm.s32 @!p0 $0x1082;
	s9 =	sld [smem:$0x3FB1]  }
0x2f: {  	lr =	sadd.s32 s0, s3;
	s0 =	sld [smem:$0x3FA8]  }
0x30: {  	s3 =	sld [smem:$0x3FAB]  }
0x31: {  	[smem:$0x3FB4] =	sst s10  }
0x32: {  	s10 =	sld [smem:$0x3FB2];
	_ =	sdelay $0x3  }
0x33: {  	p0 =	seq.s32 s10, $0x1;
	s10 =	sld [smem:$0x3FB4];
	_ =	sdelay $0x3  }
0x34: {  	[smem:$0x3FB4] =	sst s10  }
0x35: {  	s10 =	sld [smem:$0x3FB3];
	_ =	sdelay $0x3  }
0x36: {  	p1 =	seq.s32 s10, $0x1;
	s10 =	sld [smem:$0x3FB4];
	_ =	sdelay $0x3  }
0x37: {  	[smem:$0x3FB4] =	sst s10  }
0x38: {  	s10 =	sld [smem:$0x3FB5]  }
0x39: {  	_ = 	snop;
	(pc) =	sbr.ind lr, $3  }
0x3a: {  	_ = 	snop  }
0x3b: {  	_ = 	snop  }
0x3c: {  	p2 =	seq.s32 s10, $0x1;
	s10 =	sld [smem:$0x3FB4]  }
0x3d: {  	_ =	shalt  }
0x3e: {  	_ =	shalt  }
0x3f: {  	_ =	shalt  }
0x40: {  	_ =	shalt  }
0x41: {  	_ =	shalt  }
0x42: {  	_ =	shalt  }
0x43: {  	_ =	shalt  }
0x44: {  	_ =	shalt  }
0x45: {  	_ =	shalt  }
0x46: {  	_ =	shalt  }
0x47: {  	_ =	shalt  }
0x48: {  	_ =	shalt  }
0x49: {  	_ =	shalt  }
0x4a: {  	_ =	shalt  }
0x4b: {  	_ =	shalt  }
0x4c: {  	_ =	shalt  }
0x4d: {  	_ =	shalt  }
0x4e: {  	_ =	shalt  }
0x4f: {  	_ =	shalt  }
0x50: {  	_ =	shalt  }
0x51: {  	_ =	shalt  }
0x52: {  	_ =	shalt  }
0x53: {  	_ =	shalt  }
0x54: {  	_ =	shalt  }
0x55: {  	_ =	shalt  }
0x56: {  	_ =	shalt  }
0x57: {  	_ =	shalt  }
0x58: {  	_ =	shalt  }
0x59: {  	_ =	shalt  }
0x5a: {  	_ =	shalt  }
0x5b: {  	_ =	shalt  }
0x5c: {  	_ =	shalt  }
0x5d: {  	_ =	shalt  }
0x5e: {  	_ =	shalt  }
0x5f: {  	_ =	shalt  }
0x60: {  	_ =	shalt  }
0x61: {  	_ =	shalt  }
0x62: {  	_ =	shalt  }
0x63: {  	_ =	shalt  }
0x64: {  	_ =	shalt  }
0x65: {  	_ =	shalt  }
0x66: {  	_ =	shalt  }
0x67: {  	_ =	shalt  }
0x68: {  	_ =	shalt  }
0x69: {  	_ =	shalt  }
0x6a: {  	_ =	shalt  }
0x6b: {  	_ =	shalt  }
0x6c: {  	_ =	shalt  }
0x6d: {  	_ =	shalt  }
0x6e: {  	_ =	shalt  }
0x6f: {  	_ =	shalt  }
0x70: {  	_ =	shalt  }
0x71: {  	_ =	shalt  }
0x72: {  	_ =	shalt  }
0x73: {  	_ =	shalt  }
0x74: {  	_ =	shalt  }
0x75: {  	_ =	shalt  }
0x76: {  	_ =	shalt  }
0x77: {  	_ =	shalt  }
0x78: {  	_ =	shalt  }
0x79: {  	_ =	shalt  }
0x7a: {  	_ =	shalt  }
0x7b: {  	_ =	shalt  }
0x7c: {  	_ =	shalt  }
0x7d: {  	_ =	shalt  }
0x7e: {  	_ =	shalt  }
0x7f: {  	_ =	shalt  }
0x80: {  	_ =	shalt  }
0x81: {  	_ =	shalt  }
0x82: {  	_ =	shalt  }
0x83: {  	_ =	shalt  }
0x84: {  	_ =	shalt  }
0x85: {  	_ =	shalt  }
0x86: {  	_ =	shalt  }
0x87: {  	_ =	shalt  }
.Lfunc_end0:
.L_simem_size_0:
called_computation_lowered:
.L_overlay_start_0:
0x88: {  	s2 =	sld [smem:$0x3FD9]  }
0x89: {  	s3 =	sld [smem:$0x3FFE];
	_ =	sdelay $0x1  }
0x8a: {  	s1 =	srdreg.scid  }
0x8b: {  	s0 =	sand.u32 $0x1, s1  }
0x8c: {  	s17 =	sshll.u32 s0, $0xA;
	s2 =	sadd.s32 s3, s2  }
0x8d: {  	s2 =	sadd.s32 s2, s17  }
0x8e: {  	[smem:$0x3FC0] =	sst s2  }
0x8f: {  	_ = 	snop  }
0x90: {  	s2 =	sld [smem:$0x3FD0];
	(tm) =	ssettm $0x1  }
0x91: {  	s18 =	sld [smem:$0x3FFB];
	_ =	sdelay $0x3  }
0x92: {  	_ =	strace s18  }
0x93: {  	s3 =	sld [smem:$0x3FFC];
	_ =	sdelay $0x3  }
0x94: {  	_ =	strace s3  }
0x95: {  	s3 =	sld [smem:$0x3FFD];
	_ =	sdelay $0x3  }
0x96: {  	_ =	strace s3  }
0x97: {  	_ =	strace $0x8FFFFFFF  }
0x98: {  	s19 =	sld [smem:$0x3FDB];
	_ =	sdelay $0x1  }
0x99: {  	s4 =	simm.s32 $_scs_section_size  }
0x9a: {  	s5 =	simm.s32 $_size__tile_overlayer_lowered;
	s6 =	simm.s32 $_tile_overlayer_lowered  }
0x9b: {  	s22 =	simm.s32 $0x1BFF;
	s21 =	sshll.u32 s6, $0x1;
	s3 =	sadd.s32 s4, s19  }
0x9c: {  	s7 =	simm.s32 $0x0;
	s20 =	sshll.u32 s5, $0x1;
	s5 =	sadd.s32 s21, s3  }
0x9d: {  	[timem:s7], [sflag:s22] =	dma.local [hbm:s5], s20  }
0x9e: {  	_ =	swait.ge [sflag:s22], s20  }
0x9f: {  	s4 =	ssub.s32 $0x0, s20;
	[sflag:s22] =	ssyncset.done $0x0  }
0xa0: {  	[sflag:s22] =	ssyncadd.s32 s4;
	_ =	sdelay $0x1  }
0xa1: {  	s23 =	simm.s32 $0x1B8B  }
0xa2: {  	_ =	swait.ge [sflag:s23], $0x1  }
0xa3: {  	[sflag:s23] =	ssyncset.done $0x0  }
0xa4: {  	s25 =	simm.s32 $0x1B8E;
	s24 =	sld [smem:$0x3FFE];
	[sflag:s23] =	ssyncadd.s32 $0xFFFFFFFF  }
0xa5: {  	s26 =	simm.s32 $execute0_lowered;
	[smem:$0x3FD2] =	sst s25  }
0xa6: {  	s5 =	sshll.u32 s26, $0x1;
	_ =	strace $0x80000046;
	[dreg:$0x1] =	wrdreg $0xFFFFFFFF  }
0xa7: {  	s28 =	simm.s32 $_size_execute0_lowered;
	s3 =	sadd.s32 s3, s5;
	[dreg:$0x0] =	wrdreg $0x0  }
0xa8: {  	s5 =	sshll.u32 s28, $0x1;
	[dreg:$0x2] =	wrdreg s3  }
0xa9: {  	[dreg:$0x3] =	wrdreg s5  }
0xaa: {  	[dreg:$0x4] =	wrdreg $0xC0  }
0xab: {  	_ =	task [dreg:s7], $0x5FFFF  }
0xac: {  	[dreg:$0x1] =	wrdreg $0xFFFFFFFF  }
0xad: {  	[dreg:$0x0] =	wrdreg $0x60  }
0xae: {  	[dreg:$0x2] =	wrdreg s2  }
0xaf: {  	[dreg:$0x3] =	wrdreg s24  }
0xb0: {  	[dreg:$0x4] =	wrdreg $0x9  }
0xb1: {  	_ =	task.clear_ibuf [dreg:s7], $0x5FFFF;
	_ =	strace $0x90000046  }
0xb2: {  	s29 =	simm.s32 $0x9;
	_ =	strace $0x80000048  }
0xb3: {  	_ =	swait.ge [sflag:s29], $0x1  }
0xb4: {  	[sflag:s29] =	ssyncadd.s32 $0xFFFFFFFF  }
0xb5: {  	_ =	strace $0x90000048  }
0xb6: {  	_ =	sfence  }
0xb7: {  	s30 =	sld [smem:$0x0];
	_ =	sdelay $0x2  }
0xb8: {  	s31 =	sshll.u32 s1, $0xD;
	s1 =	sshrl.u32 s1, $0x2  }
0xb9: {  	s3 =	sand.u32 $0x4000, s31;
	s1 =	sadd.s32 s1, s30  }
0xba: {  	s0 =	sor.u32 s3, s0;
	s1 =	sshll.u32 s1, $0x11  }
0xbb: {  	s0 =	sor.u32 s1, s0  }
0xbc: {  	s0 =	sadd.s32 $0x8F2B, s0  }
0xbd: {  	[sflag:s0] =	ssyncadd.remote.s32 $0x1  }
0xbe: {  	_ =	sfence.sel $0xFFFF  }
0xbf: {  	[dreg:$0x0] =	wrdreg $0xFFFFFFFF;
	(pc) =	sbr.abs _section_cstart, $3  }
0xc0: {  	[dreg:$0x1] =	wrdreg $0xFFFFFFFF  }
0xc1: {  	_ =	task.clear_ibuf [dreg:s7], $0x2FFFF;
	_ =	strace $0x9FFFFFFF  }
0xc2: {  	(tm) =	ssettm $0x7FFFFFFF  }
0xc3: {  	_ =	shalt  }
tec
execute0_lowered:
.L_overlay_start_1:
0x0: {  	(tag) =	ssettag $0x1  }
0x1: {  	s0 =	rddreg [dreg:$0x0]  }
0x2: {  	s1 =	rddreg [dreg:$0x1];
	s3 =	srdreg.scid  }
0x3: {  	s9 =	stileid.u32;
	s2 =	simm.s32 $0x0;
	s14 =	simm.s32 $0x80  }
0x4: {  	s15 =	simm.s32 $0x400;
	s17 =	simm.s32 $0x3;
	s18 =	simm.s32 $0x1  }
0x5: {  	s19 =	simm.s32 $0x5000;
	s20 =	simm.s32 $0x2;
	s28 =	simm.s32 $0x0  }
0x6: {  	s4 =	sand.u32 $0x1, s3;
	s5 =	smul.u32 $0x14000, s9;
	[smem:$0x7FF] =	sst s2  }
0x7: {  	s3 =	sadd.s32 $0x3000, s1;
	s21 =	sshll.u32 s9, $0x1;
	s7 =	sshrl.u32 s9, $0x2  }
0x8: {  	s23 =	sshrl.u32 s9, $0x1;
	s6 =	sshll.u32 s4, $0x9;
	s22 =	smul.u32 $0x14000, s7  }
0x9: {  	_ =	strace $0x80000047;
	s8 =	sor.u32 s4, s21;
	s7 =	smul.u32 $0x14000, s23  }
0xa: {  	s4 =	ssub.s32 $0x2, s4;
	s23 =	simm.s32 $0xC800;
	s5 =	sor.u32 s6, s5  }
0xb: {  	s24 =	sshll.u32 s8, $0x7;
	s10 =	sshll.u32 s8, $0x8;
	s30 =	sshrl.u32 s4, $0x1  }
0xc: {  	s31 =	smul.u32 $0x4E2, s8;
	s5 =	sshrl.u32 s5, $0x3;
	s25 =	sand.u32 $0x380, s24  }
0xd: {  	s26 =	sand.u32 $0x300, s10;
	s13 =	ssub.s32 s4, s30;
	s24 =	simm.s32 $0x13100  }
0xe: {  	s11 =	sadd.s32 s5, s1;
	s5 =	sor.u32 s22, s25;
	s29 =	sor.u32 s7, s26  }
0xf: {  	s13 =	smax.u32 s13, $0x1;
	s25 =	simm.s32 $0x4;
	s26 =	simm.s32 $0x10900  }
0x10: {  	s5 =	sshrl.u32 s5, $0x3;
	s6 =	sshrl.u32 s29, $0x3;
	s7 =	sadd.s32 $0xCE00, s11  }
0x11: {  	s8 =	sadd.s32 $0xCE10, s11;
	s9 =	sadd.s32 $0xCE20, s11;
	s10 =	sadd.s32 $0xCE30, s11  }
0x12: {  	s11 =	sadd.s32 s3, s31;
	s12 =	sadd.s32 s5, s1;
	s4 =	sadd.s32 s0, s6  }
0x13: {  	v0 =	vimm.f32 $0.0e+00;
	v1 =	vimm.f32 $1.000000000e+00;
	s5 =	sadd.s32 $0x3190, s1;
	s6 =	sadd.s32 $0x10, s4;
	s12 =	sadd.s32 $0x34E00, s12  }
.LBB2_1:
0x14: {  	s0 =	simm.s32 $0xF000  }
0x15: {  	s1 =	simm.s32 $0x10;
	s16 =	sadd.s32 $0x0, s3;
	s29 =	simm.s32 $0xF100  }
.LBB2_2:
0x16: {  	[tilespmem:s0], [sflag:$0x1] =	stream.linear.gather [hbm4b:s16+s2], $0x80, $0x38;
	[tilespmem:$0x15880] =	vst v63  }
0x17: {  	s16 =	smov.u32 s1;
	s0 =	smov.u32 s29;
	p0 =	sne.s32 s1, $0x180  }
.Ltmp0:
0x18: {  	s1 =	sadd.s32 $0x10, s1;
	(pc) =	sbr.rel @p0 .LBB2_2-.Ltmp0, $2  }
0x19: {  	_ =	sdelay $0x2  }
0x1a: {  	s29 =	sadd.s32 $0x100, s29;
	s16 =	sadd.s32 s16, s3  }
0x1b: {  	[tilespmem:s0], [sflag:$0x1] =	stream.linear.gather [hbm4b:s16+s2], $0x80, $0x38;
	[tilespmem:$0x15880] =	vst v63  }
0x1c: {  	s0 =	simm.s32 $0xF080  }
0x1d: {  	s1 =	simm.s32 $0x10;
	s16 =	sadd.s32 $0x0, s5;
	s29 =	simm.s32 $0xF180  }
.LBB2_4:
0x1e: {  	[tilespmem:s0], [sflag:$0x2] =	stream.linear.gather [hbm4b:s16+s2], $0x80, $0x38;
	[tilespmem:$0x15880] =	vst v63  }
0x1f: {  	s16 =	smov.u32 s1;
	s0 =	smov.u32 s29;
	p0 =	sne.s32 s1, $0x180  }
.Ltmp1:
0x20: {  	s1 =	sadd.s32 $0x10, s1;
	(pc) =	sbr.rel @p0 .LBB2_4-.Ltmp1, $2  }
0x21: {  	_ =	sdelay $0x2  }
0x22: {  	s29 =	sadd.s32 $0x100, s29;
	s16 =	sadd.s32 s16, s5  }
0x23: {  	[tilespmem:s0], [sflag:$0x2] =	stream.linear.gather [hbm4b:s16+s2], $0x80, $0x38;
	[tilespmem:$0x15880] =	vst v63  }
0x24: {  	_ = 	snop  }
0x25: {  	[tilespmem:s2], [sflag:$0x3] =	stream.strided.gather [hbm4b:s4+s14], $0x2800, s15, s14, $0x38;
	[tilespmem:$0x15880] =	vst v63  }
0x26: {  	s31 =	simm.s32 $0x2800;
	s0 =	simm.s32 $0x5040  }
0x27: {  	[tilespmem:s31], [sflag:$0x3] =	stream.strided.gather [hbm4b:s6+s14], $0x2800, s15, s14, $0x38;
	[tilespmem:$0x15880] =	vst v63  }
0x28: {  	[tilespmem:s0+$0xFFFFFFC0] =	vst v0  }
0x29: {  	[tilespmem:s0+$0x30] =	vst v0  }
0x2a: {  	[tilespmem:s0+$0x20] =	vst v0  }
0x2b: {  	[tilespmem:s0+$0x10] =	vst v0  }
0x2c: {  	[tilespmem:s0+$0x0] =	vst v0  }
0x2d: {  	[tilespmem:s0+$0xFFFFFFF0] =	vst v0  }
0x2e: {  	s1 =	simm.s32 $0x0;
	[tilespmem:s0+$0xFFFFFFE0] =	vst v0  }
.LBB2_6:
0x2f: {  	s1 =	sadd.s32 $0x8, s1;
	[tilespmem:s0+$0xFFFFFFD0] =	vst v0;
	s0 =	sadd.s32 $0x80, s0  }
0x30: {  	[tilespmem:s0+$0xFFFFFFC0] =	vst v0;
	p0 =	slt.u32 s1, $0x9F8  }
0x31: {  	[tilespmem:s0+$0x30] =	vst v0  }
.Ltmp2:
0x32: {  	[tilespmem:s0+$0x20] =	vst v0;
	(pc) =	sbr.rel @p0 .LBB2_6-.Ltmp2, $4  }
0x33: {  	[tilespmem:s0+$0x10] =	vst v0  }
0x34: {  	[tilespmem:s0+$0x0] =	vst v0  }
0x35: {  	[tilespmem:s0+$0xFFFFFFF0] =	vst v0  }
0x36: {  	[tilespmem:s0+$0xFFFFFFE0] =	vst v0  }
0x37: {  	[tilespmem:s0+$0xFFFFFFD0] =	vst v0  }
0x38: {  	_ =	swait.ge [sflag:s17], $0x2800  }
0x39: {  	[sflag:s17] =	ssyncset.done $0x0  }
0x3a: {  	[sflag:s17] =	ssyncadd.s32 $0xFFFFD800  }
0x3b: {  	_ =	swait.ge [sflag:s17], $0x2800  }
0x3c: {  	[sflag:s17] =	ssyncset.done $0x0  }
0x3d: {  	s29 =	simm.s32 $0x0;
	s30 =	simm.s32 $0x0;
	[sflag:s17] =	ssyncadd.s32 $0xFFFFD800  }
.LBB2_8:
0x3e: {  	_ =	swait.ge [sflag:s18], $0xC80  }
0x3f: {  	s0 =	sand.u32 $0x40, s29;
	s1 =	sand.u32 $0x1F00, s29;
	[sflag:s18] =	ssyncset.done $0x0  }
0x40: {  	s0 =	sor.u32 s0, s1;
	[sflag:s18] =	ssyncadd.s32 $0xFFFFF380  }
0x41: {  	v2 =	vld [tilespmem:s0+$0xF030];
	_ =	sdelay $0x2  }
0x42: {  	v3 =	vld [tilespmem:s0+$0xF000]  }
0x43: {  	v4 =	vld [tilespmem:s0+$0xF010]  }
0x44: {  	v5 =	vld [tilespmem:s0+$0xF020];
	v6 =	vunpack.i.l.s16.s32 v2;
	_ =	sdelay $0x2  }
0x45: {  	v7 =	vunpack.i.l.s16.s32 v3  }
0x46: {  	v8 =	vunpack.i.l.s16.s32 v4  }
0x47: {  	v9 =	vunpack.i.l.s16.s32 v5;
	v10 =	vld.idx.msk [tilespmem:v6+s2+$0x0], $0xffff  }
0x48: {  	v2 =	vunpack.i.u.s16.s32 v2  }
0x49: {  	v11 =	vadd.s32 $0x2800, v2  }
0x4a: {  	v12 =	vld.idx.msk [tilespmem:v7+s2+$0x0], $0xffff  }
0x4b: {  	v6 =	vadd.s32 $0x2800, v6;
	v13 =	vld.idx.msk [tilespmem:v8+s2+$0x0], $0xffff  }
0x4c: {  	s21 =	simm.s32 $0x80;
	s22 =	simm.s32 $0x40;
	v3 =	vunpack.i.u.s16.s32 v3;
	v15 =	vld.idx.msk [tilespmem:v9+s2+$0x0], $0xffff;
	v16 =	vunpack.i.l.bf16.f32 v10  }
0x4d: {  	s1 =	sand.u32 $0x40, s22;
	s0 =	sand.u32 $0x1F00, s21;
	v14 =	vadd.s32 $0x2800, v3;
	v10 =	vunpack.i.u.bf16.f32 v10;
	[tilespmem:v2+s19+$0x0] =	vst.idx.add.f32.msk $0xffff, v16  }
0x4e: {  	s0 =	sor.u32 s1, s0;
	v4 =	vunpack.i.u.s16.s32 v4;
	[tilespmem:v11+s19+$0x0] =	vst.idx.add.f32.msk $0xffff, v10  }
0x4f: {  	v16 =	vadd.s32 $0x2800, v4;
	v10 =	vunpack.i.l.bf16.f32 v12;
	v11 =	vunpack.i.u.bf16.f32 v12;
	v12 =	vld [tilespmem:s0+$0xF030]  }
0x50: {  	v5 =	vunpack.i.u.s16.s32 v5;
	v6 =	vld.idx.msk [tilespmem:v6+s2+$0x0], $0xffff  }
0x51: {  	[tilespmem:v3+s19+$0x0] =	vst.idx.add.f32.msk $0xffff, v10  }
0x52: {  	v10 =	vunpack.i.l.bf16.f32 v13;
	[tilespmem:v14+s19+$0x0] =	vst.idx.add.f32.msk $0xffff, v11  }
0x53: {  	v11 =	vunpack.i.u.bf16.f32 v13;
	[tilespmem:v4+s19+$0x0] =	vst.idx.add.f32.msk $0xffff, v10  }
0x54: {  	v10 =	vunpack.i.l.bf16.f32 v15;
	[tilespmem:v16+s19+$0x0] =	vst.idx.add.f32.msk $0xffff, v11;
	v11 =	vadd.s32 $0x2800, v5  }
0x55: {  	[tilespmem:v5+s19+$0x0] =	vst.idx.add.f32.msk $0xffff, v10;
	v10 =	vadd.s32 $0x5000, v2  }
0x56: {  	v8 =	vadd.s32 $0x2800, v8;
	v16 =	vld [tilespmem:s0+$0xF020]  }
0x57: {  	v13 =	vld [tilespmem:s0+$0xF000];
	v2 =	vadd.s32 $0x7800, v2  }
0x58: {  	v7 =	vadd.s32 $0x2800, v7;
	v14 =	vld [tilespmem:s0+$0xF010];
	v15 =	vunpack.i.u.bf16.f32 v15  }
0x59: {  	v9 =	vadd.s32 $0x2800, v9;
	[tilespmem:v11+s19+$0x0] =	vst.idx.add.f32.msk $0xffff, v15;
	v11 =	vunpack.i.l.bf16.f32 v6  }
0x5a: {  	[tilespmem:v10+s19+$0x0] =	vst.idx.add.f32.msk $0xffff, v11;
	v10 =	vunpack.i.l.s16.s32 v12  }
0x5b: {  	v6 =	vunpack.i.u.bf16.f32 v6;
	v15 =	vld.idx.msk [tilespmem:v8+s2+$0x0], $0xffff;
	v11 =	vunpack.i.l.s16.s32 v16  }
0x5c: {  	[tilespmem:v2+s19+$0x0] =	vst.idx.add.f32.msk $0xffff, v6;
	v6 =	vunpack.i.l.s16.s32 v13  }
0x5d: {  	v2 =	vld.idx.msk [tilespmem:v7+s2+$0x0], $0xffff;
	v7 =	vunpack.i.l.s16.s32 v14  }
0x5e: {  	v8 =	vadd.s32 $0x5000, v3;
	v18 =	vld.idx.msk [tilespmem:v9+s2+$0x0], $0xffff  }
0x5f: {  	v17 =	vadd.s32 $0x5000, v4;
	v9 =	vld.idx.msk [tilespmem:v10+s2+$0x0], $0xffff  }
0x60: {  	v3 =	vadd.s32 $0x7800, v3;
	v22 =	vld.idx.msk [tilespmem:v11+s2+$0x0], $0xffff  }
0x61: {  	v21 =	vunpack.i.u.s16.s32 v12;
	v19 =	vld.idx.msk [tilespmem:v6+s2+$0x0], $0xffff  }
0x62: {  	v23 =	vadd.s32 $0x2800, v21;
	v25 =	vunpack.i.u.s16.s32 v13;
	v20 =	vld.idx.msk [tilespmem:v7+s2+$0x0], $0xffff;
	v12 =	vunpack.i.l.bf16.f32 v2  }
0x63: {  	v24 =	vunpack.i.u.bf16.f32 v2;
	v2 =	vadd.s32 $0x7800, v4;
	v4 =	vunpack.i.l.bf16.f32 v15;
	[tilespmem:v8+s19+$0x0] =	vst.idx.add.f32.msk $0xffff, v12  }
0x64: {  	v14 =	vunpack.i.u.s16.s32 v14;
	[tilespmem:v17+s19+$0x0] =	vst.idx.add.f32.msk $0xffff, v4  }
0x65: {  	v13 =	vadd.s32 $0x2800, v25;
	v10 =	vadd.s32 $0x2800, v10;
	[tilespmem:v3+s19+$0x0] =	vst.idx.add.f32.msk $0xffff, v24;
	v8 =	vunpack.i.l.bf16.f32 v9  }
0x66: {  	v4 =	vadd.s32 $0x7800, v5;
	v3 =	vadd.s32 $0x5000, v5;
	v5 =	vunpack.i.u.bf16.f32 v9;
	[tilespmem:v21+s19+$0x0] =	vst.idx.add.f32.msk $0xffff, v8  }
0x67: {  	v63 =	vadd.s32 $0x2800, v14;
	v9 =	vadd.s32 $0x2800, v6;
	v6 =	vunpack.i.l.bf16.f32 v19;
	[tilespmem:v23+s19+$0x0] =	vst.idx.add.f32.msk $0xffff, v5  }
0x68: {  	v26 =	vunpack.i.u.s16.s32 v16;
	v12 =	vunpack.i.u.bf16.f32 v15;
	v15 =	vunpack.i.l.bf16.f32 v20;
	[tilespmem:v25+s19+$0x0] =	vst.idx.add.f32.msk $0xffff, v6  }
0x69: {  	[tilespmem:v14+s19+$0x0] =	vst.idx.add.f32.msk $0xffff, v15  }
0x6a: {  	v8 =	vadd.s32 $0x2800, v7;
	v7 =	vunpack.i.u.bf16.f32 v19;
	v23 =	vadd.s32 $0x2800, v26;
	v17 =	vld.idx.msk [tilespmem:v10+s2+$0x0], $0xffff  }
0x6b: {  	v10 =	vunpack.i.u.bf16.f32 v18;
	[tilespmem:v13+s19+$0x0] =	vst.idx.add.f32.msk $0xffff, v7;
	v13 =	vunpack.i.l.bf16.f32 v18;
	v18 =	vunpack.i.u.bf16.f32 v20  }
0x6c: {  	v19 =	vunpack.i.l.bf16.f32 v22;
	[tilespmem:v63+s19+$0x0] =	vst.idx.add.f32.msk $0xffff, v18;
	v18 =	vadd.s32 $0x5000, v21  }
0x6d: {  	[tilespmem:v26+s19+$0x0] =	vst.idx.add.f32.msk $0xffff, v19;
	v19 =	vadd.s32 $0x7800, v21  }
0x6e: {  	v16 =	vadd.s32 $0x7800, v14;
	v11 =	vadd.s32 $0x2800, v11;
	v5 =	vadd.s32 $0x5000, v25  }
0x6f: {  	v6 =	vadd.s32 $0x7800, v25;
	v15 =	vadd.s32 $0x5000, v26;
	v20 =	vunpack.i.u.bf16.f32 v22  }
0x70: {  	s31 =	simm.s32 $0x100;
	s1 =	simm.s32 $0x80;
	s0 =	simm.s32 $0x4;
	v7 =	vadd.s32 $0x5000, v14;
	v14 =	vadd.s32 $0x7800, v26;
	[tilespmem:v23+s19+$0x0] =	vst.idx.add.f32.msk $0xffff, v20;
	v20 =	vunpack.i.l.bf16.f32 v17  }
.LBB2_9:
0x71: {  	s16 =	sand.u32 $0x40, s1;
	s21 =	sand.u32 $0x1F00, s31;
	v17 =	vunpack.i.u.bf16.f32 v17;
	[tilespmem:v18+s19+$0x0] =	vst.idx.add.f32.msk $0xffff, v20  }
0x72: {  	s16 =	sor.u32 s16, s21;
	[tilespmem:v19+s19+$0x0] =	vst.idx.add.f32.msk $0xffff, v17  }
0x73: {  	s0 =	sadd.s32 $0x4, s0;
	v17 =	vld [tilespmem:s16+$0xF030]  }
0x74: {  	p0 =	slt.u32 s0, $0xC4;
	v18 =	vld [tilespmem:s16+$0xF000]  }
0x75: {  	v19 =	vld [tilespmem:s16+$0xF010]  }
0x76: {  	v20 =	vld [tilespmem:s16+$0xF020]  }
0x77: {  	v21 =	vld.idx.msk [tilespmem:v9+s2+$0x0], $0xffff  }
0x78: {  	v22 =	vunpack.i.l.s16.s32 v17;
	v23 =	vld.idx.msk [tilespmem:v8+s2+$0x0], $0xffff  }
0x79: {  	v24 =	vunpack.i.u.s16.s32 v18;
	v18 =	vunpack.i.l.s16.s32 v18;
	v25 =	vld.idx.msk [tilespmem:v11+s2+$0x0], $0xffff  }
0x7a: {  	v26 =	vadd.s32 $0x2800, v24;
	v27 =	vunpack.i.u.s16.s32 v19;
	v19 =	vunpack.i.l.s16.s32 v19;
	[tilespmem:v2+s19+$0x0] =	vst.idx.add.f32.msk $0xffff, v12;
	v2 =	vmovc v16  }
0x7b: {  	v28 =	vadd.s32 $0x2800, v27;
	v29 =	vunpack.i.u.s16.s32 v20;
	v16 =	vunpack.i.l.s16.s32 v20;
	[tilespmem:v3+s19+$0x0] =	vst.idx.add.f32.msk $0xffff, v13;
	v3 =	vmovc v15  }
0x7c: {  	v9 =	vadd.s32 $0x2800, v18;
	v8 =	vadd.s32 $0x2800, v19;
	v20 =	vadd.s32 $0x2800, v29;
	[tilespmem:v4+s19+$0x0] =	vst.idx.add.f32.msk $0xffff, v10;
	v4 =	vmovc v14  }
0x7d: {  	v11 =	vadd.s32 $0x2800, v16;
	v31 =	vunpack.i.u.bf16.f32 v21;
	v14 =	vunpack.i.l.bf16.f32 v21;
	v30 =	vld.idx.msk [tilespmem:v22+s2+$0x0], $0xffff  }
0x7e: {  	v21 =	vadd.s32 $0x5000, v24;
	v12 =	vunpack.i.u.bf16.f32 v23;
	v23 =	vunpack.i.l.bf16.f32 v23;
	v18 =	vld.idx.msk [tilespmem:v18+s2+$0x0], $0xffff  }
0x7f: {  	v32 =	vunpack.i.u.s16.s32 v17;
	v10 =	vunpack.i.u.bf16.f32 v25;
	v13 =	vunpack.i.l.bf16.f32 v25;
	v19 =	vld.idx.msk [tilespmem:v19+s2+$0x0], $0xffff  }
0x80: {  	v34 =	vadd.s32 $0x2800, v32;
	v17 =	vadd.s32 $0x7800, v24;
	v25 =	vadd.s32 $0x5000, v27;
	v33 =	vld.idx.msk [tilespmem:v16+s2+$0x0], $0xffff  }
0x81: {  	v15 =	vadd.s32 $0x5000, v29;
	v22 =	vadd.s32 $0x2800, v22;
	v16 =	vadd.s32 $0x7800, v27;
	[tilespmem:v5+s19+$0x0] =	vst.idx.add.f32.msk $0xffff, v14;
	v5 =	vmovc v21  }
0x82: {  	v14 =	vadd.s32 $0x7800, v29;
	[tilespmem:v6+s19+$0x0] =	vst.idx.add.f32.msk $0xffff, v31;
	v6 =	vmov v17  }
0x83: {  	v17 =	vunpack.i.l.bf16.f32 v30;
	[tilespmem:v7+s19+$0x0] =	vst.idx.add.f32.msk $0xffff, v23;
	v7 =	vmov v25  }
0x84: {  	v21 =	vunpack.i.u.bf16.f32 v18;
	v18 =	vunpack.i.l.bf16.f32 v18;
	v23 =	vunpack.i.u.bf16.f32 v30;
	[tilespmem:v32+s19+$0x0] =	vst.idx.add.f32.msk $0xffff, v17  }
0x85: {  	v25 =	vunpack.i.u.bf16.f32 v19;
	v19 =	vunpack.i.l.bf16.f32 v19;
	[tilespmem:v34+s19+$0x0] =	vst.idx.add.f32.msk $0xffff, v23  }
0x86: {  	v23 =	vunpack.i.u.bf16.f32 v33;
	v30 =	vunpack.i.l.bf16.f32 v33;
	v17 =	vld.idx.msk [tilespmem:v22+s2+$0x0], $0xffff  }
0x87: {  	[tilespmem:v24+s19+$0x0] =	vst.idx.add.f32.msk $0xffff, v18  }
.Ltmp3:
0x88: {  	v18 =	vadd.s32 $0x5000, v32;
	[tilespmem:v26+s19+$0x0] =	vst.idx.add.f32.msk $0xffff, v21;
	(pc) =	sbr.rel @p0 .LBB2_9-.Ltmp3, $4  }
0x89: {  	[tilespmem:v27+s19+$0x0] =	vst.idx.add.f32.msk $0xffff, v19;
	v19 =	vadd.s32 $0x7800, v32  }
0x8a: {  	[tilespmem:v28+s19+$0x0] =	vst.idx.add.f32.msk $0xffff, v25  }
0x8b: {  	[tilespmem:v29+s19+$0x0] =	vst.idx.add.f32.msk $0xffff, v30  }
0x8c: {  	s31 =	sadd.s32 $0x80, s31;
	s1 =	sadd.s32 $0x40, s1;
	[tilespmem:v20+s19+$0x0] =	vst.idx.add.f32.msk $0xffff, v23;
	v20 =	vunpack.i.l.bf16.f32 v17  }
0x8d: {  	_ =	sdelay $0x3  }
0x8e: {  	[tilespmem:v18+s19+$0x0] =	vst.idx.add.f32.msk $0xffff, v20  }
0x8f: {  	v9 =	vld.idx.msk [tilespmem:v9+s2+$0x0], $0xffff  }
0x90: {  	v8 =	vld.idx.msk [tilespmem:v8+s2+$0x0], $0xffff  }
0x91: {  	v11 =	vld.idx.msk [tilespmem:v11+s2+$0x0], $0xffff  }
0x92: {  	[tilespmem:v2+s19+$0x0] =	vst.idx.add.f32.msk $0xffff, v12  }
0x93: {  	v17 =	vunpack.i.u.bf16.f32 v17;
	[tilespmem:v3+s19+$0x0] =	vst.idx.add.f32.msk $0xffff, v13  }
0x94: {  	[tilespmem:v19+s19+$0x0] =	vst.idx.add.f32.msk $0xffff, v17  }
0x95: {  	[tilespmem:v4+s19+$0x0] =	vst.idx.add.f32.msk $0xffff, v10;
	v2 =	vunpack.i.l.bf16.f32 v9  }
0x96: {  	p0 =	seq.s32 s30, $0x31;
	v3 =	vunpack.i.u.bf16.f32 v9;
	[tilespmem:v5+s19+$0x0] =	vst.idx.add.f32.msk $0xffff, v2  }
.Ltmp4:
0x97: {  	v2 =	vunpack.i.l.bf16.f32 v8;
	[tilespmem:v6+s19+$0x0] =	vst.idx.add.f32.msk $0xffff, v3;
	(pc) =	sbr.rel @p0 .LBB2_14-.Ltmp4, $4  }
0x98: {  	v3 =	vunpack.i.u.bf16.f32 v8;
	[tilespmem:v7+s19+$0x0] =	vst.idx.add.f32.msk $0xffff, v2  }
0x99: {  	v2 =	vunpack.i.l.bf16.f32 v11;
	[tilespmem:v16+s19+$0x0] =	vst.idx.add.f32.msk $0xffff, v3  }
0x9a: {  	v3 =	vunpack.i.u.bf16.f32 v11;
	[tilespmem:v15+s19+$0x0] =	vst.idx.add.f32.msk $0xffff, v2  }
0x9b: {  	[tilespmem:v14+s19+$0x0] =	vst.idx.add.f32.msk $0xffff, v3  }
0x9c: {  	s0 =	smul.u32 $0x1900, s30;
	_ =	sdelay $0x1  }
0x9d: {  	s0 =	sshrl.u32 s0, $0x3  }
0x9e: {  	s0 =	sadd.s32 s3, s0  }
0x9f: {  	s1 =	simm.s32 $0xF000;
	s0 =	sadd.s32 $0x320, s0  }
0xa0: {  	s31 =	simm.s32 $0x10;
	s16 =	simm.s32 $0xF100;
	s21 =	sadd.s32 $0x0, s0  }
.LBB2_12:
0xa1: {  	[tilespmem:s1], [sflag:$0x1] =	stream.linear.gather [hbm4b:s21+s2], $0x80, $0x38;
	[tilespmem:$0x15880] =	vst v63  }
0xa2: {  	s21 =	smov.u32 s31;
	s1 =	smov.u32 s16;
	p1 =	sne.s32 s31, $0x180  }
.Ltmp5:
0xa3: {  	s31 =	sadd.s32 $0x10, s31;
	(pc) =	sbr.rel @p1 .LBB2_12-.Ltmp5, $2  }
0xa4: {  	_ =	sdelay $0x2  }
0xa5: {  	s16 =	sadd.s32 $0x100, s16;
	s21 =	sadd.s32 s21, s0  }
0xa6: {  	[tilespmem:s1], [sflag:$0x1] =	stream.linear.gather [hbm4b:s21+s2], $0x80, $0x38;
	[tilespmem:$0x15880] =	vst v63  }
.LBB2_14:
0xa7: {  	p1 =	por $0x0, $0x0;
	s0 =	simm.s32 $0x1  }
0xa8: {  	s0 =	simm.s32 @!p1 $0x0  }
0xa9: {  	_ =	swait.ge [sflag:s20], $0xC80;
	s0 =	sshll.u32 s0, $0x6  }
0xaa: {  	[sflag:s20] =	ssyncset.done $0x0;
	s0 =	sadd.s32 $0x0, s0  }
0xab: {  	[sflag:s20] =	ssyncadd.s32 $0xFFFFF380;
	s1 =	sor.u32 $0xB0, s0  }
0xac: {  	v2 =	vld [tilespmem:s1+$0xF000];
	_ =	sdelay $0x1  }
0xad: {  	s22 =	sor.u32 $0x80, s0  }
0xae: {  	s16 =	sor.u32 $0x90, s0;
	v3 =	vld [tilespmem:s22+$0xF000]  }
0xaf: {  	s0 =	sor.u32 $0xA0, s0;
	v4 =	vld [tilespmem:s16+$0xF000]  }
0xb0: {  	v5 =	vld [tilespmem:s0+$0xF000];
	v6 =	vunpack.i.l.s16.s32 v2;
	_ =	sdelay $0x2  }
0xb1: {  	v7 =	vunpack.i.l.s16.s32 v3  }
0xb2: {  	v8 =	vunpack.i.l.s16.s32 v4  }
0xb3: {  	v9 =	vunpack.i.l.s16.s32 v5;
	v10 =	vld.idx.msk [tilespmem:v6+s2+$0x0], $0xffff  }
0xb4: {  	v2 =	vunpack.i.u.s16.s32 v2  }
0xb5: {  	v11 =	vadd.s32 $0x2800, v2  }
0xb6: {  	p1 =	por !p1, !p1;
	s0 =	simm.s32 $0x1;
	v12 =	vld.idx.msk [tilespmem:v7+s2+$0x0], $0xffff  }
0xb7: {  	s0 =	simm.s32 @!p1 $0x0;
	v6 =	vadd.s32 $0x2800, v6;
	v13 =	vld.idx.msk [tilespmem:v8+s2+$0x0], $0xffff  }
0xb8: {  	s0 =	sshll.u32 s0, $0x6;
	v3 =	vunpack.i.u.s16.s32 v3;
	v15 =	vld.idx.msk [tilespmem:v9+s2+$0x0], $0xffff;
	v16 =	vunpack.i.l.bf16.f32 v10  }
0xb9: {  	s0 =	sadd.s32 $0x80, s0;
	v14 =	vadd.s32 $0x2800, v3;
	v10 =	vunpack.i.u.bf16.f32 v10;
	[tilespmem:v2+s19+$0x0] =	vst.idx.add.f32.msk $0xffff, v16  }
0xba: {  	s16 =	sor.u32 $0xB0, s0;
	v4 =	vunpack.i.u.s16.s32 v4;
	[tilespmem:v11+s19+$0x0] =	vst.idx.add.f32.msk $0xffff, v10  }
0xbb: {  	v16 =	vadd.s32 $0x2800, v4;
	v10 =	vunpack.i.l.bf16.f32 v12;
	v11 =	vunpack.i.u.bf16.f32 v12;
	v12 =	vld [tilespmem:s16+$0xF000]  }
0xbc: {  	v6 =	vld.idx.msk [tilespmem:v6+s2+$0x0], $0xffff  }
0xbd: {  	v5 =	vunpack.i.u.s16.s32 v5;
	[tilespmem:v3+s19+$0x0] =	vst.idx.add.f32.msk $0xffff, v10  }
0xbe: {  	v10 =	vunpack.i.l.bf16.f32 v13;
	[tilespmem:v14+s19+$0x0] =	vst.idx.add.f32.msk $0xffff, v11  }
0xbf: {  	v11 =	vunpack.i.u.bf16.f32 v13;
	[tilespmem:v4+s19+$0x0] =	vst.idx.add.f32.msk $0xffff, v10  }
0xc0: {  	s21 =	sor.u32 $0x80, s0;
	s22 =	sor.u32 $0x90, s0;
	s0 =	sor.u32 $0xA0, s0;
	v7 =	vadd.s32 $0x2800, v7;
	[tilespmem:v16+s19+$0x0] =	vst.idx.add.f32.msk $0xffff, v11  }
0xc1: {  	v10 =	vunpack.i.l.bf16.f32 v15;
	v11 =	vadd.s32 $0x2800, v5;
	v16 =	vld [tilespmem:s0+$0xF000]  }
0xc2: {  	[tilespmem:v5+s19+$0x0] =	vst.idx.add.f32.msk $0xffff, v10;
	v10 =	vadd.s32 $0x5000, v2  }
0xc3: {  	v8 =	vadd.s32 $0x2800, v8;
	v14 =	vld [tilespmem:s22+$0xF000]  }
0xc4: {  	v9 =	vadd.s32 $0x2800, v9;
	v13 =	vld [tilespmem:s21+$0xF000]  }
0xc5: {  	v15 =	vunpack.i.u.bf16.f32 v15;
	v2 =	vadd.s32 $0x7800, v2;
	v7 =	vld.idx.msk [tilespmem:v7+s2+$0x0], $0xffff  }
0xc6: {  	[tilespmem:v11+s19+$0x0] =	vst.idx.add.f32.msk $0xffff, v15;
	v11 =	vunpack.i.l.bf16.f32 v6;
	v19 =	vunpack.i.l.s16.s32 v16  }
0xc7: {  	[tilespmem:v10+s19+$0x0] =	vst.idx.add.f32.msk $0xffff, v11;
	v10 =	vunpack.i.l.s16.s32 v12  }
0xc8: {  	v15 =	vld.idx.msk [tilespmem:v8+s2+$0x0], $0xffff;
	v11 =	vunpack.i.l.s16.s32 v14  }
0xc9: {  	v6 =	vunpack.i.u.bf16.f32 v6;
	v8 =	vadd.s32 $0x5000, v3;
	v20 =	vld.idx.msk [tilespmem:v9+s2+$0x0], $0xffff  }
0xca: {  	[tilespmem:v2+s19+$0x0] =	vst.idx.add.f32.msk $0xffff, v6;
	v6 =	vunpack.i.l.s16.s32 v13  }
0xcb: {  	v9 =	vadd.s32 $0x7800, v3;
	v26 =	vld.idx.msk [tilespmem:v19+s2+$0x0], $0xffff  }
0xcc: {  	v18 =	vadd.s32 $0x5000, v4;
	v24 =	vunpack.i.u.s16.s32 v12;
	v3 =	vadd.s32 $0x5000, v5;
	v21 =	vld.idx.msk [tilespmem:v10+s2+$0x0], $0xffff  }
0xcd: {  	v2 =	vadd.s32 $0x7800, v4;
	v4 =	vadd.s32 $0x7800, v5;
	v5 =	vunpack.i.l.bf16.f32 v7;
	v23 =	vld.idx.msk [tilespmem:v11+s2+$0x0], $0xffff  }
0xce: {  	v25 =	vunpack.i.u.s16.s32 v13;
	v27 =	vunpack.i.u.s16.s32 v14;
	[tilespmem:v8+s19+$0x0] =	vst.idx.add.f32.msk $0xffff, v5  }
0xcf: {  	v28 =	vadd.s32 $0x2800, v25;
	v13 =	vadd.s32 $0x2800, v24;
	v7 =	vunpack.i.u.bf16.f32 v7;
	v22 =	vld.idx.msk [tilespmem:v6+s2+$0x0], $0xffff  }
0xd0: {  	v29 =	vadd.s32 $0x2800, v27;
	v17 =	vunpack.i.u.s16.s32 v16;
	v5 =	vunpack.i.l.bf16.f32 v15;
	[tilespmem:v9+s19+$0x0] =	vst.idx.add.f32.msk $0xffff, v7  }
0xd1: {  	v14 =	vadd.s32 $0x2800, v10;
	v8 =	vadd.s32 $0x2800, v6;
	[tilespmem:v18+s19+$0x0] =	vst.idx.add.f32.msk $0xffff, v5;
	v6 =	vunpack.i.l.bf16.f32 v21  }
0xd2: {  	v16 =	vadd.s32 $0x7800, v27;
	v7 =	vunpack.i.u.bf16.f32 v21;
	v21 =	vunpack.i.l.bf16.f32 v23;
	[tilespmem:v24+s19+$0x0] =	vst.idx.add.f32.msk $0xffff, v6  }
0xd3: {  	v12 =	vunpack.i.u.bf16.f32 v15;
	v9 =	vadd.s32 $0x2800, v11;
	v18 =	vadd.s32 $0x2800, v17;
	[tilespmem:v27+s19+$0x0] =	vst.idx.add.f32.msk $0xffff, v21  }
0xd4: {  	v11 =	vadd.s32 $0x2800, v19;
	v5 =	vadd.s32 $0x5000, v25;
	v15 =	vunpack.i.l.bf16.f32 v22;
	[tilespmem:v13+s19+$0x0] =	vst.idx.add.f32.msk $0xffff, v7  }
0xd5: {  	v10 =	vunpack.i.u.bf16.f32 v20;
	v63 =	vunpack.i.u.bf16.f32 v23;
	v23 =	vunpack.i.l.bf16.f32 v26;
	[tilespmem:v25+s19+$0x0] =	vst.idx.add.f32.msk $0xffff, v15  }
0xd6: {  	v6 =	vadd.s32 $0x5000, v27;
	v21 =	vadd.s32 $0x7800, v24;
	v13 =	vunpack.i.l.bf16.f32 v20;
	v19 =	vld.idx.msk [tilespmem:v14+s2+$0x0], $0xffff  }
0xd7: {  	v7 =	vadd.s32 $0x7800, v25;
	v20 =	vunpack.i.u.bf16.f32 v22;
	v22 =	vadd.s32 $0x5000, v24;
	[tilespmem:v29+s19+$0x0] =	vst.idx.add.f32.msk $0xffff, v63  }
0xd8: {  	s31 =	simm.s32 $0x80;
	p1 =	por !p1, !p1;
	s0 =	simm.s32 $0x4;
	v15 =	vadd.s32 $0x7800, v17;
	v14 =	vadd.s32 $0x5000, v17;
	[tilespmem:v28+s19+$0x0] =	vst.idx.add.f32.msk $0xffff, v20;
	v20 =	vunpack.i.u.bf16.f32 v26  }
.LBB2_15:
0xd9: {  	s1 =	simm.s32 $0x1  }
0xda: {  	[tilespmem:v17+s19+$0x0] =	vst.idx.add.f32.msk $0xffff, v23;
	s1 =	simm.s32 @!p1 $0x0  }
0xdb: {  	v17 =	vunpack.i.l.bf16.f32 v19;
	s31 =	sadd.s32 $0x80, s31;
	s1 =	sshll.u32 s1, $0x6;
	[tilespmem:v18+s19+$0x0] =	vst.idx.add.f32.msk $0xffff, v20  }
0xdc: {  	s0 =	sadd.s32 $0x4, s0;
	v18 =	vunpack.i.u.bf16.f32 v19;
	s1 =	sadd.s32 s1, s31;
	[tilespmem:v22+s19+$0x0] =	vst.idx.add.f32.msk $0xffff, v17  }
0xdd: {  	p2 =	slt.u32 s0, $0xC4;
	s16 =	sor.u32 $0x80, s1;
	s21 =	sor.u32 $0xB0, s1;
	[tilespmem:v21+s19+$0x0] =	vst.idx.add.f32.msk $0xffff, v18  }
0xde: {  	s22 =	sor.u32 $0x90, s1;
	s1 =	sor.u32 $0xA0, s1;
	v19 =	vld [tilespmem:s21+$0xF000]  }
0xdf: {  	v17 =	vld [tilespmem:s16+$0xF000]  }
0xe0: {  	v18 =	vld [tilespmem:s22+$0xF000]  }
0xe1: {  	v20 =	vld [tilespmem:s1+$0xF000]  }
0xe2: {  	v21 =	vld.idx.msk [tilespmem:v8+s2+$0x0], $0xffff  }
0xe3: {  	v22 =	vunpack.i.l.s16.s32 v19;
	v23 =	vld.idx.msk [tilespmem:v9+s2+$0x0], $0xffff  }
0xe4: {  	v24 =	vunpack.i.u.s16.s32 v17;
	v25 =	vunpack.i.l.s16.s32 v17;
	v26 =	vld.idx.msk [tilespmem:v11+s2+$0x0], $0xffff  }
0xe5: {  	v27 =	vadd.s32 $0x2800, v24;
	v28 =	vunpack.i.u.s16.s32 v18;
	v29 =	vunpack.i.l.s16.s32 v18;
	[tilespmem:v2+s19+$0x0] =	vst.idx.add.f32.msk $0xffff, v12;
	v2 =	vmovc v16  }
0xe6: {  	v30 =	vadd.s32 $0x2800, v28;
	v17 =	vunpack.i.u.s16.s32 v20;
	v16 =	vunpack.i.l.s16.s32 v20;
	[tilespmem:v3+s19+$0x0] =	vst.idx.add.f32.msk $0xffff, v13;
	v3 =	vmovc v14  }
0xe7: {  	v8 =	vadd.s32 $0x2800, v25;
	v9 =	vadd.s32 $0x2800, v29;
	v18 =	vadd.s32 $0x2800, v17;
	[tilespmem:v4+s19+$0x0] =	vst.idx.add.f32.msk $0xffff, v10;
	v4 =	vmovc v15  }
0xe8: {  	v11 =	vadd.s32 $0x2800, v16;
	v31 =	vunpack.i.u.bf16.f32 v21;
	v15 =	vunpack.i.l.bf16.f32 v21;
	v20 =	vld.idx.msk [tilespmem:v22+s2+$0x0], $0xffff  }
0xe9: {  	v12 =	vunpack.i.u.bf16.f32 v23;
	v23 =	vunpack.i.l.bf16.f32 v23;
	v21 =	vld.idx.msk [tilespmem:v25+s2+$0x0], $0xffff;
	v25 =	vadd.s32 $0x5000, v24  }
0xea: {  	v32 =	vunpack.i.u.s16.s32 v19;
	v10 =	vunpack.i.u.bf16.f32 v26;
	v13 =	vunpack.i.l.bf16.f32 v26;
	v29 =	vld.idx.msk [tilespmem:v29+s2+$0x0], $0xffff  }
0xeb: {  	v34 =	vadd.s32 $0x2800, v32;
	v19 =	vadd.s32 $0x7800, v24;
	v26 =	vadd.s32 $0x5000, v28;
	v33 =	vld.idx.msk [tilespmem:v16+s2+$0x0], $0xffff  }
0xec: {  	v14 =	vadd.s32 $0x5000, v17;
	v22 =	vadd.s32 $0x2800, v22;
	v16 =	vadd.s32 $0x7800, v28;
	[tilespmem:v5+s19+$0x0] =	vst.idx.add.f32.msk $0xffff, v15;
	v5 =	vmovc v25  }
0xed: {  	v15 =	vadd.s32 $0x7800, v17;
	[tilespmem:v7+s19+$0x0] =	vst.idx.add.f32.msk $0xffff, v31;
	v7 =	vmov v19  }
0xee: {  	v19 =	vunpack.i.l.bf16.f32 v20;
	[tilespmem:v6+s19+$0x0] =	vst.idx.add.f32.msk $0xffff, v23;
	v6 =	vmov v26  }
0xef: {  	v20 =	vunpack.i.u.bf16.f32 v20;
	v25 =	vunpack.i.u.bf16.f32 v21;
	v21 =	vunpack.i.l.bf16.f32 v21;
	[tilespmem:v32+s19+$0x0] =	vst.idx.add.f32.msk $0xffff, v19  }
0xf0: {  	v26 =	vunpack.i.u.bf16.f32 v29;
	v29 =	vunpack.i.l.bf16.f32 v29;
	[tilespmem:v34+s19+$0x0] =	vst.idx.add.f32.msk $0xffff, v20  }
.Ltmp6:
0xf1: {  	v20 =	vunpack.i.u.bf16.f32 v33;
	v23 =	vunpack.i.l.bf16.f32 v33;
	v19 =	vld.idx.msk [tilespmem:v22+s2+$0x0], $0xffff;
	(pc) =	sbr.rel @p2 .LBB2_15-.Ltmp6, $4  }
0xf2: {  	[tilespmem:v24+s19+$0x0] =	vst.idx.add.f32.msk $0xffff, v21  }
0xf3: {  	v22 =	vadd.s32 $0x5000, v32;
	[tilespmem:v27+s19+$0x0] =	vst.idx.add.f32.msk $0xffff, v25  }
0xf4: {  	v21 =	vadd.s32 $0x7800, v32;
	[tilespmem:v28+s19+$0x0] =	vst.idx.add.f32.msk $0xffff, v29  }
0xf5: {  	p1 =	por !p1, !p1;
	[tilespmem:v30+s19+$0x0] =	vst.idx.add.f32.msk $0xffff, v26  }
0xf6: {  	_ =	sdelay $0x3  }
0xf7: {  	[tilespmem:v17+s19+$0x0] =	vst.idx.add.f32.msk $0xffff, v23  }
0xf8: {  	v8 =	vld.idx.msk [tilespmem:v8+s2+$0x0], $0xffff  }
0xf9: {  	v9 =	vld.idx.msk [tilespmem:v9+s2+$0x0], $0xffff  }
0xfa: {  	[tilespmem:v2+s19+$0x0] =	vst.idx.add.f32.msk $0xffff, v12  }
0xfb: {  	[tilespmem:v3+s19+$0x0] =	vst.idx.add.f32.msk $0xffff, v13  }
0xfc: {  	v62 =	vunpack.i.l.bf16.f32 v19;
	[tilespmem:v18+s19+$0x0] =	vst.idx.add.f32.msk $0xffff, v20  }
0xfd: {  	[tilespmem:v22+s19+$0x0] =	vst.idx.add.f32.msk $0xffff, v62  }
0xfe: {  	[tilespmem:v4+s19+$0x0] =	vst.idx.add.f32.msk $0xffff, v10  }
0xff: {  	v63 =	vunpack.i.u.bf16.f32 v19;
	v11 =	vld.idx.msk [tilespmem:v11+s2+$0x0], $0xffff  }
0x100: {  	[tilespmem:v21+s19+$0x0] =	vst.idx.add.f32.msk $0xffff, v63;
	v2 =	vunpack.i.l.bf16.f32 v8  }
0x101: {  	v3 =	vunpack.i.u.bf16.f32 v8;
	[tilespmem:v5+s19+$0x0] =	vst.idx.add.f32.msk $0xffff, v2  }
.Ltmp7:
0x102: {  	v2 =	vunpack.i.l.bf16.f32 v9;
	[tilespmem:v7+s19+$0x0] =	vst.idx.add.f32.msk $0xffff, v3;
	(pc) =	sbr.rel @p0 .LBB2_20-.Ltmp7, $4  }
0x103: {  	v3 =	vunpack.i.u.bf16.f32 v9;
	[tilespmem:v6+s19+$0x0] =	vst.idx.add.f32.msk $0xffff, v2  }
0x104: {  	v2 =	vunpack.i.l.bf16.f32 v11;
	[tilespmem:v16+s19+$0x0] =	vst.idx.add.f32.msk $0xffff, v3  }
0x105: {  	v3 =	vunpack.i.u.bf16.f32 v11;
	[tilespmem:v14+s19+$0x0] =	vst.idx.add.f32.msk $0xffff, v2  }
0x106: {  	[tilespmem:v15+s19+$0x0] =	vst.idx.add.f32.msk $0xffff, v3  }
0x107: {  	s0 =	smul.u32 $0x1900, s30;
	_ =	sdelay $0x1  }
0x108: {  	s0 =	sshrl.u32 s0, $0x3  }
0x109: {  	s0 =	sadd.s32 s3, s0  }
0x10a: {  	s1 =	simm.s32 $0xF080;
	s0 =	sadd.s32 $0x4B0, s0  }
0x10b: {  	s31 =	simm.s32 $0x10;
	s16 =	simm.s32 $0xF180;
	s21 =	sadd.s32 $0x0, s0  }
.LBB2_18:
0x10c: {  	[tilespmem:s1], [sflag:$0x2] =	stream.linear.gather [hbm4b:s21+s2], $0x80, $0x38;
	[tilespmem:$0x15880] =	vst v63  }
0x10d: {  	s21 =	smov.u32 s31;
	s1 =	smov.u32 s16;
	p0 =	sne.s32 s31, $0x180  }
.Ltmp8:
0x10e: {  	s31 =	sadd.s32 $0x10, s31;
	(pc) =	sbr.rel @p0 .LBB2_18-.Ltmp8, $2  }
0x10f: {  	_ =	sdelay $0x2  }
0x110: {  	s16 =	sadd.s32 $0x100, s16;
	s21 =	sadd.s32 s21, s0  }
.Ltmp9:
0x111: {  	(pc) =	sbr.rel .LBB2_8-.Ltmp9, $3  }
0x112: {  	_ =	sdelay $0x1  }
0x113: {  	[tilespmem:s1], [sflag:$0x2] =	stream.linear.gather [hbm4b:s21+s2], $0x80, $0x38;
	[tilespmem:$0x15880] =	vst v63  }
0x114: {  	s30 =	sadd.s32 $0x1, s30  }
.LBB2_20:
0x115: {  	[hbm4b:s7+s14] =	stream.strided.scatter [tilespmem:s19], [sflag:$0x3], $0x2800, s15, s14, $0x38;
	[tilespmem:$0x15880] =	vst v63  }
0x116: {  	s0 =	simm.s32 $0x7800  }
0x117: {  	[hbm4b:s8+s14] =	stream.strided.scatter [tilespmem:s0], [sflag:$0x3], $0x2800, s15, s14, $0x38;
	[tilespmem:$0x15880] =	vst v63  }
0x118: {  	s31 =	simm.s32 $0xA000  }
0x119: {  	[hbm4b:s9+s14] =	stream.strided.scatter [tilespmem:s31], [sflag:$0x3], $0x2800, s15, s14, $0x38;
	[tilespmem:$0x15880] =	vst v63  }
0x11a: {  	_ = 	snop  }
0x11b: {  	[hbm4b:s10+s14] =	stream.strided.scatter [tilespmem:s23], [sflag:$0x3], $0x2800, s15, s14, $0x38;
	[tilespmem:$0x15880] =	vst v63  }
0x11c: {  	_ = 	snop  }
0x11d: {  	[tilespmem:s24], [sflag:$0x4] =	stream.linear.gather [hbm4b:s11+s2], $0x2710, $0x38;
	[tilespmem:$0x15880] =	vst v63  }
0x11e: {  	_ =	swait.ge [sflag:s25], $0x2710  }
0x11f: {  	[sflag:s25] =	ssyncset.done $0x0  }
0x120: {  	s0 =	simm.s32 $0x10940;
	[sflag:s25] =	ssyncadd.s32 $0xFFFFD8F0  }
0x121: {  	[tilespmem:s0+$0xFFFFFFC0] =	vst v0  }
0x122: {  	[tilespmem:s0+$0x30] =	vst v0  }
0x123: {  	[tilespmem:s0+$0x20] =	vst v0  }
0x124: {  	[tilespmem:s0+$0x10] =	vst v0  }
0x125: {  	[tilespmem:s0+$0x0] =	vst v0  }
0x126: {  	[tilespmem:s0+$0xFFFFFFF0] =	vst v0  }
0x127: {  	s29 =	simm.s32 $0x0;
	s1 =	simm.s32 $0x13120;
	[tilespmem:s0+$0xFFFFFFE0] =	vst v0  }
.LBB2_21:
0x128: {  	s29 =	sadd.s32 $0x8, s29;
	[tilespmem:s0+$0xFFFFFFD0] =	vst v0;
	s0 =	sadd.s32 $0x80, s0  }
0x129: {  	[tilespmem:s0+$0xFFFFFFC0] =	vst v0;
	p0 =	slt.u32 s29, $0x278  }
0x12a: {  	[tilespmem:s0+$0x30] =	vst v0  }
.Ltmp10:
0x12b: {  	[tilespmem:s0+$0x20] =	vst v0;
	(pc) =	sbr.rel @p0 .LBB2_21-.Ltmp10, $4  }
0x12c: {  	[tilespmem:s0+$0x10] =	vst v0  }
0x12d: {  	[tilespmem:s0+$0x0] =	vst v0  }
0x12e: {  	[tilespmem:s0+$0xFFFFFFF0] =	vst v0  }
0x12f: {  	[tilespmem:s0+$0xFFFFFFE0] =	vst v0  }
0x130: {  	[tilespmem:s0+$0xFFFFFFD0] =	vst v0  }
0x131: {  	v2 =	vld [tilespmem:s1+$0x10];
	_ =	sdelay $0x1  }
0x132: {  	v6 =	vld [tilespmem:s1+$0xFFFFFFF0]  }
0x133: {  	v3 =	vld [tilespmem:s1+$0x0]  }
0x134: {  	v5 =	vld [tilespmem:s1+$0xFFFFFFE0]  }
0x135: {  	v4 =	vunpack.i.u.s16.s32 v2;
	_ =	sdelay $0x1  }
0x136: {  	s0 =	simm.s32 $0x0;
	s1 =	simm.s32 $0x13160;
	v2 =	vunpack.i.u.s16.s32 v6  }
.LBB2_23:
0x137: {  	v6 =	vld [tilespmem:s1+$0x10];
	s0 =	sadd.s32 $0x4, s0;
	v7 =	vunpack.i.u.s16.s32 v3  }
0x138: {  	v8 =	vld [tilespmem:s1+$0xFFFFFFF0];
	p0 =	slt.u32 s0, $0x26C;
	v9 =	vunpack.i.u.s16.s32 v5  }
0x139: {  	[tilespmem:v4+s26+$0x0] =	vst.idx.add.f32.msk $0xffff, v1  }
.Ltmp11:
0x13a: {  	v3 =	vld [tilespmem:s1+$0x0];
	(pc) =	sbr.rel @p0 .LBB2_23-.Ltmp11, $4  }
0x13b: {  	v5 =	vld [tilespmem:s1+$0xFFFFFFE0]  }
0x13c: {  	v4 =	vunpack.i.u.s16.s32 v6;
	[tilespmem:v2+s26+$0x0] =	vst.idx.add.f32.msk $0xffff, v1  }
0x13d: {  	v2 =	vunpack.i.u.s16.s32 v8;
	[tilespmem:v9+s26+$0x0] =	vst.idx.add.f32.msk $0xffff, v1  }
0x13e: {  	s1 =	sadd.s32 $0x40, s1;
	[tilespmem:v7+s26+$0x0] =	vst.idx.add.f32.msk $0xffff, v1  }
0x13f: {  	_ = 	snop  }
0x140: {  	v3 =	vunpack.i.u.s16.s32 v3  }
0x141: {  	v5 =	vunpack.i.u.s16.s32 v5;
	_ =	sdelay $0x1  }
0x142: {  	[tilespmem:v4+s26+$0x0] =	vst.idx.add.f32.msk $0xffff, v1  }
0x143: {  	[tilespmem:v2+s26+$0x0] =	vst.idx.add.f32.msk $0xffff, v1  }
0x144: {  	[tilespmem:v3+s26+$0x0] =	vst.idx.add.f32.msk $0xffff, v1  }
0x145: {  	[tilespmem:v5+s26+$0x0] =	vst.idx.add.f32.msk $0xffff, v1  }
0x146: {  	v2 =	vld [tilespmem:$0x15800];
	_ =	sdelay $0x4  }
0x147: {  	v2 =	vunpack.i.u.s16.s32 v2;
	_ =	sdelay $0x4  }
0x148: {  	[tilespmem:v2+s26+$0x0] =	vst.idx.add.f32.msk $0xffff, v1  }
0x149: {  	[hbm4b:s12+s14] =	stream.strided.scatter [tilespmem:s26], [sflag:$0x4], $0x2800, s15, s14, $0x38;
	[tilespmem:$0x15880] =	vst v63  }
0x14a: {  	_ =	swait.ge [sflag:s25], $0x2800  }
0x14b: {  	[sflag:s25] =	ssyncset.done $0x0  }
0x14c: {  	[sflag:s25] =	ssyncadd.s32 $0xFFFFD800  }
0x14d: {  	_ =	swait.ge [sflag:s17], $0x2800  }
0x14e: {  	[sflag:s17] =	ssyncset.done $0x0  }
0x14f: {  	[sflag:s17] =	ssyncadd.s32 $0xFFFFD800  }
0x150: {  	_ =	swait.ge [sflag:s17], $0x2800  }
0x151: {  	[sflag:s17] =	ssyncset.done $0x0  }
0x152: {  	s28 =	sadd.s32 $0x1, s28;
	[sflag:s17] =	ssyncadd.s32 $0xFFFFD800  }
0x153: {  	p0 =	sne.s32 s28, s13;
	_ =	swait.ge [sflag:s17], $0x2800  }
.Ltmp12:
0x154: {  	[sflag:s17] =	ssyncset.done $0x0;
	(pc) =	sbr.rel @p0 .LBB2_1-.Ltmp12, $4  }
0x155: {  	[sflag:s17] =	ssyncadd.s32 $0xFFFFD800  }
0x156: {  	_ =	swait.ge [sflag:s17], $0x2800  }
0x157: {  	[sflag:s17] =	ssyncset.done $0x0  }
0x158: {  	[sflag:s17] =	ssyncadd.s32 $0xFFFFD800  }
0x159: {  	_ =	sfence.sel $0x180000  }
0x15a: {  	[bflag:$0x0] =	sbarrier.arrive $0xFFFF  }
0x15b: {  	_ =	strace $0x90000047  }
0x15c: {  	s0 =	stileid.u32;
	[bflag:$0x2] =	sbarrier.arrive $0xFFFF  }
0x15d: {  	p0 =	sne.s32 s0, $0x0;
	s0 =	rddreg [dreg:$0x2]  }
0x15e: {  	s0 =	sadd.s32 @!p0 $0x100000, s0  }
0x15f: {  	[sflag:s0] =	ssyncadd.tile.s32 @!p0 $0x1;
	_ =	shalt  }
.Lfunc_end2:
_tile_overlayer_lowered:
.L_overlay_start_2:
0x160: {  	(tag) =	ssettag $0x2  }
0x161: {  	s0 =	rddreg [dreg:$0x0];
	s2 =	stileid.u32  }
0x162: {  	s1 =	rddreg [dreg:$0x1];
	p0 =	sne.s32 s2, $0x0  }
0x163: {  	s3 =	rddreg [dreg:$0x2];
	[bflag:$0x3] =	sbarrier.arrive $0xFFFF;
	s2 =	simm.s32 @!p0 $0x1C04  }
0x164: {  	[timem:s3], [sflag:s2] =	dma.local @!p0 [hbm:s0], s1  }
0x165: {  	s0 =	simm.s32 @!p0 $0x4  }
0x166: {  	_ =	swait.ge @!p0 [sflag:s0], s1  }
0x167: {  	s1 =	ssub.s32 @!p0 $0x0, s1;
	[sflag:s0] =	ssyncset.done @!p0 $0x0  }
0x168: {  	[sflag:s0] =	ssyncadd.s32 @!p0 s1  }
0x169: {  	[bflag:$0x3] =	sbarrier.arrive $0xFFFF  }
0x16a: {  	_ =	shalt  }

</sc_bundles>
